<compile_context>
chip_gen: v7x
topology: tpu7x:2x2x1
jax: 0.10.2.dev20260603
libtpu: 0.0.44.dev20260713+nightly
codegen_flags: <defaults>
</compile_context>

<pallas_src>
import functools

import jax
import jax.numpy as jnp
from jax import lax
from jax.experimental import pallas as pl
from jax.experimental.pallas import tpu as pltpu
from jax.experimental.pallas import tpu_sc as plsc

NC = 2
NS = 16
NW = NC * NS
LANES = 16

DW = 8


def _sc_deg_kernel(n_nodes, n_edges, chunk, n_chunks):
    npt = n_nodes // NS

    mesh = plsc.VectorSubcoreMesh(core_axis_name="c", subcore_axis_name="s")

    @functools.partial(
        pl.kernel,
        out_type=jax.ShapeDtypeStruct((NC * n_nodes, DW), jnp.float32),
        mesh=mesh,
        scratch_types=[
            pltpu.VMEM((n_chunks, chunk), jnp.int32),
            pltpu.VMEM((chunk, DW), jnp.float32),
            pltpu.VMEM((npt, DW), jnp.float32),
            pltpu.VMEM_SHARED((n_nodes, DW), jnp.float32),
            pltpu.SemaphoreType.DMA,
        ],
        compiler_params=pltpu.CompilerParams(use_tc_tiling_on_sc=False),
    )
    def deg_kernel(edge_hbm, ones_hbm, zero_hbm, out_hbm,
                   dst_v, ones_v, zbuf, acc_sh, dsem):
        c = lax.axis_index("c")
        s = lax.axis_index("s")

        pltpu.sync_copy(edge_hbm.at[1, s, pl.ds(c * n_chunks, n_chunks)],
                        dst_v)
        pltpu.sync_copy(ones_hbm, ones_v)
        pltpu.sync_copy(zero_hbm.at[pl.ds(s * npt, npt)], zbuf)
        pltpu.sync_copy(zbuf, acc_sh.at[pl.ds(s * npt, npt)])
        plsc.subcore_barrier()

        wave = 8

        def scat(i, _):
            for t in range(wave):
                j = i * wave + t
                pltpu.async_copy(
                    ones_v, acc_sh.at[dst_v.at[j]], dsem, add=True)
            for t in range(wave):
                j = i * wave + t
                pltpu.make_async_copy(
                    ones_v, acc_sh.at[dst_v.at[j]], dsem).wait()
            return 0

        lax.fori_loop(0, n_chunks // wave, scat, 0)
        plsc.subcore_barrier()

        pltpu.sync_copy(acc_sh.at[pl.ds(s * npt, npt)], zbuf)
        pltpu.sync_copy(zbuf, out_hbm.at[pl.ds(c * n_nodes + s * npt, npt)])

    return deg_kernel


def _sc_msg_kernel(n_nodes, dh, chunk, n_chunks):
    npt = n_nodes // NS
    cpb = npt // chunk

    mesh = plsc.VectorSubcoreMesh(core_axis_name="c", subcore_axis_name="s")

    @functools.partial(
        pl.kernel,
        out_type=jax.ShapeDtypeStruct((n_nodes, 2 * dh), jnp.float32),
        mesh=mesh,
        scratch_types=[
            pltpu.VMEM((n_chunks, chunk), jnp.int32),
            pltpu.VMEM((n_chunks, chunk), jnp.int32),
            pltpu.VMEM((chunk, dh), jnp.float32),
            pltpu.VMEM((chunk, dh), jnp.float32),
            pltpu.VMEM((chunk, dh), jnp.float32),
            pltpu.VMEM((chunk, dh), jnp.float32),
            pltpu.VMEM_SHARED((n_nodes, dh), jnp.float32),
            pltpu.SemaphoreType.DMA,
            pltpu.SemaphoreType.DMA,
            pltpu.SemaphoreType.DMA,
            pltpu.SemaphoreType.DMA,
            pltpu.SemaphoreType.DMA,
            pltpu.SemaphoreType.DMA,
            pltpu.SemaphoreType.DMA,
            pltpu.SemaphoreType.DMA,
        ],
        compiler_params=pltpu.CompilerParams(use_tc_tiling_on_sc=False),
    )
    def msg_kernel(edge_hbm, y2_hbm, out_hbm,
                   src_v, dst_v, buf0, buf1, buf2, buf3, acc_sh,
                   gs0, gs1, gs2, gs3, ss0, ss1, ss2, ss3):
        c = lax.axis_index("c")
        s = lax.axis_index("s")

        pltpu.sync_copy(edge_hbm.at[0, s], src_v)
        pltpu.sync_copy(edge_hbm.at[1, s], dst_v)

        for kb in range(cpb):
            base = s * npt + kb * chunk
            pltpu.sync_copy(y2_hbm.at[c, pl.ds(base, chunk)], buf0)
            pltpu.sync_copy(buf0, acc_sh.at[pl.ds(base, chunk)])
        plsc.subcore_barrier()

        nbuf = 4
        bufs = (buf0, buf1, buf2, buf3)
        gsems = (gs0, gs1, gs2, gs3)
        ssems = (ss0, ss1, ss2, ss3)

        def run_pipeline(y_hbm):
            for b in range(nbuf):
                pltpu.async_copy(y_hbm.at[src_v.at[b]], bufs[b], gsems[b])

            def step(i, _):
                for b in range(nbuf):
                    j = i * nbuf + b
                    pltpu.make_async_copy(
                        y_hbm.at[src_v.at[j]], bufs[b], gsems[b]).wait()
                    pltpu.async_copy(
                        bufs[b], acc_sh.at[dst_v.at[j]], ssems[b], add=True)
                for b in range(nbuf):
                    j = i * nbuf + b
                    pltpu.make_async_copy(
                        bufs[b], acc_sh.at[dst_v.at[j]], ssems[b]).wait()
                    nj = j + nbuf

                    @pl.when(nj < n_chunks)
                    def _():
                        pltpu.async_copy(
                            y_hbm.at[src_v.at[nj]], bufs[b], gsems[b])
                return 0

            lax.fori_loop(0, n_chunks // nbuf, step, 0)

        @pl.when(c == 0)
        def _():
            run_pipeline(y2_hbm.at[0])

        @pl.when(c == 1)
        def _():
            run_pipeline(y2_hbm.at[1])

        plsc.subcore_barrier()

        for kb in range(cpb):
            base = s * npt + kb * chunk
            pltpu.sync_copy(acc_sh.at[pl.ds(base, chunk)], buf0)
            pltpu.sync_copy(
                buf0, out_hbm.at[pl.ds(base, chunk), pl.ds(c * dh, dh)])

    return msg_kernel


def _tc_xw(x, W):
    n, d_in = x.shape
    d_out = W.shape[1]
    blk = 1000
    nblk = n // blk

    def body(x_ref, w_ref, o_ref):
        o_ref[...] = jnp.dot(x_ref[...], w_ref[...],
                             preferred_element_type=jnp.float32)

    return pl.pallas_call(
        body,
        grid=(nblk,),
        in_specs=[
            pl.BlockSpec((blk, d_in), lambda i: (i, 0)),
            pl.BlockSpec((d_in, d_out), lambda i: (0, 0)),
        ],
        out_specs=pl.BlockSpec((blk, d_out), lambda i: (i, 0)),
        out_shape=jax.ShapeDtypeStruct((n, d_out), jnp.float32),
    )(x, W)


def _tc_scale(xw, deg_parts):
    n, d_out = xw.shape
    dh = d_out // 2
    blk = 1000
    nblk = n // blk

    def body(x_ref, d0_ref, d1_ref, y_ref):
        deg = d0_ref[:, 0:1] + d1_ref[:, 0:1] + 1.0
        y = x_ref[...] * lax.rsqrt(deg)
        y_ref[0, :, :] = y[:, 0:dh]
        y_ref[1, :, :] = y[:, dh:d_out]

    return pl.pallas_call(
        body,
        grid=(nblk,),
        in_specs=[
            pl.BlockSpec((blk, d_out), lambda i: (i, 0)),
            pl.BlockSpec((blk, DW), lambda i: (i, 0)),
            pl.BlockSpec((blk, DW), lambda i: (i + nblk, 0)),
        ],
        out_specs=pl.BlockSpec((2, blk, dh), lambda i: (0, i, 0)),
        out_shape=jax.ShapeDtypeStruct((2, n, dh), jnp.float32),
    )(xw, deg_parts, deg_parts)


def _tc_final(acc_parts, deg_parts, b, pg_rows, k_keep):
    n, d = acc_parts.shape

    def body(acc_ref, dg_ref, b_ref, pg_ref, out_ref):
        acc = acc_ref[...]
        deg = dg_ref[0:n, 0:1] + dg_ref[n:2 * n, 0:1] + 1.0
        h = jnp.maximum(acc * lax.rsqrt(deg) + b_ref[...], 0.0)

        pg = pg_ref[...]
        p_vec = pg[0:1, :]
        p_norm = jnp.sqrt(jnp.sum(p_vec * p_vec))
        sg = lax.dot_general(pg, h, (((1,), (1,)), ((), ())),
                             preferred_element_type=jnp.float32)
        s_raw = sg[0:1, :]
        g_raw = sg[1:2, :]
        score = jnp.tanh(s_raw / p_norm)
        score = jnp.where(score == 0.0, 0.0, score)

        bits = lax.bitcast_convert_type(score, jnp.uint32)
        ukey = jnp.where(score < 0.0, ~bits, bits | jnp.uint32(0x80000000))

        def tstep(i, t):
            bit = (31 - i).astype(jnp.uint32)
            cand = t | (jnp.uint32(1) << bit)
            cnt = jnp.sum((ukey >= cand).astype(jnp.int32))
            return jnp.where(cnt >= k_keep, cand, t)

        t = lax.fori_loop(0, 32, tstep, jnp.uint32(0))

        mask_gt = ukey > t
        m = k_keep - jnp.sum(mask_gt.astype(jnp.int32))
        tie = ukey == t
        idx = lax.broadcasted_iota(jnp.int32, (1, n), 1)

        def jstep(i, ans):
            cand = ans | (jnp.int32(1) << (13 - i))
            cnt = jnp.sum((tie & (idx <= cand - 1)).astype(jnp.int32))
            return jnp.where(cnt < m, cand, ans)

        jstar = lax.fori_loop(0, 14, jstep, jnp.int32(0))
        sel = mask_gt | (tie & (idx <= jstar))

        g = score * g_raw
        gmax = jnp.max(jnp.where(sel, g, -jnp.inf))
        e = jnp.where(sel, jnp.exp(g - gmax), 0.0)
        zsum = jnp.sum(e)
        w_row = e * score * (1.0 / zsum)
        out_ref[...] = lax.dot_general(
            w_row, h, (((1,), (0,)), ((), ())),
            preferred_element_type=jnp.float32)

    return pl.pallas_call(
        body,
        out_shape=jax.ShapeDtypeStruct((1, d), jnp.float32),
    )(acc_parts, deg_parts, b, pg_rows)


def kernel(x, edge_index, W, b, p, gate_w, gate_b):
    n, d_in = x.shape
    d_out = W.shape[1]
    e = edge_index.shape[1]
    k_keep = -(-4 * n // 5)

    chunk = 125
    nch_deg = e // (NW * chunk)
    nch_msg = e // (NS * chunk)
    edges_msg = edge_index.reshape(2, NS, nch_msg, chunk)

    ones_rows = jnp.ones((chunk, DW), jnp.float32)
    zero_rows = jnp.zeros((n, DW), jnp.float32)

    xw = _tc_xw(x, W)
    deg_parts = _sc_deg_kernel(n, e, chunk, nch_deg)(
        edges_msg, ones_rows, zero_rows)
    y2 = _tc_scale(xw, deg_parts)
    acc_parts = _sc_msg_kernel(n, d_out // 2, chunk, nch_msg)(edges_msg, y2)

    pg_rows = jnp.concatenate(
        [p.reshape(1, d_out), gate_w.reshape(1, d_out)], axis=0)
    out = _tc_final(acc_parts, deg_parts,
                    b.reshape(1, d_out), pg_rows, k_keep)
    return out

# --- scband reference (transcript-rebuilt; emitter-appended) ---
"""Pipeline reference for scband-graph-conv-encoder-62483184222413 (READ-ONLY COPY).

The authoritative reference and input builder live on the scoring server;
editing this copy changes nothing except your own understanding.
"""

import jax, jax.numpy as jnp
import numpy as np

N = 10000
E = 320000
D_IN = 128
D_OUT = 128
RATIO = 0.8
K = int(np.ceil(RATIO * N))


def setup_inputs(seed: int = 0) -> dict:
    key = jax.random.key(seed)
    k1, k2, k3, k4, k5 = jax.random.split(key, 5)
    x = jax.random.normal(k1, (N, D_IN), dtype=jnp.float32)
    edge_index = jax.random.randint(k2, (2, E), 0, N, dtype=jnp.int32)
    # GCNConv weight (glorot-ish) and bias
    W = jax.random.normal(k3, (D_IN, D_OUT), dtype=jnp.float32) * (1.0 / np.sqrt(D_IN))
    b = jnp.zeros((D_OUT,), dtype=jnp.float32)
    # TopKPooling projection vector
    p = jax.random.normal(k4, (D_OUT,), dtype=jnp.float32) * (1.0 / np.sqrt(D_OUT))
    # GlobalAttention gate_nn = Linear(D_OUT, 1)
    gate_w = jax.random.normal(k5, (D_OUT, 1), dtype=jnp.float32) * (1.0 / np.sqrt(D_OUT))
    gate_b = jnp.zeros((1,), dtype=jnp.float32)
    return {"x": x, "edge_index": edge_index, "W": W, "b": b, "p": p,
            "gate_w": gate_w, "gate_b": gate_b}


def _gcn_conv(x, edge_index, W, b):
    n = x.shape[0]
    loop = jnp.arange(n, dtype=edge_index.dtype)
    src = jnp.concatenate([edge_index[0], loop])
    dst = jnp.concatenate([edge_index[1], loop])
    deg = jnp.zeros((n,), dtype=x.dtype).at[dst].add(1.0)
    safe_deg = jnp.where(deg > 0, deg, 1.0)
    dinv = jnp.where(deg > 0, 1.0 / jnp.sqrt(safe_deg), 0.0)
    norm = dinv[src] * dinv[dst]
    xw = x @ W
    msg = xw[src] * norm[:, None]
    out = jnp.zeros((n, xw.shape[1]), dtype=x.dtype).at[dst].add(msg)
    return out + b


def reference(x, edge_index, W, b, p, gate_w, gate_b):
    # GCNConv + ReLU
    h = jax.nn.relu(_gcn_conv(x, edge_index, W, b))
    # TopKPooling(ratio=0.8): score = tanh(h @ p / ||p||); keep top ceil(0.8*N)
    score = jnp.tanh((h @ p) / jnp.linalg.norm(p))
    vals, perm = jax.lax.top_k(score, K)
    hp = h[perm] * vals[:, None]
    # GlobalAttention pool (single graph -> batch all zeros)
    gate = hp @ gate_w + gate_b            # [K, 1]
    gate = jax.nn.softmax(gate, axis=0)
    out = jnp.sum(gate * hp, axis=0, keepdims=True)  # [1, D_OUT]
    return out

if __name__ == "__main__":
    import jax
    _d = setup_inputs()
    print(jax.jit(kernel)(*tuple(_d.values())))

</pallas_src>

<mosaic_0001>
#map = affine_map<(d0, d1) -> (0, 0, 0, 0)>
#map1 = affine_map<(d0, d1) -> (0, 0)>
module attributes {stable_mosaic.version = 14 : i64} {
  func.func @deg_kernel(%arg0: i32, %arg1: i32, %arg2: memref<2x16x160x125xi32, #tpu.memory_space<hbm>>, %arg3: memref<125x8xf32, #tpu.memory_space<hbm>>, %arg4: memref<10000x8xf32, #tpu.memory_space<hbm>>, %arg5: memref<20000x8xf32, #tpu.memory_space<hbm>>, %arg6: memref<80x125xi32, #tpu.memory_space<vmem>>, %arg7: memref<125x8xf32, #tpu.memory_space<vmem>>, %arg8: memref<625x8xf32, #tpu.memory_space<vmem>>, %arg9: memref<10000x8xf32, #tpu.memory_space<vmem_shared>>, %arg10: memref<!tpu.dma_semaphore, #tpu.memory_space<semaphore_mem>>) attributes {dimension_semantics = [#tpu.dimension_semantics<core_parallel>, #tpu.dimension_semantics<subcore_parallel>], iteration_bounds = array<i64: 2, 16>, scalar_prefetch = 0 : i64, scratch_operands = 5 : i64, tpu.core_type = #tpu.core_type<sc_vector_subcore>, window_params = [{transform_indices = #map}, {transform_indices = #map1}, {transform_indices = #map1}, {transform_indices = #map1}]} {
    %mul3A = arith.constant 80 : i32
    %mul3A_0 = arith.muli %arg0, %mul3A : i32
    %run_scoped3A = arith.constant 1 : i32
    "tpu.region"() ({
      %run_scoped3A_18 = tpu.sem_alloc : memref<!tpu.dma_semaphore, #tpu.memory_space<semaphore_mem>>
      %dma_start3A = arith.constant 0 : i32
      %dma_start3A_19 = tpu.memref_slice %arg2[%run_scoped3A, %arg1, %mul3A_0, %dma_start3A] : memref<2x16x160x125xi32, #tpu.memory_space<hbm>> -> memref<1x1x80x125xi32, #tpu.memory_space<hbm>>
      %dma_start3A_20 = tpu.memref_squeeze %dma_start3A_19 : memref<1x1x80x125xi32, #tpu.memory_space<hbm>> -> memref<80x125xi32, #tpu.memory_space<hbm>>
      %dma_start3A_21 = arith.constant 0 : i32
      %dma_start3A_22 = tpu.memref_slice %arg2[%run_scoped3A, %arg1, %mul3A_0, %dma_start3A_21] : memref<2x16x160x125xi32, #tpu.memory_space<hbm>> -> memref<1x1x80x125xi32, #tpu.memory_space<hbm>>
      %dma_start3A_23 = tpu.memref_squeeze %dma_start3A_22 : memref<1x1x80x125xi32, #tpu.memory_space<hbm>> -> memref<80x125xi32, #tpu.memory_space<hbm>>
      tpu.enqueue_dma source(%dma_start3A_23 : memref<80x125xi32, #tpu.memory_space<hbm>>) target(%arg6 : memref<80x125xi32, #tpu.memory_space<vmem>>) target_semaphore(%run_scoped3A_18 : memref<!tpu.dma_semaphore, #tpu.memory_space<semaphore_mem>>)
      %dma_wait3A = arith.constant 0 : i32
      %dma_wait3A_24 = tpu.memref_slice %arg2[%run_scoped3A, %arg1, %mul3A_0, %dma_wait3A] : memref<2x16x160x125xi32, #tpu.memory_space<hbm>> -> memref<1x1x80x125xi32, #tpu.memory_space<hbm>>
      %dma_wait3A_25 = tpu.memref_squeeze %dma_wait3A_24 : memref<1x1x80x125xi32, #tpu.memory_space<hbm>> -> memref<80x125xi32, #tpu.memory_space<hbm>>
      %dma_wait3A_26 = arith.constant 0 : i32
      %dma_wait3A_27 = tpu.memref_slice %arg2[%run_scoped3A, %arg1, %mul3A_0, %dma_wait3A_26] : memref<2x16x160x125xi32, #tpu.memory_space<hbm>> -> memref<1x1x80x125xi32, #tpu.memory_space<hbm>>
      %dma_wait3A_28 = tpu.memref_squeeze %dma_wait3A_27 : memref<1x1x80x125xi32, #tpu.memory_space<hbm>> -> memref<80x125xi32, #tpu.memory_space<hbm>>
      tpu.wait_dma2 semaphore(%run_scoped3A_18 : memref<!tpu.dma_semaphore, #tpu.memory_space<semaphore_mem>>) src(%dma_wait3A_28 : memref<80x125xi32, #tpu.memory_space<hbm>>) dst(%arg6 : memref<80x125xi32, #tpu.memory_space<vmem>>)
      tpu.yield
    }) : () -> ()
    "tpu.region"() ({
      %run_scoped3A_18 = tpu.sem_alloc : memref<!tpu.dma_semaphore, #tpu.memory_space<semaphore_mem>>
      tpu.enqueue_dma source(%arg3 : memref<125x8xf32, #tpu.memory_space<hbm>>) target(%arg7 : memref<125x8xf32, #tpu.memory_space<vmem>>) target_semaphore(%run_scoped3A_18 : memref<!tpu.dma_semaphore, #tpu.memory_space<semaphore_mem>>)
      tpu.wait_dma2 semaphore(%run_scoped3A_18 : memref<!tpu.dma_semaphore, #tpu.memory_space<semaphore_mem>>) src(%arg3 : memref<125x8xf32, #tpu.memory_space<hbm>>) dst(%arg7 : memref<125x8xf32, #tpu.memory_space<vmem>>)
      tpu.yield
    }) : () -> ()
    %mul3A_1 = arith.constant 625 : i32
    %mul3A_2 = arith.muli %arg1, %mul3A_1 : i32
    "tpu.region"() ({
      %run_scoped3A_18 = tpu.sem_alloc : memref<!tpu.dma_semaphore, #tpu.memory_space<semaphore_mem>>
      %dma_start3A = arith.constant 0 : i32
      %dma_start3A_19 = tpu.memref_slice %arg4[%mul3A_2, %dma_start3A] : memref<10000x8xf32, #tpu.memory_space<hbm>> -> memref<625x8xf32, #tpu.memory_space<hbm>>
      %dma_start3A_20 = arith.constant 0 : i32
      %dma_start3A_21 = tpu.memref_slice %arg4[%mul3A_2, %dma_start3A_20] : memref<10000x8xf32, #tpu.memory_space<hbm>> -> memref<625x8xf32, #tpu.memory_space<hbm>>
      tpu.enqueue_dma source(%dma_start3A_21 : memref<625x8xf32, #tpu.memory_space<hbm>>) target(%arg8 : memref<625x8xf32, #tpu.memory_space<vmem>>) target_semaphore(%run_scoped3A_18 : memref<!tpu.dma_semaphore, #tpu.memory_space<semaphore_mem>>)
      %dma_wait3A = arith.constant 0 : i32
      %dma_wait3A_22 = tpu.memref_slice %arg4[%mul3A_2, %dma_wait3A] : memref<10000x8xf32, #tpu.memory_space<hbm>> -> memref<625x8xf32, #tpu.memory_space<hbm>>
      %dma_wait3A_23 = arith.constant 0 : i32
      %dma_wait3A_24 = tpu.memref_slice %arg4[%mul3A_2, %dma_wait3A_23] : memref<10000x8xf32, #tpu.memory_space<hbm>> -> memref<625x8xf32, #tpu.memory_space<hbm>>
      tpu.wait_dma2 semaphore(%run_scoped3A_18 : memref<!tpu.dma_semaphore, #tpu.memory_space<semaphore_mem>>) src(%dma_wait3A_24 : memref<625x8xf32, #tpu.memory_space<hbm>>) dst(%arg8 : memref<625x8xf32, #tpu.memory_space<vmem>>)
      tpu.yield
    }) : () -> ()
    %mul3A_3 = arith.constant 625 : i32
    %mul3A_4 = arith.muli %arg1, %mul3A_3 : i32
    "tpu.region"() ({
      %run_scoped3A_18 = tpu.sem_alloc : memref<!tpu.dma_semaphore, #tpu.memory_space<semaphore_mem>>
      %dma_start3A = arith.constant 0 : i32
      %dma_start3A_19 = tpu.memref_slice %arg9[%mul3A_4, %dma_start3A] : memref<10000x8xf32, #tpu.memory_space<vmem_shared>> -> memref<625x8xf32, #tpu.memory_space<vmem_shared>>
      %dma_start3A_20 = arith.constant 0 : i32
      %dma_start3A_21 = tpu.memref_slice %arg9[%mul3A_4, %dma_start3A_20] : memref<10000x8xf32, #tpu.memory_space<vmem_shared>> -> memref<625x8xf32, #tpu.memory_space<vmem_shared>>
      tpu.enqueue_dma source(%arg8 : memref<625x8xf32, #tpu.memory_space<vmem>>) target(%dma_start3A_21 : memref<625x8xf32, #tpu.memory_space<vmem_shared>>) target_semaphore(%run_scoped3A_18 : memref<!tpu.dma_semaphore, #tpu.memory_space<semaphore_mem>>)
      %dma_wait3A = arith.constant 0 : i32
      %dma_wait3A_22 = tpu.memref_slice %arg9[%mul3A_4, %dma_wait3A] : memref<10000x8xf32, #tpu.memory_space<vmem_shared>> -> memref<625x8xf32, #tpu.memory_space<vmem_shared>>
      %dma_wait3A_23 = arith.constant 0 : i32
      %dma_wait3A_24 = tpu.memref_slice %arg9[%mul3A_4, %dma_wait3A_23] : memref<10000x8xf32, #tpu.memory_space<vmem_shared>> -> memref<625x8xf32, #tpu.memory_space<vmem_shared>>
      tpu.wait_dma2 semaphore(%run_scoped3A_18 : memref<!tpu.dma_semaphore, #tpu.memory_space<semaphore_mem>>) src(%arg8 : memref<625x8xf32, #tpu.memory_space<vmem>>) dst(%dma_wait3A_24 : memref<625x8xf32, #tpu.memory_space<vmem_shared>>)
      tpu.yield
    }) : () -> ()
    %barrier3A = arith.constant 0 : index
    tpu.barrier barrier_id(%barrier3A)
    %scan3A = arith.constant 0 : i32
    %scan3A_5 = arith.constant 0 : i32
    %scan3A_6 = arith.constant 10 : i32
    %scan3A_7 = arith.addi %scan3A_5, %scan3A_6 : i32
    %scan3A_8 = arith.constant 1 : i32
    %scan3A_9 = scf.for %scan3A_18 = %scan3A_5 to %scan3A_7 step %scan3A_8 iter_args(%scan3A_19 = %scan3A) -> (i32)  : i32 {
      %mul3A_20 = arith.constant 8 : i32
      %mul3A_21 = arith.muli %scan3A_18, %mul3A_20 : i32
      %add3A_22 = arith.constant 0 : i32
      %add3A_23 = arith.addi %mul3A_21, %add3A_22 : i32
      %dma_start3A = arith.constant 0 : i32
      %dma_start3A_24 = tpu.memref_slice %arg6[%add3A_23, %dma_start3A] : memref<80x125xi32, #tpu.memory_space<vmem>> -> memref<1x125xi32, #tpu.memory_space<vmem>>
      %dma_start3A_25 = tpu.memref_squeeze %dma_start3A_24 : memref<1x125xi32, #tpu.memory_space<vmem>> -> memref<125xi32, #tpu.memory_space<vmem>>
      %dma_start3A_26 = arith.constant 0 : i32
      %dma_start3A_27 = arith.constant 0 : i32
      %dma_start3A_28 = tpu.memref_slice %arg9[%dma_start3A_26, %dma_start3A_27] : memref<10000x8xf32, #tpu.memory_space<vmem_shared>> -> memref<10000x8xf32, #tpu.memory_space<vmem_shared>>
      tpu.enqueue_indirect_dma source(%arg7 : memref<125x8xf32, #tpu.memory_space<vmem>>) target(%dma_start3A_28 : memref<10000x8xf32, #tpu.memory_space<vmem_shared>>) offsets(%dma_start3A_25 : memref<125xi32, #tpu.memory_space<vmem>>) semaphore(%arg10 : memref<!tpu.dma_semaphore, #tpu.memory_space<semaphore_mem>>) {add = true}
      %mul3A_29 = arith.constant 8 : i32
      %mul3A_30 = arith.muli %scan3A_18, %mul3A_29 : i32
      %add3A_31 = arith.constant 1 : i32
      %add3A_32 = arith.addi %mul3A_30, %add3A_31 : i32
      %dma_start3A_33 = arith.constant 0 : i32
      %dma_start3A_34 = tpu.memref_slice %arg6[%add3A_32, %dma_start3A_33] : memref<80x125xi32, #tpu.memory_space<vmem>> -> memref<1x125xi32, #tpu.memory_space<vmem>>
      %dma_start3A_35 = tpu.memref_squeeze %dma_start3A_34 : memref<1x125xi32, #tpu.memory_space<vmem>> -> memref<125xi32, #tpu.memory_space<vmem>>
      %dma_start3A_36 = arith.constant 0 : i32
      %dma_start3A_37 = arith.constant 0 : i32
      %dma_start3A_38 = tpu.memref_slice %arg9[%dma_start3A_36, %dma_start3A_37] : memref<10000x8xf32, #tpu.memory_space<vmem_shared>> -> memref<10000x8xf32, #tpu.memory_space<vmem_shared>>
      tpu.enqueue_indirect_dma source(%arg7 : memref<125x8xf32, #tpu.memory_space<vmem>>) target(%dma_start3A_38 : memref<10000x8xf32, #tpu.memory_space<vmem_shared>>) offsets(%dma_start3A_35 : memref<125xi32, #tpu.memory_space<vmem>>) semaphore(%arg10 : memref<!tpu.dma_semaphore, #tpu.memory_space<semaphore_mem>>) {add = true}
      %mul3A_39 = arith.constant 8 : i32
      %mul3A_40 = arith.muli %scan3A_18, %mul3A_39 : i32
      %add3A_41 = arith.constant 2 : i32
      %add3A_42 = arith.addi %mul3A_40, %add3A_41 : i32
      %dma_start3A_43 = arith.constant 0 : i32
      %dma_start3A_44 = tpu.memref_slice %arg6[%add3A_42, %dma_start3A_43] : memref<80x125xi32, #tpu.memory_space<vmem>> -> memref<1x125xi32, #tpu.memory_space<vmem>>
      %dma_start3A_45 = tpu.memref_squeeze %dma_start3A_44 : memref<1x125xi32, #tpu.memory_space<vmem>> -> memref<125xi32, #tpu.memory_space<vmem>>
      %dma_start3A_46 = arith.constant 0 : i32
      %dma_start3A_47 = arith.constant 0 : i32
      %dma_start3A_48 = tpu.memref_slice %arg9[%dma_start3A_46, %dma_start3A_47] : memref<10000x8xf32, #tpu.memory_space<vmem_shared>> -> memref<10000x8xf32, #tpu.memory_space<vmem_shared>>
      tpu.enqueue_indirect_dma source(%arg7 : memref<125x8xf32, #tpu.memory_space<vmem>>) target(%dma_start3A_48 : memref<10000x8xf32, #tpu.memory_space<vmem_shared>>) offsets(%dma_start3A_45 : memref<125xi32, #tpu.memory_space<vmem>>) semaphore(%arg10 : memref<!tpu.dma_semaphore, #tpu.memory_space<semaphore_mem>>) {add = true}
      %mul3A_49 = arith.constant 8 : i32
      %mul3A_50 = arith.muli %scan3A_18, %mul3A_49 : i32
      %add3A_51 = arith.constant 3 : i32
      %add3A_52 = arith.addi %mul3A_50, %add3A_51 : i32
      %dma_start3A_53 = arith.constant 0 : i32
      %dma_start3A_54 = tpu.memref_slice %arg6[%add3A_52, %dma_start3A_53] : memref<80x125xi32, #tpu.memory_space<vmem>> -> memref<1x125xi32, #tpu.memory_space<vmem>>
      %dma_start3A_55 = tpu.memref_squeeze %dma_start3A_54 : memref<1x125xi32, #tpu.memory_space<vmem>> -> memref<125xi32, #tpu.memory_space<vmem>>
      %dma_start3A_56 = arith.constant 0 : i32
      %dma_start3A_57 = arith.constant 0 : i32
      %dma_start3A_58 = tpu.memref_slice %arg9[%dma_start3A_56, %dma_start3A_57] : memref<10000x8xf32, #tpu.memory_space<vmem_shared>> -> memref<10000x8xf32, #tpu.memory_space<vmem_shared>>
      tpu.enqueue_indirect_dma source(%arg7 : memref<125x8xf32, #tpu.memory_space<vmem>>) target(%dma_start3A_58 : memref<10000x8xf32, #tpu.memory_space<vmem_shared>>) offsets(%dma_start3A_55 : memref<125xi32, #tpu.memory_space<vmem>>) semaphore(%arg10 : memref<!tpu.dma_semaphore, #tpu.memory_space<semaphore_mem>>) {add = true}
      %mul3A_59 = arith.constant 8 : i32
      %mul3A_60 = arith.muli %scan3A_18, %mul3A_59 : i32
      %add3A_61 = arith.constant 4 : i32
      %add3A_62 = arith.addi %mul3A_60, %add3A_61 : i32
      %dma_start3A_63 = arith.constant 0 : i32
      %dma_start3A_64 = tpu.memref_slice %arg6[%add3A_62, %dma_start3A_63] : memref<80x125xi32, #tpu.memory_space<vmem>> -> memref<1x125xi32, #tpu.memory_space<vmem>>
      %dma_start3A_65 = tpu.memref_squeeze %dma_start3A_64 : memref<1x125xi32, #tpu.memory_space<vmem>> -> memref<125xi32, #tpu.memory_space<vmem>>
      %dma_start3A_66 = arith.constant 0 : i32
      %dma_start3A_67 = arith.constant 0 : i32
      %dma_start3A_68 = tpu.memref_slice %arg9[%dma_start3A_66, %dma_start3A_67] : memref<10000x8xf32, #tpu.memory_space<vmem_shared>> -> memref<10000x8xf32, #tpu.memory_space<vmem_shared>>
      tpu.enqueue_indirect_dma source(%arg7 : memref<125x8xf32, #tpu.memory_space<vmem>>) target(%dma_start3A_68 : memref<10000x8xf32, #tpu.memory_space<vmem_shared>>) offsets(%dma_start3A_65 : memref<125xi32, #tpu.memory_space<vmem>>) semaphore(%arg10 : memref<!tpu.dma_semaphore, #tpu.memory_space<semaphore_mem>>) {add = true}
      %mul3A_69 = arith.constant 8 : i32
      %mul3A_70 = arith.muli %scan3A_18, %mul3A_69 : i32
      %add3A_71 = arith.constant 5 : i32
      %add3A_72 = arith.addi %mul3A_70, %add3A_71 : i32
      %dma_start3A_73 = arith.constant 0 : i32
      %dma_start3A_74 = tpu.memref_slice %arg6[%add3A_72, %dma_start3A_73] : memref<80x125xi32, #tpu.memory_space<vmem>> -> memref<1x125xi32, #tpu.memory_space<vmem>>
      %dma_start3A_75 = tpu.memref_squeeze %dma_start3A_74 : memref<1x125xi32, #tpu.memory_space<vmem>> -> memref<125xi32, #tpu.memory_space<vmem>>
      %dma_start3A_76 = arith.constant 0 : i32
      %dma_start3A_77 = arith.constant 0 : i32
      %dma_start3A_78 = tpu.memref_slice %arg9[%dma_start3A_76, %dma_start3A_77] : memref<10000x8xf32, #tpu.memory_space<vmem_shared>> -> memref<10000x8xf32, #tpu.memory_space<vmem_shared>>
      tpu.enqueue_indirect_dma source(%arg7 : memref<125x8xf32, #tpu.memory_space<vmem>>) target(%dma_start3A_78 : memref<10000x8xf32, #tpu.memory_space<vmem_shared>>) offsets(%dma_start3A_75 : memref<125xi32, #tpu.memory_space<vmem>>) semaphore(%arg10 : memref<!tpu.dma_semaphore, #tpu.memory_space<semaphore_mem>>) {add = true}
      %mul3A_79 = arith.constant 8 : i32
      %mul3A_80 = arith.muli %scan3A_18, %mul3A_79 : i32
      %add3A_81 = arith.constant 6 : i32
      %add3A_82 = arith.addi %mul3A_80, %add3A_81 : i32
      %dma_start3A_83 = arith.constant 0 : i32
      %dma_start3A_84 = tpu.memref_slice %arg6[%add3A_82, %dma_start3A_83] : memref<80x125xi32, #tpu.memory_space<vmem>> -> memref<1x125xi32, #tpu.memory_space<vmem>>
      %dma_start3A_85 = tpu.memref_squeeze %dma_start3A_84 : memref<1x125xi32, #tpu.memory_space<vmem>> -> memref<125xi32, #tpu.memory_space<vmem>>
      %dma_start3A_86 = arith.constant 0 : i32
      %dma_start3A_87 = arith.constant 0 : i32
      %dma_start3A_88 = tpu.memref_slice %arg9[%dma_start3A_86, %dma_start3A_87] : memref<10000x8xf32, #tpu.memory_space<vmem_shared>> -> memref<10000x8xf32, #tpu.memory_space<vmem_shared>>
      tpu.enqueue_indirect_dma source(%arg7 : memref<125x8xf32, #tpu.memory_space<vmem>>) target(%dma_start3A_88 : memref<10000x8xf32, #tpu.memory_space<vmem_shared>>) offsets(%dma_start3A_85 : memref<125xi32, #tpu.memory_space<vmem>>) semaphore(%arg10 : memref<!tpu.dma_semaphore, #tpu.memory_space<semaphore_mem>>) {add = true}
      %mul3A_89 = arith.constant 8 : i32
      %mul3A_90 = arith.muli %scan3A_18, %mul3A_89 : i32
      %add3A_91 = arith.constant 7 : i32
      %add3A_92 = arith.addi %mul3A_90, %add3A_91 : i32
      %dma_start3A_93 = arith.constant 0 : i32
      %dma_start3A_94 = tpu.memref_slice %arg6[%add3A_92, %dma_start3A_93] : memref<80x125xi32, #tpu.memory_space<vmem>> -> memref<1x125xi32, #tpu.memory_space<vmem>>
      %dma_start3A_95 = tpu.memref_squeeze %dma_start3A_94 : memref<1x125xi32, #tpu.memory_space<vmem>> -> memref<125xi32, #tpu.memory_space<vmem>>
      %dma_start3A_96 = arith.constant 0 : i32
      %dma_start3A_97 = arith.constant 0 : i32
      %dma_start3A_98 = tpu.memref_slice %arg9[%dma_start3A_96, %dma_start3A_97] : memref<10000x8xf32, #tpu.memory_space<vmem_shared>> -> memref<10000x8xf32, #tpu.memory_space<vmem_shared>>
      tpu.enqueue_indirect_dma source(%arg7 : memref<125x8xf32, #tpu.memory_space<vmem>>) target(%dma_start3A_98 : memref<10000x8xf32, #tpu.memory_space<vmem_shared>>) offsets(%dma_start3A_95 : memref<125xi32, #tpu.memory_space<vmem>>) semaphore(%arg10 : memref<!tpu.dma_semaphore, #tpu.memory_space<semaphore_mem>>) {add = true}
      %mul3A_99 = arith.constant 8 : i32
      %mul3A_100 = arith.muli %scan3A_18, %mul3A_99 : i32
      %add3A_101 = arith.constant 0 : i32
      %add3A_102 = arith.addi %mul3A_100, %add3A_101 : i32
      %dma_wait3A = arith.constant 0 : i32
      %dma_wait3A_103 = tpu.memref_slice %arg6[%add3A_102, %dma_wait3A] : memref<80x125xi32, #tpu.memory_space<vmem>> -> memref<1x125xi32, #tpu.memory_space<vmem>>
      %dma_wait3A_104 = tpu.memref_squeeze %dma_wait3A_103 : memref<1x125xi32, #tpu.memory_space<vmem>> -> memref<125xi32, #tpu.memory_space<vmem>>
      %dma_wait3A_105 = arith.constant 0 : i32
      %dma_wait3A_106 = arith.constant 0 : i32
      %dma_wait3A_107 = tpu.memref_slice %arg9[%dma_wait3A_105, %dma_wait3A_106] : memref<10000x8xf32, #tpu.memory_space<vmem_shared>> -> memref<10000x8xf32, #tpu.memory_space<vmem_shared>>
      tpu.wait_indirect_dma semaphore(%arg10 : memref<!tpu.dma_semaphore, #tpu.memory_space<semaphore_mem>>) src(%arg7 : memref<125x8xf32, #tpu.memory_space<vmem>>) dst(%dma_wait3A_107 : memref<10000x8xf32, #tpu.memory_space<vmem_shared>>)
      %mul3A_108 = arith.constant 8 : i32
      %mul3A_109 = arith.muli %scan3A_18, %mul3A_108 : i32
      %add3A_110 = arith.constant 1 : i32
      %add3A_111 = arith.addi %mul3A_109, %add3A_110 : i32
      %dma_wait3A_112 = arith.constant 0 : i32
      %dma_wait3A_113 = tpu.memref_slice %arg6[%add3A_111, %dma_wait3A_112] : memref<80x125xi32, #tpu.memory_space<vmem>> -> memref<1x125xi32, #tpu.memory_space<vmem>>
      %dma_wait3A_114 = tpu.memref_squeeze %dma_wait3A_113 : memref<1x125xi32, #tpu.memory_space<vmem>> -> memref<125xi32, #tpu.memory_space<vmem>>
      %dma_wait3A_115 = arith.constant 0 : i32
      %dma_wait3A_116 = arith.constant 0 : i32
      %dma_wait3A_117 = tpu.memref_slice %arg9[%dma_wait3A_115, %dma_wait3A_116] : memref<10000x8xf32, #tpu.memory_space<vmem_shared>> -> memref<10000x8xf32, #tpu.memory_space<vmem_shared>>
      tpu.wait_indirect_dma semaphore(%arg10 : memref<!tpu.dma_semaphore, #tpu.memory_space<semaphore_mem>>) src(%arg7 : memref<125x8xf32, #tpu.memory_space<vmem>>) dst(%dma_wait3A_117 : memref<10000x8xf32, #tpu.memory_space<vmem_shared>>)
      %mul3A_118 = arith.constant 8 : i32
      %mul3A_119 = arith.muli %scan3A_18, %mul3A_118 : i32
      %add3A_120 = arith.constant 2 : i32
      %add3A_121 = arith.addi %mul3A_119, %add3A_120 : i32
      %dma_wait3A_122 = arith.constant 0 : i32
      %dma_wait3A_123 = tpu.memref_slice %arg6[%add3A_121, %dma_wait3A_122] : memref<80x125xi32, #tpu.memory_space<vmem>> -> memref<1x125xi32, #tpu.memory_space<vmem>>
      %dma_wait3A_124 = tpu.memref_squeeze %dma_wait3A_123 : memref<1x125xi32, #tpu.memory_space<vmem>> -> memref<125xi32, #tpu.memory_space<vmem>>
      %dma_wait3A_125 = arith.constant 0 : i32
      %dma_wait3A_126 = arith.constant 0 : i32
      %dma_wait3A_127 = tpu.memref_slice %arg9[%dma_wait3A_125, %dma_wait3A_126] : memref<10000x8xf32, #tpu.memory_space<vmem_shared>> -> memref<10000x8xf32, #tpu.memory_space<vmem_shared>>
      tpu.wait_indirect_dma semaphore(%arg10 : memref<!tpu.dma_semaphore, #tpu.memory_space<semaphore_mem>>) src(%arg7 : memref<125x8xf32, #tpu.memory_space<vmem>>) dst(%dma_wait3A_127 : memref<10000x8xf32, #tpu.memory_space<vmem_shared>>)
      %mul3A_128 = arith.constant 8 : i32
      %mul3A_129 = arith.muli %scan3A_18, %mul3A_128 : i32
      %add3A_130 = arith.constant 3 : i32
      %add3A_131 = arith.addi %mul3A_129, %add3A_130 : i32
      %dma_wait3A_132 = arith.constant 0 : i32
      %dma_wait3A_133 = tpu.memref_slice %arg6[%add3A_131, %dma_wait3A_132] : memref<80x125xi32, #tpu.memory_space<vmem>> -> memref<1x125xi32, #tpu.memory_space<vmem>>
      %dma_wait3A_134 = tpu.memref_squeeze %dma_wait3A_133 : memref<1x125xi32, #tpu.memory_space<vmem>> -> memref<125xi32, #tpu.memory_space<vmem>>
      %dma_wait3A_135 = arith.constant 0 : i32
      %dma_wait3A_136 = arith.constant 0 : i32
      %dma_wait3A_137 = tpu.memref_slice %arg9[%dma_wait3A_135, %dma_wait3A_136] : memref<10000x8xf32, #tpu.memory_space<vmem_shared>> -> memref<10000x8xf32, #tpu.memory_space<vmem_shared>>
      tpu.wait_indirect_dma semaphore(%arg10 : memref<!tpu.dma_semaphore, #tpu.memory_space<semaphore_mem>>) src(%arg7 : memref<125x8xf32, #tpu.memory_space<vmem>>) dst(%dma_wait3A_137 : memref<10000x8xf32, #tpu.memory_space<vmem_shared>>)
      %mul3A_138 = arith.constant 8 : i32
      %mul3A_139 = arith.muli %scan3A_18, %mul3A_138 : i32
      %add3A_140 = arith.constant 4 : i32
      %add3A_141 = arith.addi %mul3A_139, %add3A_140 : i32
      %dma_wait3A_142 = arith.constant 0 : i32
      %dma_wait3A_143 = tpu.memref_slice %arg6[%add3A_141, %dma_wait3A_142] : memref<80x125xi32, #tpu.memory_space<vmem>> -> memref<1x125xi32, #tpu.memory_space<vmem>>
      %dma_wait3A_144 = tpu.memref_squeeze %dma_wait3A_143 : memref<1x125xi32, #tpu.memory_space<vmem>> -> memref<125xi32, #tpu.memory_space<vmem>>
      %dma_wait3A_145 = arith.constant 0 : i32
      %dma_wait3A_146 = arith.constant 0 : i32
      %dma_wait3A_147 = tpu.memref_slice %arg9[%dma_wait3A_145, %dma_wait3A_146] : memref<10000x8xf32, #tpu.memory_space<vmem_shared>> -> memref<10000x8xf32, #tpu.memory_space<vmem_shared>>
      tpu.wait_indirect_dma semaphore(%arg10 : memref<!tpu.dma_semaphore, #tpu.memory_space<semaphore_mem>>) src(%arg7 : memref<125x8xf32, #tpu.memory_space<vmem>>) dst(%dma_wait3A_147 : memref<10000x8xf32, #tpu.memory_space<vmem_shared>>)
      %mul3A_148 = arith.constant 8 : i32
      %mul3A_149 = arith.muli %scan3A_18, %mul3A_148 : i32
      %add3A_150 = arith.constant 5 : i32
      %add3A_151 = arith.addi %mul3A_149, %add3A_150 : i32
      %dma_wait3A_152 = arith.constant 0 : i32
      %dma_wait3A_153 = tpu.memref_slice %arg6[%add3A_151, %dma_wait3A_152] : memref<80x125xi32, #tpu.memory_space<vmem>> -> memref<1x125xi32, #tpu.memory_space<vmem>>
      %dma_wait3A_154 = tpu.memref_squeeze %dma_wait3A_153 : memref<1x125xi32, #tpu.memory_space<vmem>> -> memref<125xi32, #tpu.memory_space<vmem>>
      %dma_wait3A_155 = arith.constant 0 : i32
      %dma_wait3A_156 = arith.constant 0 : i32
      %dma_wait3A_157 = tpu.memref_slice %arg9[%dma_wait3A_155, %dma_wait3A_156] : memref<10000x8xf32, #tpu.memory_space<vmem_shared>> -> memref<10000x8xf32, #tpu.memory_space<vmem_shared>>
      tpu.wait_indirect_dma semaphore(%arg10 : memref<!tpu.dma_semaphore, #tpu.memory_space<semaphore_mem>>) src(%arg7 : memref<125x8xf32, #tpu.memory_space<vmem>>) dst(%dma_wait3A_157 : memref<10000x8xf32, #tpu.memory_space<vmem_shared>>)
      %mul3A_158 = arith.constant 8 : i32
      %mul3A_159 = arith.muli %scan3A_18, %mul3A_158 : i32
      %add3A_160 = arith.constant 6 : i32
      %add3A_161 = arith.addi %mul3A_159, %add3A_160 : i32
      %dma_wait3A_162 = arith.constant 0 : i32
      %dma_wait3A_163 = tpu.memref_slice %arg6[%add3A_161, %dma_wait3A_162] : memref<80x125xi32, #tpu.memory_space<vmem>> -> memref<1x125xi32, #tpu.memory_space<vmem>>
      %dma_wait3A_164 = tpu.memref_squeeze %dma_wait3A_163 : memref<1x125xi32, #tpu.memory_space<vmem>> -> memref<125xi32, #tpu.memory_space<vmem>>
      %dma_wait3A_165 = arith.constant 0 : i32
      %dma_wait3A_166 = arith.constant 0 : i32
      %dma_wait3A_167 = tpu.memref_slice %arg9[%dma_wait3A_165, %dma_wait3A_166] : memref<10000x8xf32, #tpu.memory_space<vmem_shared>> -> memref<10000x8xf32, #tpu.memory_space<vmem_shared>>
      tpu.wait_indirect_dma semaphore(%arg10 : memref<!tpu.dma_semaphore, #tpu.memory_space<semaphore_mem>>) src(%arg7 : memref<125x8xf32, #tpu.memory_space<vmem>>) dst(%dma_wait3A_167 : memref<10000x8xf32, #tpu.memory_space<vmem_shared>>)
      %mul3A_168 = arith.constant 8 : i32
      %mul3A_169 = arith.muli %scan3A_18, %mul3A_168 : i32
      %add3A_170 = arith.constant 7 : i32
      %add3A_171 = arith.addi %mul3A_169, %add3A_170 : i32
      %dma_wait3A_172 = arith.constant 0 : i32
      %dma_wait3A_173 = tpu.memref_slice %arg6[%add3A_171, %dma_wait3A_172] : memref<80x125xi32, #tpu.memory_space<vmem>> -> memref<1x125xi32, #tpu.memory_space<vmem>>
      %dma_wait3A_174 = tpu.memref_squeeze %dma_wait3A_173 : memref<1x125xi32, #tpu.memory_space<vmem>> -> memref<125xi32, #tpu.memory_space<vmem>>
      %dma_wait3A_175 = arith.constant 0 : i32
      %dma_wait3A_176 = arith.constant 0 : i32
      %dma_wait3A_177 = tpu.memref_slice %arg9[%dma_wait3A_175, %dma_wait3A_176] : memref<10000x8xf32, #tpu.memory_space<vmem_shared>> -> memref<10000x8xf32, #tpu.memory_space<vmem_shared>>
      tpu.wait_indirect_dma semaphore(%arg10 : memref<!tpu.dma_semaphore, #tpu.memory_space<semaphore_mem>>) src(%arg7 : memref<125x8xf32, #tpu.memory_space<vmem>>) dst(%dma_wait3A_177 : memref<10000x8xf32, #tpu.memory_space<vmem_shared>>)
      %scan3A_178 = arith.constant 0 : i32
      scf.yield %scan3A_178 : i32
    }
    %scan3A_10 = arith.constant 10 : i32
    %barrier3A_11 = arith.constant 0 : index
    tpu.barrier barrier_id(%barrier3A_11)
    %mul3A_12 = arith.constant 625 : i32
    %mul3A_13 = arith.muli %arg1, %mul3A_12 : i32
    "tpu.region"() ({
      %run_scoped3A_18 = tpu.sem_alloc : memref<!tpu.dma_semaphore, #tpu.memory_space<semaphore_mem>>
      %dma_start3A = arith.constant 0 : i32
      %dma_start3A_19 = tpu.memref_slice %arg9[%mul3A_13, %dma_start3A] : memref<10000x8xf32, #tpu.memory_space<vmem_shared>> -> memref<625x8xf32, #tpu.memory_space<vmem_shared>>
      %dma_start3A_20 = arith.constant 0 : i32
      %dma_start3A_21 = tpu.memref_slice %arg9[%mul3A_13, %dma_start3A_20] : memref<10000x8xf32, #tpu.memory_space<vmem_shared>> -> memref<625x8xf32, #tpu.memory_space<vmem_shared>>
      tpu.enqueue_dma source(%dma_start3A_21 : memref<625x8xf32, #tpu.memory_space<vmem_shared>>) target(%arg8 : memref<625x8xf32, #tpu.memory_space<vmem>>) target_semaphore(%run_scoped3A_18 : memref<!tpu.dma_semaphore, #tpu.memory_space<semaphore_mem>>)
      %dma_wait3A = arith.constant 0 : i32
      %dma_wait3A_22 = tpu.memref_slice %arg9[%mul3A_13, %dma_wait3A] : memref<10000x8xf32, #tpu.memory_space<vmem_shared>> -> memref<625x8xf32, #tpu.memory_space<vmem_shared>>
      %dma_wait3A_23 = arith.constant 0 : i32
      %dma_wait3A_24 = tpu.memref_slice %arg9[%mul3A_13, %dma_wait3A_23] : memref<10000x8xf32, #tpu.memory_space<vmem_shared>> -> memref<625x8xf32, #tpu.memory_space<vmem_shared>>
      tpu.wait_dma2 semaphore(%run_scoped3A_18 : memref<!tpu.dma_semaphore, #tpu.memory_space<semaphore_mem>>) src(%dma_wait3A_24 : memref<625x8xf32, #tpu.memory_space<vmem_shared>>) dst(%arg8 : memref<625x8xf32, #tpu.memory_space<vmem>>)
      tpu.yield
    }) : () -> ()
    %mul3A_14 = arith.constant 10000 : i32
    %mul3A_15 = arith.muli %arg0, %mul3A_14 : i32
    %mul3A_16 = arith.constant 625 : i32
    %mul3A_17 = arith.muli %arg1, %mul3A_16 : i32
    %add3A = arith.addi %mul3A_15, %mul3A_17 : i32
    "tpu.region"() ({
      %run_scoped3A_18 = tpu.sem_alloc : memref<!tpu.dma_semaphore, #tpu.memory_space<semaphore_mem>>
      %dma_start3A = arith.constant 0 : i32
      %dma_start3A_19 = tpu.memref_slice %arg5[%add3A, %dma_start3A] : memref<20000x8xf32, #tpu.memory_space<hbm>> -> memref<625x8xf32, #tpu.memory_space<hbm>>
      %dma_start3A_20 = arith.constant 0 : i32
      %dma_start3A_21 = tpu.memref_slice %arg5[%add3A, %dma_start3A_20] : memref<20000x8xf32, #tpu.memory_space<hbm>> -> memref<625x8xf32, #tpu.memory_space<hbm>>
      tpu.enqueue_dma source(%arg8 : memref<625x8xf32, #tpu.memory_space<vmem>>) target(%dma_start3A_21 : memref<625x8xf32, #tpu.memory_space<hbm>>) target_semaphore(%run_scoped3A_18 : memref<!tpu.dma_semaphore, #tpu.memory_space<semaphore_mem>>)
      %dma_wait3A = arith.constant 0 : i32
      %dma_wait3A_22 = tpu.memref_slice %arg5[%add3A, %dma_wait3A] : memref<20000x8xf32, #tpu.memory_space<hbm>> -> memref<625x8xf32, #tpu.memory_space<hbm>>
      %dma_wait3A_23 = arith.constant 0 : i32
      %dma_wait3A_24 = tpu.memref_slice %arg5[%add3A, %dma_wait3A_23] : memref<20000x8xf32, #tpu.memory_space<hbm>> -> memref<625x8xf32, #tpu.memory_space<hbm>>
      tpu.wait_dma2 semaphore(%run_scoped3A_18 : memref<!tpu.dma_semaphore, #tpu.memory_space<semaphore_mem>>) src(%arg8 : memref<625x8xf32, #tpu.memory_space<vmem>>) dst(%dma_wait3A_24 : memref<625x8xf32, #tpu.memory_space<hbm>>)
      tpu.yield
    }) : () -> ()
    return
  }
}

#map = affine_map<(d0, d1) -> (0, 0, 0, 0)>
#map1 = affine_map<(d0, d1) -> (0, 0, 0)>
#map2 = affine_map<(d0, d1) -> (0, 0)>
module attributes {stable_mosaic.version = 14 : i64} {
  func.func @msg_kernel(%arg0: i32, %arg1: i32, %arg2: memref<2x16x160x125xi32, #tpu.memory_space<hbm>>, %arg3: memref<2x10000x64xf32, #tpu.memory_space<hbm>>, %arg4: memref<10000x128xf32, #tpu.memory_space<hbm>>, %arg5: memref<160x125xi32, #tpu.memory_space<vmem>>, %arg6: memref<160x125xi32, #tpu.memory_space<vmem>>, %arg7: memref<125x64xf32, #tpu.memory_space<vmem>>, %arg8: memref<125x64xf32, #tpu.memory_space<vmem>>, %arg9: memref<125x64xf32, #tpu.memory_space<vmem>>, %arg10: memref<125x64xf32, #tpu.memory_space<vmem>>, %arg11: memref<10000x64xf32, #tpu.memory_space<vmem_shared>>, %arg12: memref<!tpu.dma_semaphore, #tpu.memory_space<semaphore_mem>>, %arg13: memref<!tpu.dma_semaphore, #tpu.memory_space<semaphore_mem>>, %arg14: memref<!tpu.dma_semaphore, #tpu.memory_space<semaphore_mem>>, %arg15: memref<!tpu.dma_semaphore, #tpu.memory_space<semaphore_mem>>, %arg16: memref<!tpu.dma_semaphore, #tpu.memory_space<semaphore_mem>>, %arg17: memref<!tpu.dma_semaphore, #tpu.memory_space<semaphore_mem>>, %arg18: memref<!tpu.dma_semaphore, #tpu.memory_space<semaphore_mem>>, %arg19: memref<!tpu.dma_semaphore, #tpu.memory_space<semaphore_mem>>) attributes {dimension_semantics = [#tpu.dimension_semantics<core_parallel>, #tpu.dimension_semantics<subcore_parallel>], iteration_bounds = array<i64: 2, 16>, scalar_prefetch = 0 : i64, scratch_operands = 15 : i64, tpu.core_type = #tpu.core_type<sc_vector_subcore>, window_params = [{transform_indices = #map}, {transform_indices = #map1}, {transform_indices = #map2}]} {
    %run_scoped3A = arith.constant 0 : i32
    "tpu.region"() ({
      %run_scoped3A_57 = tpu.sem_alloc : memref<!tpu.dma_semaphore, #tpu.memory_space<semaphore_mem>>
      %dma_start3A = arith.constant 0 : i32
      %dma_start3A_58 = arith.constant 0 : i32
      %dma_start3A_59 = tpu.memref_slice %arg2[%run_scoped3A, %arg1, %dma_start3A, %dma_start3A_58] : memref<2x16x160x125xi32, #tpu.memory_space<hbm>> -> memref<1x1x160x125xi32, #tpu.memory_space<hbm>>
      %dma_start3A_60 = tpu.memref_squeeze %dma_start3A_59 : memref<1x1x160x125xi32, #tpu.memory_space<hbm>> -> memref<160x125xi32, #tpu.memory_space<hbm>>
      %dma_start3A_61 = arith.constant 0 : i32
      %dma_start3A_62 = arith.constant 0 : i32
      %dma_start3A_63 = tpu.memref_slice %arg2[%run_scoped3A, %arg1, %dma_start3A_61, %dma_start3A_62] : memref<2x16x160x125xi32, #tpu.memory_space<hbm>> -> memref<1x1x160x125xi32, #tpu.memory_space<hbm>>
      %dma_start3A_64 = tpu.memref_squeeze %dma_start3A_63 : memref<1x1x160x125xi32, #tpu.memory_space<hbm>> -> memref<160x125xi32, #tpu.memory_space<hbm>>
      tpu.enqueue_dma source(%dma_start3A_64 : memref<160x125xi32, #tpu.memory_space<hbm>>) target(%arg5 : memref<160x125xi32, #tpu.memory_space<vmem>>) target_semaphore(%run_scoped3A_57 : memref<!tpu.dma_semaphore, #tpu.memory_space<semaphore_mem>>)
      %dma_wait3A = arith.constant 0 : i32
      %dma_wait3A_65 = arith.constant 0 : i32
      %dma_wait3A_66 = tpu.memref_slice %arg2[%run_scoped3A, %arg1, %dma_wait3A, %dma_wait3A_65] : memref<2x16x160x125xi32, #tpu.memory_space<hbm>> -> memref<1x1x160x125xi32, #tpu.memory_space<hbm>>
      %dma_wait3A_67 = tpu.memref_squeeze %dma_wait3A_66 : memref<1x1x160x125xi32, #tpu.memory_space<hbm>> -> memref<160x125xi32, #tpu.memory_space<hbm>>
      %dma_wait3A_68 = arith.constant 0 : i32
      %dma_wait3A_69 = arith.constant 0 : i32
      %dma_wait3A_70 = tpu.memref_slice %arg2[%run_scoped3A, %arg1, %dma_wait3A_68, %dma_wait3A_69] : memref<2x16x160x125xi32, #tpu.memory_space<hbm>> -> memref<1x1x160x125xi32, #tpu.memory_space<hbm>>
      %dma_wait3A_71 = tpu.memref_squeeze %dma_wait3A_70 : memref<1x1x160x125xi32, #tpu.memory_space<hbm>> -> memref<160x125xi32, #tpu.memory_space<hbm>>
      tpu.wait_dma2 semaphore(%run_scoped3A_57 : memref<!tpu.dma_semaphore, #tpu.memory_space<semaphore_mem>>) src(%dma_wait3A_71 : memref<160x125xi32, #tpu.memory_space<hbm>>) dst(%arg5 : memref<160x125xi32, #tpu.memory_space<vmem>>)
      tpu.yield
    }) : () -> ()
    %run_scoped3A_0 = arith.constant 1 : i32
    "tpu.region"() ({
      %run_scoped3A_57 = tpu.sem_alloc : memref<!tpu.dma_semaphore, #tpu.memory_space<semaphore_mem>>
      %dma_start3A = arith.constant 0 : i32
      %dma_start3A_58 = arith.constant 0 : i32
      %dma_start3A_59 = tpu.memref_slice %arg2[%run_scoped3A_0, %arg1, %dma_start3A, %dma_start3A_58] : memref<2x16x160x125xi32, #tpu.memory_space<hbm>> -> memref<1x1x160x125xi32, #tpu.memory_space<hbm>>
      %dma_start3A_60 = tpu.memref_squeeze %dma_start3A_59 : memref<1x1x160x125xi32, #tpu.memory_space<hbm>> -> memref<160x125xi32, #tpu.memory_space<hbm>>
      %dma_start3A_61 = arith.constant 0 : i32
      %dma_start3A_62 = arith.constant 0 : i32
      %dma_start3A_63 = tpu.memref_slice %arg2[%run_scoped3A_0, %arg1, %dma_start3A_61, %dma_start3A_62] : memref<2x16x160x125xi32, #tpu.memory_space<hbm>> -> memref<1x1x160x125xi32, #tpu.memory_space<hbm>>
      %dma_start3A_64 = tpu.memref_squeeze %dma_start3A_63 : memref<1x1x160x125xi32, #tpu.memory_space<hbm>> -> memref<160x125xi32, #tpu.memory_space<hbm>>
      tpu.enqueue_dma source(%dma_start3A_64 : memref<160x125xi32, #tpu.memory_space<hbm>>) target(%arg6 : memref<160x125xi32, #tpu.memory_space<vmem>>) target_semaphore(%run_scoped3A_57 : memref<!tpu.dma_semaphore, #tpu.memory_space<semaphore_mem>>)
      %dma_wait3A = arith.constant 0 : i32
      %dma_wait3A_65 = arith.constant 0 : i32
      %dma_wait3A_66 = tpu.memref_slice %arg2[%run_scoped3A_0, %arg1, %dma_wait3A, %dma_wait3A_65] : memref<2x16x160x125xi32, #tpu.memory_space<hbm>> -> memref<1x1x160x125xi32, #tpu.memory_space<hbm>>
      %dma_wait3A_67 = tpu.memref_squeeze %dma_wait3A_66 : memref<1x1x160x125xi32, #tpu.memory_space<hbm>> -> memref<160x125xi32, #tpu.memory_space<hbm>>
      %dma_wait3A_68 = arith.constant 0 : i32
      %dma_wait3A_69 = arith.constant 0 : i32
      %dma_wait3A_70 = tpu.memref_slice %arg2[%run_scoped3A_0, %arg1, %dma_wait3A_68, %dma_wait3A_69] : memref<2x16x160x125xi32, #tpu.memory_space<hbm>> -> memref<1x1x160x125xi32, #tpu.memory_space<hbm>>
      %dma_wait3A_71 = tpu.memref_squeeze %dma_wait3A_70 : memref<1x1x160x125xi32, #tpu.memory_space<hbm>> -> memref<160x125xi32, #tpu.memory_space<hbm>>
      tpu.wait_dma2 semaphore(%run_scoped3A_57 : memref<!tpu.dma_semaphore, #tpu.memory_space<semaphore_mem>>) src(%dma_wait3A_71 : memref<160x125xi32, #tpu.memory_space<hbm>>) dst(%arg6 : memref<160x125xi32, #tpu.memory_space<vmem>>)
      tpu.yield
    }) : () -> ()
    %mul3A = arith.constant 625 : i32
    %mul3A_1 = arith.muli %arg1, %mul3A : i32
    %add3A = arith.constant 0 : i32
    %add3A_2 = arith.addi %mul3A_1, %add3A : i32
    "tpu.region"() ({
      %run_scoped3A_57 = tpu.sem_alloc : memref<!tpu.dma_semaphore, #tpu.memory_space<semaphore_mem>>
      %dma_start3A = arith.constant 0 : i32
      %dma_start3A_58 = tpu.memref_slice %arg3[%arg0, %add3A_2, %dma_start3A] : memref<2x10000x64xf32, #tpu.memory_space<hbm>> -> memref<1x125x64xf32, #tpu.memory_space<hbm>>
      %dma_start3A_59 = tpu.memref_squeeze %dma_start3A_58 : memref<1x125x64xf32, #tpu.memory_space<hbm>> -> memref<125x64xf32, #tpu.memory_space<hbm>>
      %dma_start3A_60 = arith.constant 0 : i32
      %dma_start3A_61 = tpu.memref_slice %arg3[%arg0, %add3A_2, %dma_start3A_60] : memref<2x10000x64xf32, #tpu.memory_space<hbm>> -> memref<1x125x64xf32, #tpu.memory_space<hbm>>
      %dma_start3A_62 = tpu.memref_squeeze %dma_start3A_61 : memref<1x125x64xf32, #tpu.memory_space<hbm>> -> memref<125x64xf32, #tpu.memory_space<hbm>>
      tpu.enqueue_dma source(%dma_start3A_62 : memref<125x64xf32, #tpu.memory_space<hbm>>) target(%arg7 : memref<125x64xf32, #tpu.memory_space<vmem>>) target_semaphore(%run_scoped3A_57 : memref<!tpu.dma_semaphore, #tpu.memory_space<semaphore_mem>>)
      %dma_wait3A = arith.constant 0 : i32
      %dma_wait3A_63 = tpu.memref_slice %arg3[%arg0, %add3A_2, %dma_wait3A] : memref<2x10000x64xf32, #tpu.memory_space<hbm>> -> memref<1x125x64xf32, #tpu.memory_space<hbm>>
      %dma_wait3A_64 = tpu.memref_squeeze %dma_wait3A_63 : memref<1x125x64xf32, #tpu.memory_space<hbm>> -> memref<125x64xf32, #tpu.memory_space<hbm>>
      %dma_wait3A_65 = arith.constant 0 : i32
      %dma_wait3A_66 = tpu.memref_slice %arg3[%arg0, %add3A_2, %dma_wait3A_65] : memref<2x10000x64xf32, #tpu.memory_space<hbm>> -> memref<1x125x64xf32, #tpu.memory_space<hbm>>
      %dma_wait3A_67 = tpu.memref_squeeze %dma_wait3A_66 : memref<1x125x64xf32, #tpu.memory_space<hbm>> -> memref<125x64xf32, #tpu.memory_space<hbm>>
      tpu.wait_dma2 semaphore(%run_scoped3A_57 : memref<!tpu.dma_semaphore, #tpu.memory_space<semaphore_mem>>) src(%dma_wait3A_67 : memref<125x64xf32, #tpu.memory_space<hbm>>) dst(%arg7 : memref<125x64xf32, #tpu.memory_space<vmem>>)
      tpu.yield
    }) : () -> ()
    "tpu.region"() ({
      %run_scoped3A_57 = tpu.sem_alloc : memref<!tpu.dma_semaphore, #tpu.memory_space<semaphore_mem>>
      %dma_start3A = arith.constant 0 : i32
      %dma_start3A_58 = tpu.memref_slice %arg11[%add3A_2, %dma_start3A] : memref<10000x64xf32, #tpu.memory_space<vmem_shared>> -> memref<125x64xf32, #tpu.memory_space<vmem_shared>>
      %dma_start3A_59 = arith.constant 0 : i32
      %dma_start3A_60 = tpu.memref_slice %arg11[%add3A_2, %dma_start3A_59] : memref<10000x64xf32, #tpu.memory_space<vmem_shared>> -> memref<125x64xf32, #tpu.memory_space<vmem_shared>>
      tpu.enqueue_dma source(%arg7 : memref<125x64xf32, #tpu.memory_space<vmem>>) target(%dma_start3A_60 : memref<125x64xf32, #tpu.memory_space<vmem_shared>>) target_semaphore(%run_scoped3A_57 : memref<!tpu.dma_semaphore, #tpu.memory_space<semaphore_mem>>)
      %dma_wait3A = arith.constant 0 : i32
      %dma_wait3A_61 = tpu.memref_slice %arg11[%add3A_2, %dma_wait3A] : memref<10000x64xf32, #tpu.memory_space<vmem_shared>> -> memref<125x64xf32, #tpu.memory_space<vmem_shared>>
      %dma_wait3A_62 = arith.constant 0 : i32
      %dma_wait3A_63 = tpu.memref_slice %arg11[%add3A_2, %dma_wait3A_62] : memref<10000x64xf32, #tpu.memory_space<vmem_shared>> -> memref<125x64xf32, #tpu.memory_space<vmem_shared>>
      tpu.wait_dma2 semaphore(%run_scoped3A_57 : memref<!tpu.dma_semaphore, #tpu.memory_space<semaphore_mem>>) src(%arg7 : memref<125x64xf32, #tpu.memory_space<vmem>>) dst(%dma_wait3A_63 : memref<125x64xf32, #tpu.memory_space<vmem_shared>>)
      tpu.yield
    }) : () -> ()
    %mul3A_3 = arith.constant 625 : i32
    %mul3A_4 = arith.muli %arg1, %mul3A_3 : i32
    %add3A_5 = arith.constant 125 : i32
    %add3A_6 = arith.addi %mul3A_4, %add3A_5 : i32
    "tpu.region"() ({
      %run_scoped3A_57 = tpu.sem_alloc : memref<!tpu.dma_semaphore, #tpu.memory_space<semaphore_mem>>
      %dma_start3A = arith.constant 0 : i32
      %dma_start3A_58 = tpu.memref_slice %arg3[%arg0, %add3A_6, %dma_start3A] : memref<2x10000x64xf32, #tpu.memory_space<hbm>> -> memref<1x125x64xf32, #tpu.memory_space<hbm>>
      %dma_start3A_59 = tpu.memref_squeeze %dma_start3A_58 : memref<1x125x64xf32, #tpu.memory_space<hbm>> -> memref<125x64xf32, #tpu.memory_space<hbm>>
      %dma_start3A_60 = arith.constant 0 : i32
      %dma_start3A_61 = tpu.memref_slice %arg3[%arg0, %add3A_6, %dma_start3A_60] : memref<2x10000x64xf32, #tpu.memory_space<hbm>> -> memref<1x125x64xf32, #tpu.memory_space<hbm>>
      %dma_start3A_62 = tpu.memref_squeeze %dma_start3A_61 : memref<1x125x64xf32, #tpu.memory_space<hbm>> -> memref<125x64xf32, #tpu.memory_space<hbm>>
      tpu.enqueue_dma source(%dma_start3A_62 : memref<125x64xf32, #tpu.memory_space<hbm>>) target(%arg7 : memref<125x64xf32, #tpu.memory_space<vmem>>) target_semaphore(%run_scoped3A_57 : memref<!tpu.dma_semaphore, #tpu.memory_space<semaphore_mem>>)
      %dma_wait3A = arith.constant 0 : i32
      %dma_wait3A_63 = tpu.memref_slice %arg3[%arg0, %add3A_6, %dma_wait3A] : memref<2x10000x64xf32, #tpu.memory_space<hbm>> -> memref<1x125x64xf32, #tpu.memory_space<hbm>>
      %dma_wait3A_64 = tpu.memref_squeeze %dma_wait3A_63 : memref<1x125x64xf32, #tpu.memory_space<hbm>> -> memref<125x64xf32, #tpu.memory_space<hbm>>
      %dma_wait3A_65 = arith.constant 0 : i32
      %dma_wait3A_66 = tpu.memref_slice %arg3[%arg0, %add3A_6, %dma_wait3A_65] : memref<2x10000x64xf32, #tpu.memory_space<hbm>> -> memref<1x125x64xf32, #tpu.memory_space<hbm>>
      %dma_wait3A_67 = tpu.memref_squeeze %dma_wait3A_66 : memref<1x125x64xf32, #tpu.memory_space<hbm>> -> memref<125x64xf32, #tpu.memory_space<hbm>>
      tpu.wait_dma2 semaphore(%run_scoped3A_57 : memref<!tpu.dma_semaphore, #tpu.memory_space<semaphore_mem>>) src(%dma_wait3A_67 : memref<125x64xf32, #tpu.memory_space<hbm>>) dst(%arg7 : memref<125x64xf32, #tpu.memory_space<vmem>>)
      tpu.yield
    }) : () -> ()
    "tpu.region"() ({
      %run_scoped3A_57 = tpu.sem_alloc : memref<!tpu.dma_semaphore, #tpu.memory_space<semaphore_mem>>
      %dma_start3A = arith.constant 0 : i32
      %dma_start3A_58 = tpu.memref_slice %arg11[%add3A_6, %dma_start3A] : memref<10000x64xf32, #tpu.memory_space<vmem_shared>> -> memref<125x64xf32, #tpu.memory_space<vmem_shared>>
      %dma_start3A_59 = arith.constant 0 : i32
      %dma_start3A_60 = tpu.memref_slice %arg11[%add3A_6, %dma_start3A_59] : memref<10000x64xf32, #tpu.memory_space<vmem_shared>> -> memref<125x64xf32, #tpu.memory_space<vmem_shared>>
      tpu.enqueue_dma source(%arg7 : memref<125x64xf32, #tpu.memory_space<vmem>>) target(%dma_start3A_60 : memref<125x64xf32, #tpu.memory_space<vmem_shared>>) target_semaphore(%run_scoped3A_57 : memref<!tpu.dma_semaphore, #tpu.memory_space<semaphore_mem>>)
      %dma_wait3A = arith.constant 0 : i32
      %dma_wait3A_61 = tpu.memref_slice %arg11[%add3A_6, %dma_wait3A] : memref<10000x64xf32, #tpu.memory_space<vmem_shared>> -> memref<125x64xf32, #tpu.memory_space<vmem_shared>>
      %dma_wait3A_62 = arith.constant 0 : i32
      %dma_wait3A_63 = tpu.memref_slice %arg11[%add3A_6, %dma_wait3A_62] : memref<10000x64xf32, #tpu.memory_space<vmem_shared>> -> memref<125x64xf32, #tpu.memory_space<vmem_shared>>
      tpu.wait_dma2 semaphore(%run_scoped3A_57 : memref<!tpu.dma_semaphore, #tpu.memory_space<semaphore_mem>>) src(%arg7 : memref<125x64xf32, #tpu.memory_space<vmem>>) dst(%dma_wait3A_63 : memref<125x64xf32, #tpu.memory_space<vmem_shared>>)
      tpu.yield
    }) : () -> ()
    %mul3A_7 = arith.constant 625 : i32
    %mul3A_8 = arith.muli %arg1, %mul3A_7 : i32
    %add3A_9 = arith.constant 250 : i32
    %add3A_10 = arith.addi %mul3A_8, %add3A_9 : i32
    "tpu.region"() ({
      %run_scoped3A_57 = tpu.sem_alloc : memref<!tpu.dma_semaphore, #tpu.memory_space<semaphore_mem>>
      %dma_start3A = arith.constant 0 : i32
      %dma_start3A_58 = tpu.memref_slice %arg3[%arg0, %add3A_10, %dma_start3A] : memref<2x10000x64xf32, #tpu.memory_space<hbm>> -> memref<1x125x64xf32, #tpu.memory_space<hbm>>
      %dma_start3A_59 = tpu.memref_squeeze %dma_start3A_58 : memref<1x125x64xf32, #tpu.memory_space<hbm>> -> memref<125x64xf32, #tpu.memory_space<hbm>>
      %dma_start3A_60 = arith.constant 0 : i32
      %dma_start3A_61 = tpu.memref_slice %arg3[%arg0, %add3A_10, %dma_start3A_60] : memref<2x10000x64xf32, #tpu.memory_space<hbm>> -> memref<1x125x64xf32, #tpu.memory_space<hbm>>
      %dma_start3A_62 = tpu.memref_squeeze %dma_start3A_61 : memref<1x125x64xf32, #tpu.memory_space<hbm>> -> memref<125x64xf32, #tpu.memory_space<hbm>>
      tpu.enqueue_dma source(%dma_start3A_62 : memref<125x64xf32, #tpu.memory_space<hbm>>) target(%arg7 : memref<125x64xf32, #tpu.memory_space<vmem>>) target_semaphore(%run_scoped3A_57 : memref<!tpu.dma_semaphore, #tpu.memory_space<semaphore_mem>>)
      %dma_wait3A = arith.constant 0 : i32
      %dma_wait3A_63 = tpu.memref_slice %arg3[%arg0, %add3A_10, %dma_wait3A] : memref<2x10000x64xf32, #tpu.memory_space<hbm>> -> memref<1x125x64xf32, #tpu.memory_space<hbm>>
      %dma_wait3A_64 = tpu.memref_squeeze %dma_wait3A_63 : memref<1x125x64xf32, #tpu.memory_space<hbm>> -> memref<125x64xf32, #tpu.memory_space<hbm>>
      %dma_wait3A_65 = arith.constant 0 : i32
      %dma_wait3A_66 = tpu.memref_slice %arg3[%arg0, %add3A_10, %dma_wait3A_65] : memref<2x10000x64xf32, #tpu.memory_space<hbm>> -> memref<1x125x64xf32, #tpu.memory_space<hbm>>
      %dma_wait3A_67 = tpu.memref_squeeze %dma_wait3A_66 : memref<1x125x64xf32, #tpu.memory_space<hbm>> -> memref<125x64xf32, #tpu.memory_space<hbm>>
      tpu.wait_dma2 semaphore(%run_scoped3A_57 : memref<!tpu.dma_semaphore, #tpu.memory_space<semaphore_mem>>) src(%dma_wait3A_67 : memref<125x64xf32, #tpu.memory_space<hbm>>) dst(%arg7 : memref<125x64xf32, #tpu.memory_space<vmem>>)
      tpu.yield
    }) : () -> ()
    "tpu.region"() ({
      %run_scoped3A_57 = tpu.sem_alloc : memref<!tpu.dma_semaphore, #tpu.memory_space<semaphore_mem>>
      %dma_start3A = arith.constant 0 : i32
      %dma_start3A_58 = tpu.memref_slice %arg11[%add3A_10, %dma_start3A] : memref<10000x64xf32, #tpu.memory_space<vmem_shared>> -> memref<125x64xf32, #tpu.memory_space<vmem_shared>>
      %dma_start3A_59 = arith.constant 0 : i32
      %dma_start3A_60 = tpu.memref_slice %arg11[%add3A_10, %dma_start3A_59] : memref<10000x64xf32, #tpu.memory_space<vmem_shared>> -> memref<125x64xf32, #tpu.memory_space<vmem_shared>>
      tpu.enqueue_dma source(%arg7 : memref<125x64xf32, #tpu.memory_space<vmem>>) target(%dma_start3A_60 : memref<125x64xf32, #tpu.memory_space<vmem_shared>>) target_semaphore(%run_scoped3A_57 : memref<!tpu.dma_semaphore, #tpu.memory_space<semaphore_mem>>)
      %dma_wait3A = arith.constant 0 : i32
      %dma_wait3A_61 = tpu.memref_slice %arg11[%add3A_10, %dma_wait3A] : memref<10000x64xf32, #tpu.memory_space<vmem_shared>> -> memref<125x64xf32, #tpu.memory_space<vmem_shared>>
      %dma_wait3A_62 = arith.constant 0 : i32
      %dma_wait3A_63 = tpu.memref_slice %arg11[%add3A_10, %dma_wait3A_62] : memref<10000x64xf32, #tpu.memory_space<vmem_shared>> -> memref<125x64xf32, #tpu.memory_space<vmem_shared>>
      tpu.wait_dma2 semaphore(%run_scoped3A_57 : memref<!tpu.dma_semaphore, #tpu.memory_space<semaphore_mem>>) src(%arg7 : memref<125x64xf32, #tpu.memory_space<vmem>>) dst(%dma_wait3A_63 : memref<125x64xf32, #tpu.memory_space<vmem_shared>>)
      tpu.yield
    }) : () -> ()
    %mul3A_11 = arith.constant 625 : i32
    %mul3A_12 = arith.muli %arg1, %mul3A_11 : i32
    %add3A_13 = arith.constant 375 : i32
    %add3A_14 = arith.addi %mul3A_12, %add3A_13 : i32
    "tpu.region"() ({
      %run_scoped3A_57 = tpu.sem_alloc : memref<!tpu.dma_semaphore, #tpu.memory_space<semaphore_mem>>
      %dma_start3A = arith.constant 0 : i32
      %dma_start3A_58 = tpu.memref_slice %arg3[%arg0, %add3A_14, %dma_start3A] : memref<2x10000x64xf32, #tpu.memory_space<hbm>> -> memref<1x125x64xf32, #tpu.memory_space<hbm>>
      %dma_start3A_59 = tpu.memref_squeeze %dma_start3A_58 : memref<1x125x64xf32, #tpu.memory_space<hbm>> -> memref<125x64xf32, #tpu.memory_space<hbm>>
      %dma_start3A_60 = arith.constant 0 : i32
      %dma_start3A_61 = tpu.memref_slice %arg3[%arg0, %add3A_14, %dma_start3A_60] : memref<2x10000x64xf32, #tpu.memory_space<hbm>> -> memref<1x125x64xf32, #tpu.memory_space<hbm>>
      %dma_start3A_62 = tpu.memref_squeeze %dma_start3A_61 : memref<1x125x64xf32, #tpu.memory_space<hbm>> -> memref<125x64xf32, #tpu.memory_space<hbm>>
      tpu.enqueue_dma source(%dma_start3A_62 : memref<125x64xf32, #tpu.memory_space<hbm>>) target(%arg7 : memref<125x64xf32, #tpu.memory_space<vmem>>) target_semaphore(%run_scoped3A_57 : memref<!tpu.dma_semaphore, #tpu.memory_space<semaphore_mem>>)
      %dma_wait3A = arith.constant 0 : i32
      %dma_wait3A_63 = tpu.memref_slice %arg3[%arg0, %add3A_14, %dma_wait3A] : memref<2x10000x64xf32, #tpu.memory_space<hbm>> -> memref<1x125x64xf32, #tpu.memory_space<hbm>>
      %dma_wait3A_64 = tpu.memref_squeeze %dma_wait3A_63 : memref<1x125x64xf32, #tpu.memory_space<hbm>> -> memref<125x64xf32, #tpu.memory_space<hbm>>
      %dma_wait3A_65 = arith.constant 0 : i32
      %dma_wait3A_66 = tpu.memref_slice %arg3[%arg0, %add3A_14, %dma_wait3A_65] : memref<2x10000x64xf32, #tpu.memory_space<hbm>> -> memref<1x125x64xf32, #tpu.memory_space<hbm>>
      %dma_wait3A_67 = tpu.memref_squeeze %dma_wait3A_66 : memref<1x125x64xf32, #tpu.memory_space<hbm>> -> memref<125x64xf32, #tpu.memory_space<hbm>>
      tpu.wait_dma2 semaphore(%run_scoped3A_57 : memref<!tpu.dma_semaphore, #tpu.memory_space<semaphore_mem>>) src(%dma_wait3A_67 : memref<125x64xf32, #tpu.memory_space<hbm>>) dst(%arg7 : memref<125x64xf32, #tpu.memory_space<vmem>>)
      tpu.yield
    }) : () -> ()
    "tpu.region"() ({
      %run_scoped3A_57 = tpu.sem_alloc : memref<!tpu.dma_semaphore, #tpu.memory_space<semaphore_mem>>
      %dma_start3A = arith.constant 0 : i32
      %dma_start3A_58 = tpu.memref_slice %arg11[%add3A_14, %dma_start3A] : memref<10000x64xf32, #tpu.memory_space<vmem_shared>> -> memref<125x64xf32, #tpu.memory_space<vmem_shared>>
      %dma_start3A_59 = arith.constant 0 : i32
      %dma_start3A_60 = tpu.memref_slice %arg11[%add3A_14, %dma_start3A_59] : memref<10000x64xf32, #tpu.memory_space<vmem_shared>> -> memref<125x64xf32, #tpu.memory_space<vmem_shared>>
      tpu.enqueue_dma source(%arg7 : memref<125x64xf32, #tpu.memory_space<vmem>>) target(%dma_start3A_60 : memref<125x64xf32, #tpu.memory_space<vmem_shared>>) target_semaphore(%run_scoped3A_57 : memref<!tpu.dma_semaphore, #tpu.memory_space<semaphore_mem>>)
      %dma_wait3A = arith.constant 0 : i32
      %dma_wait3A_61 = tpu.memref_slice %arg11[%add3A_14, %dma_wait3A] : memref<10000x64xf32, #tpu.memory_space<vmem_shared>> -> memref<125x64xf32, #tpu.memory_space<vmem_shared>>
      %dma_wait3A_62 = arith.constant 0 : i32
      %dma_wait3A_63 = tpu.memref_slice %arg11[%add3A_14, %dma_wait3A_62] : memref<10000x64xf32, #tpu.memory_space<vmem_shared>> -> memref<125x64xf32, #tpu.memory_space<vmem_shared>>
      tpu.wait_dma2 semaphore(%run_scoped3A_57 : memref<!tpu.dma_semaphore, #tpu.memory_space<semaphore_mem>>) src(%arg7 : memref<125x64xf32, #tpu.memory_space<vmem>>) dst(%dma_wait3A_63 : memref<125x64xf32, #tpu.memory_space<vmem_shared>>)
      tpu.yield
    }) : () -> ()
    %mul3A_15 = arith.constant 625 : i32
    %mul3A_16 = arith.muli %arg1, %mul3A_15 : i32
    %add3A_17 = arith.constant 500 : i32
    %add3A_18 = arith.addi %mul3A_16, %add3A_17 : i32
    "tpu.region"() ({
      %run_scoped3A_57 = tpu.sem_alloc : memref<!tpu.dma_semaphore, #tpu.memory_space<semaphore_mem>>
      %dma_start3A = arith.constant 0 : i32
      %dma_start3A_58 = tpu.memref_slice %arg3[%arg0, %add3A_18, %dma_start3A] : memref<2x10000x64xf32, #tpu.memory_space<hbm>> -> memref<1x125x64xf32, #tpu.memory_space<hbm>>
      %dma_start3A_59 = tpu.memref_squeeze %dma_start3A_58 : memref<1x125x64xf32, #tpu.memory_space<hbm>> -> memref<125x64xf32, #tpu.memory_space<hbm>>
      %dma_start3A_60 = arith.constant 0 : i32
      %dma_start3A_61 = tpu.memref_slice %arg3[%arg0, %add3A_18, %dma_start3A_60] : memref<2x10000x64xf32, #tpu.memory_space<hbm>> -> memref<1x125x64xf32, #tpu.memory_space<hbm>>
      %dma_start3A_62 = tpu.memref_squeeze %dma_start3A_61 : memref<1x125x64xf32, #tpu.memory_space<hbm>> -> memref<125x64xf32, #tpu.memory_space<hbm>>
      tpu.enqueue_dma source(%dma_start3A_62 : memref<125x64xf32, #tpu.memory_space<hbm>>) target(%arg7 : memref<125x64xf32, #tpu.memory_space<vmem>>) target_semaphore(%run_scoped3A_57 : memref<!tpu.dma_semaphore, #tpu.memory_space<semaphore_mem>>)
      %dma_wait3A = arith.constant 0 : i32
      %dma_wait3A_63 = tpu.memref_slice %arg3[%arg0, %add3A_18, %dma_wait3A] : memref<2x10000x64xf32, #tpu.memory_space<hbm>> -> memref<1x125x64xf32, #tpu.memory_space<hbm>>
      %dma_wait3A_64 = tpu.memref_squeeze %dma_wait3A_63 : memref<1x125x64xf32, #tpu.memory_space<hbm>> -> memref<125x64xf32, #tpu.memory_space<hbm>>
      %dma_wait3A_65 = arith.constant 0 : i32
      %dma_wait3A_66 = tpu.memref_slice %arg3[%arg0, %add3A_18, %dma_wait3A_65] : memref<2x10000x64xf32, #tpu.memory_space<hbm>> -> memref<1x125x64xf32, #tpu.memory_space<hbm>>
      %dma_wait3A_67 = tpu.memref_squeeze %dma_wait3A_66 : memref<1x125x64xf32, #tpu.memory_space<hbm>> -> memref<125x64xf32, #tpu.memory_space<hbm>>
      tpu.wait_dma2 semaphore(%run_scoped3A_57 : memref<!tpu.dma_semaphore, #tpu.memory_space<semaphore_mem>>) src(%dma_wait3A_67 : memref<125x64xf32, #tpu.memory_space<hbm>>) dst(%arg7 : memref<125x64xf32, #tpu.memory_space<vmem>>)
      tpu.yield
    }) : () -> ()
    "tpu.region"() ({
      %run_scoped3A_57 = tpu.sem_alloc : memref<!tpu.dma_semaphore, #tpu.memory_space<semaphore_mem>>
      %dma_start3A = arith.constant 0 : i32
      %dma_start3A_58 = tpu.memref_slice %arg11[%add3A_18, %dma_start3A] : memref<10000x64xf32, #tpu.memory_space<vmem_shared>> -> memref<125x64xf32, #tpu.memory_space<vmem_shared>>
      %dma_start3A_59 = arith.constant 0 : i32
      %dma_start3A_60 = tpu.memref_slice %arg11[%add3A_18, %dma_start3A_59] : memref<10000x64xf32, #tpu.memory_space<vmem_shared>> -> memref<125x64xf32, #tpu.memory_space<vmem_shared>>
      tpu.enqueue_dma source(%arg7 : memref<125x64xf32, #tpu.memory_space<vmem>>) target(%dma_start3A_60 : memref<125x64xf32, #tpu.memory_space<vmem_shared>>) target_semaphore(%run_scoped3A_57 : memref<!tpu.dma_semaphore, #tpu.memory_space<semaphore_mem>>)
      %dma_wait3A = arith.constant 0 : i32
      %dma_wait3A_61 = tpu.memref_slice %arg11[%add3A_18, %dma_wait3A] : memref<10000x64xf32, #tpu.memory_space<vmem_shared>> -> memref<125x64xf32, #tpu.memory_space<vmem_shared>>
      %dma_wait3A_62 = arith.constant 0 : i32
      %dma_wait3A_63 = tpu.memref_slice %arg11[%add3A_18, %dma_wait3A_62] : memref<10000x64xf32, #tpu.memory_space<vmem_shared>> -> memref<125x64xf32, #tpu.memory_space<vmem_shared>>
      tpu.wait_dma2 semaphore(%run_scoped3A_57 : memref<!tpu.dma_semaphore, #tpu.memory_space<semaphore_mem>>) src(%arg7 : memref<125x64xf32, #tpu.memory_space<vmem>>) dst(%dma_wait3A_63 : memref<125x64xf32, #tpu.memory_space<vmem_shared>>)
      tpu.yield
    }) : () -> ()
    %barrier3A = arith.constant 0 : index
    tpu.barrier barrier_id(%barrier3A)
    %eq3A = arith.constant 0 : i32
    %eq3A_19 = arith.cmpi eq, %arg0, %eq3A : i32
    %convert_element_type3A = arith.extui %eq3A_19 : i1 to i32
    %cond3A = arith.constant 0 : i32
    %cond3A_20 = arith.cmpi ne, %convert_element_type3A, %cond3A : i32
    scf.if %cond3A_20 {
      %dma_start3A = arith.constant 0 : i32
      %dma_start3A_57 = arith.constant 0 : i32
      %dma_start3A_58 = arith.constant 0 : i32
      %dma_start3A_59 = tpu.memref_slice %arg5[%dma_start3A_57, %dma_start3A_58] : memref<160x125xi32, #tpu.memory_space<vmem>> -> memref<1x125xi32, #tpu.memory_space<vmem>>
      %dma_start3A_60 = tpu.memref_squeeze %dma_start3A_59 : memref<1x125xi32, #tpu.memory_space<vmem>> -> memref<125xi32, #tpu.memory_space<vmem>>
      %dma_start3A_61 = arith.constant 0 : i32
      %dma_start3A_62 = arith.constant 0 : i32
      %dma_start3A_63 = tpu.memref_slice %arg3[%dma_start3A, %dma_start3A_61, %dma_start3A_62] : memref<2x10000x64xf32, #tpu.memory_space<hbm>> -> memref<1x10000x64xf32, #tpu.memory_space<hbm>>
      %dma_start3A_64 = tpu.memref_squeeze %dma_start3A_63 : memref<1x10000x64xf32, #tpu.memory_space<hbm>> -> memref<10000x64xf32, #tpu.memory_space<hbm>>
      %dma_start3A_65 = arith.constant 0 : i32
      %dma_start3A_66 = arith.constant 0 : i32
      %dma_start3A_67 = tpu.memref_slice %dma_start3A_64[%dma_start3A_65, %dma_start3A_66] : memref<10000x64xf32, #tpu.memory_space<hbm>> -> memref<10000x64xf32, #tpu.memory_space<hbm>>
      tpu.enqueue_indirect_dma source(%dma_start3A_67 : memref<10000x64xf32, #tpu.memory_space<hbm>>) target(%arg7 : memref<125x64xf32, #tpu.memory_space<vmem>>) offsets(%dma_start3A_60 : memref<125xi32, #tpu.memory_space<vmem>>) semaphore(%arg12 : memref<!tpu.dma_semaphore, #tpu.memory_space<semaphore_mem>>)
      %dma_start3A_68 = arith.constant 0 : i32
      %dma_start3A_69 = arith.constant 1 : i32
      %dma_start3A_70 = arith.constant 0 : i32
      %dma_start3A_71 = tpu.memref_slice %arg5[%dma_start3A_69, %dma_start3A_70] : memref<160x125xi32, #tpu.memory_space<vmem>> -> memref<1x125xi32, #tpu.memory_space<vmem>>
      %dma_start3A_72 = tpu.memref_squeeze %dma_start3A_71 : memref<1x125xi32, #tpu.memory_space<vmem>> -> memref<125xi32, #tpu.memory_space<vmem>>
      %dma_start3A_73 = arith.constant 0 : i32
      %dma_start3A_74 = arith.constant 0 : i32
      %dma_start3A_75 = tpu.memref_slice %arg3[%dma_start3A_68, %dma_start3A_73, %dma_start3A_74] : memref<2x10000x64xf32, #tpu.memory_space<hbm>> -> memref<1x10000x64xf32, #tpu.memory_space<hbm>>
      %dma_start3A_76 = tpu.memref_squeeze %dma_start3A_75 : memref<1x10000x64xf32, #tpu.memory_space<hbm>> -> memref<10000x64xf32, #tpu.memory_space<hbm>>
      %dma_start3A_77 = arith.constant 0 : i32
      %dma_start3A_78 = arith.constant 0 : i32
      %dma_start3A_79 = tpu.memref_slice %dma_start3A_76[%dma_start3A_77, %dma_start3A_78] : memref<10000x64xf32, #tpu.memory_space<hbm>> -> memref<10000x64xf32, #tpu.memory_space<hbm>>
      tpu.enqueue_indirect_dma source(%dma_start3A_79 : memref<10000x64xf32, #tpu.memory_space<hbm>>) target(%arg8 : memref<125x64xf32, #tpu.memory_space<vmem>>) offsets(%dma_start3A_72 : memref<125xi32, #tpu.memory_space<vmem>>) semaphore(%arg13 : memref<!tpu.dma_semaphore, #tpu.memory_space<semaphore_mem>>)
      %dma_start3A_80 = arith.constant 0 : i32
      %dma_start3A_81 = arith.constant 2 : i32
      %dma_start3A_82 = arith.constant 0 : i32
      %dma_start3A_83 = tpu.memref_slice %arg5[%dma_start3A_81, %dma_start3A_82] : memref<160x125xi32, #tpu.memory_space<vmem>> -> memref<1x125xi32, #tpu.memory_space<vmem>>
      %dma_start3A_84 = tpu.memref_squeeze %dma_start3A_83 : memref<1x125xi32, #tpu.memory_space<vmem>> -> memref<125xi32, #tpu.memory_space<vmem>>
      %dma_start3A_85 = arith.constant 0 : i32
      %dma_start3A_86 = arith.constant 0 : i32
      %dma_start3A_87 = tpu.memref_slice %arg3[%dma_start3A_80, %dma_start3A_85, %dma_start3A_86] : memref<2x10000x64xf32, #tpu.memory_space<hbm>> -> memref<1x10000x64xf32, #tpu.memory_space<hbm>>
      %dma_start3A_88 = tpu.memref_squeeze %dma_start3A_87 : memref<1x10000x64xf32, #tpu.memory_space<hbm>> -> memref<10000x64xf32, #tpu.memory_space<hbm>>
      %dma_start3A_89 = arith.constant 0 : i32
      %dma_start3A_90 = arith.constant 0 : i32
      %dma_start3A_91 = tpu.memref_slice %dma_start3A_88[%dma_start3A_89, %dma_start3A_90] : memref<10000x64xf32, #tpu.memory_space<hbm>> -> memref<10000x64xf32, #tpu.memory_space<hbm>>
      tpu.enqueue_indirect_dma source(%dma_start3A_91 : memref<10000x64xf32, #tpu.memory_space<hbm>>) target(%arg9 : memref<125x64xf32, #tpu.memory_space<vmem>>) offsets(%dma_start3A_84 : memref<125xi32, #tpu.memory_space<vmem>>) semaphore(%arg14 : memref<!tpu.dma_semaphore, #tpu.memory_space<semaphore_mem>>)
      %dma_start3A_92 = arith.constant 0 : i32
      %dma_start3A_93 = arith.constant 3 : i32
      %dma_start3A_94 = arith.constant 0 : i32
      %dma_start3A_95 = tpu.memref_slice %arg5[%dma_start3A_93, %dma_start3A_94] : memref<160x125xi32, #tpu.memory_space<vmem>> -> memref<1x125xi32, #tpu.memory_space<vmem>>
      %dma_start3A_96 = tpu.memref_squeeze %dma_start3A_95 : memref<1x125xi32, #tpu.memory_space<vmem>> -> memref<125xi32, #tpu.memory_space<vmem>>
      %dma_start3A_97 = arith.constant 0 : i32
      %dma_start3A_98 = arith.constant 0 : i32
      %dma_start3A_99 = tpu.memref_slice %arg3[%dma_start3A_92, %dma_start3A_97, %dma_start3A_98] : memref<2x10000x64xf32, #tpu.memory_space<hbm>> -> memref<1x10000x64xf32, #tpu.memory_space<hbm>>
      %dma_start3A_100 = tpu.memref_squeeze %dma_start3A_99 : memref<1x10000x64xf32, #tpu.memory_space<hbm>> -> memref<10000x64xf32, #tpu.memory_space<hbm>>
      %dma_start3A_101 = arith.constant 0 : i32
      %dma_start3A_102 = arith.constant 0 : i32
      %dma_start3A_103 = tpu.memref_slice %dma_start3A_100[%dma_start3A_101, %dma_start3A_102] : memref<10000x64xf32, #tpu.memory_space<hbm>> -> memref<10000x64xf32, #tpu.memory_space<hbm>>
      tpu.enqueue_indirect_dma source(%dma_start3A_103 : memref<10000x64xf32, #tpu.memory_space<hbm>>) target(%arg10 : memref<125x64xf32, #tpu.memory_space<vmem>>) offsets(%dma_start3A_96 : memref<125xi32, #tpu.memory_space<vmem>>) semaphore(%arg15 : memref<!tpu.dma_semaphore, #tpu.memory_space<semaphore_mem>>)
      %scan3A = arith.constant 0 : i32
      %scan3A_104 = arith.constant 0 : i32
      %scan3A_105 = arith.constant 0 : i32
      %scan3A_106 = arith.constant 40 : i32
      %scan3A_107 = arith.addi %scan3A_105, %scan3A_106 : i32
      %scan3A_108 = arith.constant 1 : i32
      %scan3A_109 = scf.for %scan3A_111 = %scan3A_105 to %scan3A_107 step %scan3A_108 iter_args(%scan3A_112 = %scan3A_104) -> (i32)  : i32 {
        %mul3A_113 = arith.constant 4 : i32
        %mul3A_114 = arith.muli %scan3A_111, %mul3A_113 : i32
        %add3A_115 = arith.constant 0 : i32
        %add3A_116 = arith.addi %mul3A_114, %add3A_115 : i32
        %dma_wait3A = arith.constant 0 : i32
        %dma_wait3A_117 = tpu.memref_slice %arg5[%add3A_116, %dma_wait3A] : memref<160x125xi32, #tpu.memory_space<vmem>> -> memref<1x125xi32, #tpu.memory_space<vmem>>
        %dma_wait3A_118 = tpu.memref_squeeze %dma_wait3A_117 : memref<1x125xi32, #tpu.memory_space<vmem>> -> memref<125xi32, #tpu.memory_space<vmem>>
        %dma_wait3A_119 = arith.constant 0 : i32
        %dma_wait3A_120 = arith.constant 0 : i32
        %dma_wait3A_121 = tpu.memref_slice %arg3[%scan3A, %dma_wait3A_119, %dma_wait3A_120] : memref<2x10000x64xf32, #tpu.memory_space<hbm>> -> memref<1x10000x64xf32, #tpu.memory_space<hbm>>
        %dma_wait3A_122 = tpu.memref_squeeze %dma_wait3A_121 : memref<1x10000x64xf32, #tpu.memory_space<hbm>> -> memref<10000x64xf32, #tpu.memory_space<hbm>>
        %dma_wait3A_123 = arith.constant 0 : i32
        %dma_wait3A_124 = arith.constant 0 : i32
        %dma_wait3A_125 = tpu.memref_slice %dma_wait3A_122[%dma_wait3A_123, %dma_wait3A_124] : memref<10000x64xf32, #tpu.memory_space<hbm>> -> memref<10000x64xf32, #tpu.memory_space<hbm>>
        tpu.wait_indirect_dma semaphore(%arg12 : memref<!tpu.dma_semaphore, #tpu.memory_space<semaphore_mem>>) src(%dma_wait3A_125 : memref<10000x64xf32, #tpu.memory_space<hbm>>) dst(%arg7 : memref<125x64xf32, #tpu.memory_space<vmem>>)
        %dma_start3A_126 = arith.constant 0 : i32
        %dma_start3A_127 = tpu.memref_slice %arg6[%add3A_116, %dma_start3A_126] : memref<160x125xi32, #tpu.memory_space<vmem>> -> memref<1x125xi32, #tpu.memory_space<vmem>>
        %dma_start3A_128 = tpu.memref_squeeze %dma_start3A_127 : memref<1x125xi32, #tpu.memory_space<vmem>> -> memref<125xi32, #tpu.memory_space<vmem>>
        %dma_start3A_129 = arith.constant 0 : i32
        %dma_start3A_130 = arith.constant 0 : i32
        %dma_start3A_131 = tpu.memref_slice %arg11[%dma_start3A_129, %dma_start3A_130] : memref<10000x64xf32, #tpu.memory_space<vmem_shared>> -> memref<10000x64xf32, #tpu.memory_space<vmem_shared>>
        tpu.enqueue_indirect_dma source(%arg7 : memref<125x64xf32, #tpu.memory_space<vmem>>) target(%dma_start3A_131 : memref<10000x64xf32, #tpu.memory_space<vmem_shared>>) offsets(%dma_start3A_128 : memref<125xi32, #tpu.memory_space<vmem>>) semaphore(%arg16 : memref<!tpu.dma_semaphore, #tpu.memory_space<semaphore_mem>>) {add = true}
        %mul3A_132 = arith.constant 4 : i32
        %mul3A_133 = arith.muli %scan3A_111, %mul3A_132 : i32
        %add3A_134 = arith.constant 1 : i32
        %add3A_135 = arith.addi %mul3A_133, %add3A_134 : i32
        %dma_wait3A_136 = arith.constant 0 : i32
        %dma_wait3A_137 = tpu.memref_slice %arg5[%add3A_135, %dma_wait3A_136] : memref<160x125xi32, #tpu.memory_space<vmem>> -> memref<1x125xi32, #tpu.memory_space<vmem>>
        %dma_wait3A_138 = tpu.memref_squeeze %dma_wait3A_137 : memref<1x125xi32, #tpu.memory_space<vmem>> -> memref<125xi32, #tpu.memory_space<vmem>>
        %dma_wait3A_139 = arith.constant 0 : i32
        %dma_wait3A_140 = arith.constant 0 : i32
        %dma_wait3A_141 = tpu.memref_slice %arg3[%scan3A, %dma_wait3A_139, %dma_wait3A_140] : memref<2x10000x64xf32, #tpu.memory_space<hbm>> -> memref<1x10000x64xf32, #tpu.memory_space<hbm>>
        %dma_wait3A_142 = tpu.memref_squeeze %dma_wait3A_141 : memref<1x10000x64xf32, #tpu.memory_space<hbm>> -> memref<10000x64xf32, #tpu.memory_space<hbm>>
        %dma_wait3A_143 = arith.constant 0 : i32
        %dma_wait3A_144 = arith.constant 0 : i32
        %dma_wait3A_145 = tpu.memref_slice %dma_wait3A_142[%dma_wait3A_143, %dma_wait3A_144] : memref<10000x64xf32, #tpu.memory_space<hbm>> -> memref<10000x64xf32, #tpu.memory_space<hbm>>
        tpu.wait_indirect_dma semaphore(%arg13 : memref<!tpu.dma_semaphore, #tpu.memory_space<semaphore_mem>>) src(%dma_wait3A_145 : memref<10000x64xf32, #tpu.memory_space<hbm>>) dst(%arg8 : memref<125x64xf32, #tpu.memory_space<vmem>>)
        %dma_start3A_146 = arith.constant 0 : i32
        %dma_start3A_147 = tpu.memref_slice %arg6[%add3A_135, %dma_start3A_146] : memref<160x125xi32, #tpu.memory_space<vmem>> -> memref<1x125xi32, #tpu.memory_space<vmem>>
        %dma_start3A_148 = tpu.memref_squeeze %dma_start3A_147 : memref<1x125xi32, #tpu.memory_space<vmem>> -> memref<125xi32, #tpu.memory_space<vmem>>
        %dma_start3A_149 = arith.constant 0 : i32
        %dma_start3A_150 = arith.constant 0 : i32
        %dma_start3A_151 = tpu.memref_slice %arg11[%dma_start3A_149, %dma_start3A_150] : memref<10000x64xf32, #tpu.memory_space<vmem_shared>> -> memref<10000x64xf32, #tpu.memory_space<vmem_shared>>
        tpu.enqueue_indirect_dma source(%arg8 : memref<125x64xf32, #tpu.memory_space<vmem>>) target(%dma_start3A_151 : memref<10000x64xf32, #tpu.memory_space<vmem_shared>>) offsets(%dma_start3A_148 : memref<125xi32, #tpu.memory_space<vmem>>) semaphore(%arg17 : memref<!tpu.dma_semaphore, #tpu.memory_space<semaphore_mem>>) {add = true}
        %mul3A_152 = arith.constant 4 : i32
        %mul3A_153 = arith.muli %scan3A_111, %mul3A_152 : i32
        %add3A_154 = arith.constant 2 : i32
        %add3A_155 = arith.addi %mul3A_153, %add3A_154 : i32
        %dma_wait3A_156 = arith.constant 0 : i32
        %dma_wait3A_157 = tpu.memref_slice %arg5[%add3A_155, %dma_wait3A_156] : memref<160x125xi32, #tpu.memory_space<vmem>> -> memref<1x125xi32, #tpu.memory_space<vmem>>
        %dma_wait3A_158 = tpu.memref_squeeze %dma_wait3A_157 : memref<1x125xi32, #tpu.memory_space<vmem>> -> memref<125xi32, #tpu.memory_space<vmem>>
        %dma_wait3A_159 = arith.constant 0 : i32
        %dma_wait3A_160 = arith.constant 0 : i32
        %dma_wait3A_161 = tpu.memref_slice %arg3[%scan3A, %dma_wait3A_159, %dma_wait3A_160] : memref<2x10000x64xf32, #tpu.memory_space<hbm>> -> memref<1x10000x64xf32, #tpu.memory_space<hbm>>
        %dma_wait3A_162 = tpu.memref_squeeze %dma_wait3A_161 : memref<1x10000x64xf32, #tpu.memory_space<hbm>> -> memref<10000x64xf32, #tpu.memory_space<hbm>>
        %dma_wait3A_163 = arith.constant 0 : i32
        %dma_wait3A_164 = arith.constant 0 : i32
        %dma_wait3A_165 = tpu.memref_slice %dma_wait3A_162[%dma_wait3A_163, %dma_wait3A_164] : memref<10000x64xf32, #tpu.memory_space<hbm>> -> memref<10000x64xf32, #tpu.memory_space<hbm>>
        tpu.wait_indirect_dma semaphore(%arg14 : memref<!tpu.dma_semaphore, #tpu.memory_space<semaphore_mem>>) src(%dma_wait3A_165 : memref<10000x64xf32, #tpu.memory_space<hbm>>) dst(%arg9 : memref<125x64xf32, #tpu.memory_space<vmem>>)
        %dma_start3A_166 = arith.constant 0 : i32
        %dma_start3A_167 = tpu.memref_slice %arg6[%add3A_155, %dma_start3A_166] : memref<160x125xi32, #tpu.memory_space<vmem>> -> memref<1x125xi32, #tpu.memory_space<vmem>>
        %dma_start3A_168 = tpu.memref_squeeze %dma_start3A_167 : memref<1x125xi32, #tpu.memory_space<vmem>> -> memref<125xi32, #tpu.memory_space<vmem>>
        %dma_start3A_169 = arith.constant 0 : i32
        %dma_start3A_170 = arith.constant 0 : i32
        %dma_start3A_171 = tpu.memref_slice %arg11[%dma_start3A_169, %dma_start3A_170] : memref<10000x64xf32, #tpu.memory_space<vmem_shared>> -> memref<10000x64xf32, #tpu.memory_space<vmem_shared>>
        tpu.enqueue_indirect_dma source(%arg9 : memref<125x64xf32, #tpu.memory_space<vmem>>) target(%dma_start3A_171 : memref<10000x64xf32, #tpu.memory_space<vmem_shared>>) offsets(%dma_start3A_168 : memref<125xi32, #tpu.memory_space<vmem>>) semaphore(%arg18 : memref<!tpu.dma_semaphore, #tpu.memory_space<semaphore_mem>>) {add = true}
        %mul3A_172 = arith.constant 4 : i32
        %mul3A_173 = arith.muli %scan3A_111, %mul3A_172 : i32
        %add3A_174 = arith.constant 3 : i32
        %add3A_175 = arith.addi %mul3A_173, %add3A_174 : i32
        %dma_wait3A_176 = arith.constant 0 : i32
        %dma_wait3A_177 = tpu.memref_slice %arg5[%add3A_175, %dma_wait3A_176] : memref<160x125xi32, #tpu.memory_space<vmem>> -> memref<1x125xi32, #tpu.memory_space<vmem>>
        %dma_wait3A_178 = tpu.memref_squeeze %dma_wait3A_177 : memref<1x125xi32, #tpu.memory_space<vmem>> -> memref<125xi32, #tpu.memory_space<vmem>>
        %dma_wait3A_179 = arith.constant 0 : i32
        %dma_wait3A_180 = arith.constant 0 : i32
        %dma_wait3A_181 = tpu.memref_slice %arg3[%scan3A, %dma_wait3A_179, %dma_wait3A_180] : memref<2x10000x64xf32, #tpu.memory_space<hbm>> -> memref<1x10000x64xf32, #tpu.memory_space<hbm>>
        %dma_wait3A_182 = tpu.memref_squeeze %dma_wait3A_181 : memref<1x10000x64xf32, #tpu.memory_space<hbm>> -> memref<10000x64xf32, #tpu.memory_space<hbm>>
        %dma_wait3A_183 = arith.constant 0 : i32
        %dma_wait3A_184 = arith.constant 0 : i32
        %dma_wait3A_185 = tpu.memref_slice %dma_wait3A_182[%dma_wait3A_183, %dma_wait3A_184] : memref<10000x64xf32, #tpu.memory_space<hbm>> -> memref<10000x64xf32, #tpu.memory_space<hbm>>
        tpu.wait_indirect_dma semaphore(%arg15 : memref<!tpu.dma_semaphore, #tpu.memory_space<semaphore_mem>>) src(%dma_wait3A_185 : memref<10000x64xf32, #tpu.memory_space<hbm>>) dst(%arg10 : memref<125x64xf32, #tpu.memory_space<vmem>>)
        %dma_start3A_186 = arith.constant 0 : i32
        %dma_start3A_187 = tpu.memref_slice %arg6[%add3A_175, %dma_start3A_186] : memref<160x125xi32, #tpu.memory_space<vmem>> -> memref<1x125xi32, #tpu.memory_space<vmem>>
        %dma_start3A_188 = tpu.memref_squeeze %dma_start3A_187 : memref<1x125xi32, #tpu.memory_space<vmem>> -> memref<125xi32, #tpu.memory_space<vmem>>
        %dma_start3A_189 = arith.constant 0 : i32
        %dma_start3A_190 = arith.constant 0 : i32
        %dma_start3A_191 = tpu.memref_slice %arg11[%dma_start3A_189, %dma_start3A_190] : memref<10000x64xf32, #tpu.memory_space<vmem_shared>> -> memref<10000x64xf32, #tpu.memory_space<vmem_shared>>
        tpu.enqueue_indirect_dma source(%arg10 : memref<125x64xf32, #tpu.memory_space<vmem>>) target(%dma_start3A_191 : memref<10000x64xf32, #tpu.memory_space<vmem_shared>>) offsets(%dma_start3A_188 : memref<125xi32, #tpu.memory_space<vmem>>) semaphore(%arg19 : memref<!tpu.dma_semaphore, #tpu.memory_space<semaphore_mem>>) {add = true}
        %mul3A_192 = arith.constant 4 : i32
        %mul3A_193 = arith.muli %scan3A_111, %mul3A_192 : i32
        %add3A_194 = arith.constant 0 : i32
        %add3A_195 = arith.addi %mul3A_193, %add3A_194 : i32
        %dma_wait3A_196 = arith.constant 0 : i32
        %dma_wait3A_197 = tpu.memref_slice %arg6[%add3A_195, %dma_wait3A_196] : memref<160x125xi32, #tpu.memory_space<vmem>> -> memref<1x125xi32, #tpu.memory_space<vmem>>
        %dma_wait3A_198 = tpu.memref_squeeze %dma_wait3A_197 : memref<1x125xi32, #tpu.memory_space<vmem>> -> memref<125xi32, #tpu.memory_space<vmem>>
        %dma_wait3A_199 = arith.constant 0 : i32
        %dma_wait3A_200 = arith.constant 0 : i32
        %dma_wait3A_201 = tpu.memref_slice %arg11[%dma_wait3A_199, %dma_wait3A_200] : memref<10000x64xf32, #tpu.memory_space<vmem_shared>> -> memref<10000x64xf32, #tpu.memory_space<vmem_shared>>
        tpu.wait_indirect_dma semaphore(%arg16 : memref<!tpu.dma_semaphore, #tpu.memory_space<semaphore_mem>>) src(%arg7 : memref<125x64xf32, #tpu.memory_space<vmem>>) dst(%dma_wait3A_201 : memref<10000x64xf32, #tpu.memory_space<vmem_shared>>)
        %add3A_202 = arith.constant 4 : i32
        %add3A_203 = arith.addi %add3A_195, %add3A_202 : i32
        %lt3A = arith.constant 160 : i32
        %lt3A_204 = arith.cmpi slt, %add3A_203, %lt3A : i32
        %convert_element_type3A_205 = arith.extui %lt3A_204 : i1 to i32
        %cond3A_206 = arith.constant 0 : i32
        %cond3A_207 = arith.cmpi ne, %convert_element_type3A_205, %cond3A_206 : i32
        scf.if %cond3A_207 {
          %dma_start3A_260 = arith.constant 0 : i32
          %dma_start3A_261 = tpu.memref_slice %arg5[%add3A_203, %dma_start3A_260] : memref<160x125xi32, #tpu.memory_space<vmem>> -> memref<1x125xi32, #tpu.memory_space<vmem>>
          %dma_start3A_262 = tpu.memref_squeeze %dma_start3A_261 : memref<1x125xi32, #tpu.memory_space<vmem>> -> memref<125xi32, #tpu.memory_space<vmem>>
          %dma_start3A_263 = arith.constant 0 : i32
          %dma_start3A_264 = arith.constant 0 : i32
          %dma_start3A_265 = tpu.memref_slice %arg3[%scan3A, %dma_start3A_263, %dma_start3A_264] : memref<2x10000x64xf32, #tpu.memory_space<hbm>> -> memref<1x10000x64xf32, #tpu.memory_space<hbm>>
          %dma_start3A_266 = tpu.memref_squeeze %dma_start3A_265 : memref<1x10000x64xf32, #tpu.memory_space<hbm>> -> memref<10000x64xf32, #tpu.memory_space<hbm>>
          %dma_start3A_267 = arith.constant 0 : i32
          %dma_start3A_268 = arith.constant 0 : i32
          %dma_start3A_269 = tpu.memref_slice %dma_start3A_266[%dma_start3A_267, %dma_start3A_268] : memref<10000x64xf32, #tpu.memory_space<hbm>> -> memref<10000x64xf32, #tpu.memory_space<hbm>>
          tpu.enqueue_indirect_dma source(%dma_start3A_269 : memref<10000x64xf32, #tpu.memory_space<hbm>>) target(%arg7 : memref<125x64xf32, #tpu.memory_space<vmem>>) offsets(%dma_start3A_262 : memref<125xi32, #tpu.memory_space<vmem>>) semaphore(%arg12 : memref<!tpu.dma_semaphore, #tpu.memory_space<semaphore_mem>>)
        } else {
        }
        %mul3A_208 = arith.constant 4 : i32
        %mul3A_209 = arith.muli %scan3A_111, %mul3A_208 : i32
        %add3A_210 = arith.constant 1 : i32
        %add3A_211 = arith.addi %mul3A_209, %add3A_210 : i32
        %dma_wait3A_212 = arith.constant 0 : i32
        %dma_wait3A_213 = tpu.memref_slice %arg6[%add3A_211, %dma_wait3A_212] : memref<160x125xi32, #tpu.memory_space<vmem>> -> memref<1x125xi32, #tpu.memory_space<vmem>>
        %dma_wait3A_214 = tpu.memref_squeeze %dma_wait3A_213 : memref<1x125xi32, #tpu.memory_space<vmem>> -> memref<125xi32, #tpu.memory_space<vmem>>
        %dma_wait3A_215 = arith.constant 0 : i32
        %dma_wait3A_216 = arith.constant 0 : i32
        %dma_wait3A_217 = tpu.memref_slice %arg11[%dma_wait3A_215, %dma_wait3A_216] : memref<10000x64xf32, #tpu.memory_space<vmem_shared>> -> memref<10000x64xf32, #tpu.memory_space<vmem_shared>>
        tpu.wait_indirect_dma semaphore(%arg17 : memref<!tpu.dma_semaphore, #tpu.memory_space<semaphore_mem>>) src(%arg8 : memref<125x64xf32, #tpu.memory_space<vmem>>) dst(%dma_wait3A_217 : memref<10000x64xf32, #tpu.memory_space<vmem_shared>>)
        %add3A_218 = arith.constant 4 : i32
        %add3A_219 = arith.addi %add3A_211, %add3A_218 : i32
        %lt3A_220 = arith.constant 160 : i32
        %lt3A_221 = arith.cmpi slt, %add3A_219, %lt3A_220 : i32
        %convert_element_type3A_222 = arith.extui %lt3A_221 : i1 to i32
        %cond3A_223 = arith.constant 0 : i32
        %cond3A_224 = arith.cmpi ne, %convert_element_type3A_222, %cond3A_223 : i32
        scf.if %cond3A_224 {
          %dma_start3A_260 = arith.constant 0 : i32
          %dma_start3A_261 = tpu.memref_slice %arg5[%add3A_219, %dma_start3A_260] : memref<160x125xi32, #tpu.memory_space<vmem>> -> memref<1x125xi32, #tpu.memory_space<vmem>>
          %dma_start3A_262 = tpu.memref_squeeze %dma_start3A_261 : memref<1x125xi32, #tpu.memory_space<vmem>> -> memref<125xi32, #tpu.memory_space<vmem>>
          %dma_start3A_263 = arith.constant 0 : i32
          %dma_start3A_264 = arith.constant 0 : i32
          %dma_start3A_265 = tpu.memref_slice %arg3[%scan3A, %dma_start3A_263, %dma_start3A_264] : memref<2x10000x64xf32, #tpu.memory_space<hbm>> -> memref<1x10000x64xf32, #tpu.memory_space<hbm>>
          %dma_start3A_266 = tpu.memref_squeeze %dma_start3A_265 : memref<1x10000x64xf32, #tpu.memory_space<hbm>> -> memref<10000x64xf32, #tpu.memory_space<hbm>>
          %dma_start3A_267 = arith.constant 0 : i32
          %dma_start3A_268 = arith.constant 0 : i32
          %dma_start3A_269 = tpu.memref_slice %dma_start3A_266[%dma_start3A_267, %dma_start3A_268] : memref<10000x64xf32, #tpu.memory_space<hbm>> -> memref<10000x64xf32, #tpu.memory_space<hbm>>
          tpu.enqueue_indirect_dma source(%dma_start3A_269 : memref<10000x64xf32, #tpu.memory_space<hbm>>) target(%arg8 : memref<125x64xf32, #tpu.memory_space<vmem>>) offsets(%dma_start3A_262 : memref<125xi32, #tpu.memory_space<vmem>>) semaphore(%arg13 : memref<!tpu.dma_semaphore, #tpu.memory_space<semaphore_mem>>)
        } else {
        }
        %mul3A_225 = arith.constant 4 : i32
        %mul3A_226 = arith.muli %scan3A_111, %mul3A_225 : i32
        %add3A_227 = arith.constant 2 : i32
        %add3A_228 = arith.addi %mul3A_226, %add3A_227 : i32
        %dma_wait3A_229 = arith.constant 0 : i32
        %dma_wait3A_230 = tpu.memref_slice %arg6[%add3A_228, %dma_wait3A_229] : memref<160x125xi32, #tpu.memory_space<vmem>> -> memref<1x125xi32, #tpu.memory_space<vmem>>
        %dma_wait3A_231 = tpu.memref_squeeze %dma_wait3A_230 : memref<1x125xi32, #tpu.memory_space<vmem>> -> memref<125xi32, #tpu.memory_space<vmem>>
        %dma_wait3A_232 = arith.constant 0 : i32
        %dma_wait3A_233 = arith.constant 0 : i32
        %dma_wait3A_234 = tpu.memref_slice %arg11[%dma_wait3A_232, %dma_wait3A_233] : memref<10000x64xf32, #tpu.memory_space<vmem_shared>> -> memref<10000x64xf32, #tpu.memory_space<vmem_shared>>
        tpu.wait_indirect_dma semaphore(%arg18 : memref<!tpu.dma_semaphore, #tpu.memory_space<semaphore_mem>>) src(%arg9 : memref<125x64xf32, #tpu.memory_space<vmem>>) dst(%dma_wait3A_234 : memref<10000x64xf32, #tpu.memory_space<vmem_shared>>)
        %add3A_235 = arith.constant 4 : i32
        %add3A_236 = arith.addi %add3A_228, %add3A_235 : i32
        %lt3A_237 = arith.constant 160 : i32
        %lt3A_238 = arith.cmpi slt, %add3A_236, %lt3A_237 : i32
        %convert_element_type3A_239 = arith.extui %lt3A_238 : i1 to i32
        %cond3A_240 = arith.constant 0 : i32
        %cond3A_241 = arith.cmpi ne, %convert_element_type3A_239, %cond3A_240 : i32
        scf.if %cond3A_241 {
          %dma_start3A_260 = arith.constant 0 : i32
          %dma_start3A_261 = tpu.memref_slice %arg5[%add3A_236, %dma_start3A_260] : memref<160x125xi32, #tpu.memory_space<vmem>> -> memref<1x125xi32, #tpu.memory_space<vmem>>
          %dma_start3A_262 = tpu.memref_squeeze %dma_start3A_261 : memref<1x125xi32, #tpu.memory_space<vmem>> -> memref<125xi32, #tpu.memory_space<vmem>>
          %dma_start3A_263 = arith.constant 0 : i32
          %dma_start3A_264 = arith.constant 0 : i32
          %dma_start3A_265 = tpu.memref_slice %arg3[%scan3A, %dma_start3A_263, %dma_start3A_264] : memref<2x10000x64xf32, #tpu.memory_space<hbm>> -> memref<1x10000x64xf32, #tpu.memory_space<hbm>>
          %dma_start3A_266 = tpu.memref_squeeze %dma_start3A_265 : memref<1x10000x64xf32, #tpu.memory_space<hbm>> -> memref<10000x64xf32, #tpu.memory_space<hbm>>
          %dma_start3A_267 = arith.constant 0 : i32
          %dma_start3A_268 = arith.constant 0 : i32
          %dma_start3A_269 = tpu.memref_slice %dma_start3A_266[%dma_start3A_267, %dma_start3A_268] : memref<10000x64xf32, #tpu.memory_space<hbm>> -> memref<10000x64xf32, #tpu.memory_space<hbm>>
          tpu.enqueue_indirect_dma source(%dma_start3A_269 : memref<10000x64xf32, #tpu.memory_space<hbm>>) target(%arg9 : memref<125x64xf32, #tpu.memory_space<vmem>>) offsets(%dma_start3A_262 : memref<125xi32, #tpu.memory_space<vmem>>) semaphore(%arg14 : memref<!tpu.dma_semaphore, #tpu.memory_space<semaphore_mem>>)
        } else {
        }
        %mul3A_242 = arith.constant 4 : i32
        %mul3A_243 = arith.muli %scan3A_111, %mul3A_242 : i32
        %add3A_244 = arith.constant 3 : i32
        %add3A_245 = arith.addi %mul3A_243, %add3A_244 : i32
        %dma_wait3A_246 = arith.constant 0 : i32
        %dma_wait3A_247 = tpu.memref_slice %arg6[%add3A_245, %dma_wait3A_246] : memref<160x125xi32, #tpu.memory_space<vmem>> -> memref<1x125xi32, #tpu.memory_space<vmem>>
        %dma_wait3A_248 = tpu.memref_squeeze %dma_wait3A_247 : memref<1x125xi32, #tpu.memory_space<vmem>> -> memref<125xi32, #tpu.memory_space<vmem>>
        %dma_wait3A_249 = arith.constant 0 : i32
        %dma_wait3A_250 = arith.constant 0 : i32
        %dma_wait3A_251 = tpu.memref_slice %arg11[%dma_wait3A_249, %dma_wait3A_250] : memref<10000x64xf32, #tpu.memory_space<vmem_shared>> -> memref<10000x64xf32, #tpu.memory_space<vmem_shared>>
        tpu.wait_indirect_dma semaphore(%arg19 : memref<!tpu.dma_semaphore, #tpu.memory_space<semaphore_mem>>) src(%arg10 : memref<125x64xf32, #tpu.memory_space<vmem>>) dst(%dma_wait3A_251 : memref<10000x64xf32, #tpu.memory_space<vmem_shared>>)
        %add3A_252 = arith.constant 4 : i32
        %add3A_253 = arith.addi %add3A_245, %add3A_252 : i32
        %lt3A_254 = arith.constant 160 : i32
        %lt3A_255 = arith.cmpi slt, %add3A_253, %lt3A_254 : i32
        %convert_element_type3A_256 = arith.extui %lt3A_255 : i1 to i32
        %cond3A_257 = arith.constant 0 : i32
        %cond3A_258 = arith.cmpi ne, %convert_element_type3A_256, %cond3A_257 : i32
        scf.if %cond3A_258 {
          %dma_start3A_260 = arith.constant 0 : i32
          %dma_start3A_261 = tpu.memref_slice %arg5[%add3A_253, %dma_start3A_260] : memref<160x125xi32, #tpu.memory_space<vmem>> -> memref<1x125xi32, #tpu.memory_space<vmem>>
          %dma_start3A_262 = tpu.memref_squeeze %dma_start3A_261 : memref<1x125xi32, #tpu.memory_space<vmem>> -> memref<125xi32, #tpu.memory_space<vmem>>
          %dma_start3A_263 = arith.constant 0 : i32
          %dma_start3A_264 = arith.constant 0 : i32
          %dma_start3A_265 = tpu.memref_slice %arg3[%scan3A, %dma_start3A_263, %dma_start3A_264] : memref<2x10000x64xf32, #tpu.memory_space<hbm>> -> memref<1x10000x64xf32, #tpu.memory_space<hbm>>
          %dma_start3A_266 = tpu.memref_squeeze %dma_start3A_265 : memref<1x10000x64xf32, #tpu.memory_space<hbm>> -> memref<10000x64xf32, #tpu.memory_space<hbm>>
          %dma_start3A_267 = arith.constant 0 : i32
          %dma_start3A_268 = arith.constant 0 : i32
          %dma_start3A_269 = tpu.memref_slice %dma_start3A_266[%dma_start3A_267, %dma_start3A_268] : memref<10000x64xf32, #tpu.memory_space<hbm>> -> memref<10000x64xf32, #tpu.memory_space<hbm>>
          tpu.enqueue_indirect_dma source(%dma_start3A_269 : memref<10000x64xf32, #tpu.memory_space<hbm>>) target(%arg10 : memref<125x64xf32, #tpu.memory_space<vmem>>) offsets(%dma_start3A_262 : memref<125xi32, #tpu.memory_space<vmem>>) semaphore(%arg15 : memref<!tpu.dma_semaphore, #tpu.memory_space<semaphore_mem>>)
        } else {
        }
        %scan3A_259 = arith.constant 0 : i32
        scf.yield %scan3A_259 : i32
      }
      %scan3A_110 = arith.constant 40 : i32
    } else {
    }
    %eq3A_21 = arith.constant 1 : i32
    %eq3A_22 = arith.cmpi eq, %arg0, %eq3A_21 : i32
    %convert_element_type3A_23 = arith.extui %eq3A_22 : i1 to i32
    %cond3A_24 = arith.constant 0 : i32
    %cond3A_25 = arith.cmpi ne, %convert_element_type3A_23, %cond3A_24 : i32
    scf.if %cond3A_25 {
      %dma_start3A = arith.constant 1 : i32
      %dma_start3A_57 = arith.constant 0 : i32
      %dma_start3A_58 = arith.constant 0 : i32
      %dma_start3A_59 = tpu.memref_slice %arg5[%dma_start3A_57, %dma_start3A_58] : memref<160x125xi32, #tpu.memory_space<vmem>> -> memref<1x125xi32, #tpu.memory_space<vmem>>
      %dma_start3A_60 = tpu.memref_squeeze %dma_start3A_59 : memref<1x125xi32, #tpu.memory_space<vmem>> -> memref<125xi32, #tpu.memory_space<vmem>>
      %dma_start3A_61 = arith.constant 0 : i32
      %dma_start3A_62 = arith.constant 0 : i32
      %dma_start3A_63 = tpu.memref_slice %arg3[%dma_start3A, %dma_start3A_61, %dma_start3A_62] : memref<2x10000x64xf32, #tpu.memory_space<hbm>> -> memref<1x10000x64xf32, #tpu.memory_space<hbm>>
      %dma_start3A_64 = tpu.memref_squeeze %dma_start3A_63 : memref<1x10000x64xf32, #tpu.memory_space<hbm>> -> memref<10000x64xf32, #tpu.memory_space<hbm>>
      %dma_start3A_65 = arith.constant 0 : i32
      %dma_start3A_66 = arith.constant 0 : i32
      %dma_start3A_67 = tpu.memref_slice %dma_start3A_64[%dma_start3A_65, %dma_start3A_66] : memref<10000x64xf32, #tpu.memory_space<hbm>> -> memref<10000x64xf32, #tpu.memory_space<hbm>>
      tpu.enqueue_indirect_dma source(%dma_start3A_67 : memref<10000x64xf32, #tpu.memory_space<hbm>>) target(%arg7 : memref<125x64xf32, #tpu.memory_space<vmem>>) offsets(%dma_start3A_60 : memref<125xi32, #tpu.memory_space<vmem>>) semaphore(%arg12 : memref<!tpu.dma_semaphore, #tpu.memory_space<semaphore_mem>>)
      %dma_start3A_68 = arith.constant 1 : i32
      %dma_start3A_69 = arith.constant 1 : i32
      %dma_start3A_70 = arith.constant 0 : i32
      %dma_start3A_71 = tpu.memref_slice %arg5[%dma_start3A_69, %dma_start3A_70] : memref<160x125xi32, #tpu.memory_space<vmem>> -> memref<1x125xi32, #tpu.memory_space<vmem>>
      %dma_start3A_72 = tpu.memref_squeeze %dma_start3A_71 : memref<1x125xi32, #tpu.memory_space<vmem>> -> memref<125xi32, #tpu.memory_space<vmem>>
      %dma_start3A_73 = arith.constant 0 : i32
      %dma_start3A_74 = arith.constant 0 : i32
      %dma_start3A_75 = tpu.memref_slice %arg3[%dma_start3A_68, %dma_start3A_73, %dma_start3A_74] : memref<2x10000x64xf32, #tpu.memory_space<hbm>> -> memref<1x10000x64xf32, #tpu.memory_space<hbm>>
      %dma_start3A_76 = tpu.memref_squeeze %dma_start3A_75 : memref<1x10000x64xf32, #tpu.memory_space<hbm>> -> memref<10000x64xf32, #tpu.memory_space<hbm>>
      %dma_start3A_77 = arith.constant 0 : i32
      %dma_start3A_78 = arith.constant 0 : i32
      %dma_start3A_79 = tpu.memref_slice %dma_start3A_76[%dma_start3A_77, %dma_start3A_78] : memref<10000x64xf32, #tpu.memory_space<hbm>> -> memref<10000x64xf32, #tpu.memory_space<hbm>>
      tpu.enqueue_indirect_dma source(%dma_start3A_79 : memref<10000x64xf32, #tpu.memory_space<hbm>>) target(%arg8 : memref<125x64xf32, #tpu.memory_space<vmem>>) offsets(%dma_start3A_72 : memref<125xi32, #tpu.memory_space<vmem>>) semaphore(%arg13 : memref<!tpu.dma_semaphore, #tpu.memory_space<semaphore_mem>>)
      %dma_start3A_80 = arith.constant 1 : i32
      %dma_start3A_81 = arith.constant 2 : i32
      %dma_start3A_82 = arith.constant 0 : i32
      %dma_start3A_83 = tpu.memref_slice %arg5[%dma_start3A_81, %dma_start3A_82] : memref<160x125xi32, #tpu.memory_space<vmem>> -> memref<1x125xi32, #tpu.memory_space<vmem>>
      %dma_start3A_84 = tpu.memref_squeeze %dma_start3A_83 : memref<1x125xi32, #tpu.memory_space<vmem>> -> memref<125xi32, #tpu.memory_space<vmem>>
      %dma_start3A_85 = arith.constant 0 : i32
      %dma_start3A_86 = arith.constant 0 : i32
      %dma_start3A_87 = tpu.memref_slice %arg3[%dma_start3A_80, %dma_start3A_85, %dma_start3A_86] : memref<2x10000x64xf32, #tpu.memory_space<hbm>> -> memref<1x10000x64xf32, #tpu.memory_space<hbm>>
      %dma_start3A_88 = tpu.memref_squeeze %dma_start3A_87 : memref<1x10000x64xf32, #tpu.memory_space<hbm>> -> memref<10000x64xf32, #tpu.memory_space<hbm>>
      %dma_start3A_89 = arith.constant 0 : i32
      %dma_start3A_90 = arith.constant 0 : i32
      %dma_start3A_91 = tpu.memref_slice %dma_start3A_88[%dma_start3A_89, %dma_start3A_90] : memref<10000x64xf32, #tpu.memory_space<hbm>> -> memref<10000x64xf32, #tpu.memory_space<hbm>>
      tpu.enqueue_indirect_dma source(%dma_start3A_91 : memref<10000x64xf32, #tpu.memory_space<hbm>>) target(%arg9 : memref<125x64xf32, #tpu.memory_space<vmem>>) offsets(%dma_start3A_84 : memref<125xi32, #tpu.memory_space<vmem>>) semaphore(%arg14 : memref<!tpu.dma_semaphore, #tpu.memory_space<semaphore_mem>>)
      %dma_start3A_92 = arith.constant 1 : i32
      %dma_start3A_93 = arith.constant 3 : i32
      %dma_start3A_94 = arith.constant 0 : i32
      %dma_start3A_95 = tpu.memref_slice %arg5[%dma_start3A_93, %dma_start3A_94] : memref<160x125xi32, #tpu.memory_space<vmem>> -> memref<1x125xi32, #tpu.memory_space<vmem>>
      %dma_start3A_96 = tpu.memref_squeeze %dma_start3A_95 : memref<1x125xi32, #tpu.memory_space<vmem>> -> memref<125xi32, #tpu.memory_space<vmem>>
      %dma_start3A_97 = arith.constant 0 : i32
      %dma_start3A_98 = arith.constant 0 : i32
      %dma_start3A_99 = tpu.memref_slice %arg3[%dma_start3A_92, %dma_start3A_97, %dma_start3A_98] : memref<2x10000x64xf32, #tpu.memory_space<hbm>> -> memref<1x10000x64xf32, #tpu.memory_space<hbm>>
      %dma_start3A_100 = tpu.memref_squeeze %dma_start3A_99 : memref<1x10000x64xf32, #tpu.memory_space<hbm>> -> memref<10000x64xf32, #tpu.memory_space<hbm>>
      %dma_start3A_101 = arith.constant 0 : i32
      %dma_start3A_102 = arith.constant 0 : i32
      %dma_start3A_103 = tpu.memref_slice %dma_start3A_100[%dma_start3A_101, %dma_start3A_102] : memref<10000x64xf32, #tpu.memory_space<hbm>> -> memref<10000x64xf32, #tpu.memory_space<hbm>>
      tpu.enqueue_indirect_dma source(%dma_start3A_103 : memref<10000x64xf32, #tpu.memory_space<hbm>>) target(%arg10 : memref<125x64xf32, #tpu.memory_space<vmem>>) offsets(%dma_start3A_96 : memref<125xi32, #tpu.memory_space<vmem>>) semaphore(%arg15 : memref<!tpu.dma_semaphore, #tpu.memory_space<semaphore_mem>>)
      %scan3A = arith.constant 1 : i32
      %scan3A_104 = arith.constant 0 : i32
      %scan3A_105 = arith.constant 0 : i32
      %scan3A_106 = arith.constant 40 : i32
      %scan3A_107 = arith.addi %scan3A_105, %scan3A_106 : i32
      %scan3A_108 = arith.constant 1 : i32
      %scan3A_109 = scf.for %scan3A_111 = %scan3A_105 to %scan3A_107 step %scan3A_108 iter_args(%scan3A_112 = %scan3A_104) -> (i32)  : i32 {
        %mul3A_113 = arith.constant 4 : i32
        %mul3A_114 = arith.muli %scan3A_111, %mul3A_113 : i32
        %add3A_115 = arith.constant 0 : i32
        %add3A_116 = arith.addi %mul3A_114, %add3A_115 : i32
        %dma_wait3A = arith.constant 0 : i32
        %dma_wait3A_117 = tpu.memref_slice %arg5[%add3A_116, %dma_wait3A] : memref<160x125xi32, #tpu.memory_space<vmem>> -> memref<1x125xi32, #tpu.memory_space<vmem>>
        %dma_wait3A_118 = tpu.memref_squeeze %dma_wait3A_117 : memref<1x125xi32, #tpu.memory_space<vmem>> -> memref<125xi32, #tpu.memory_space<vmem>>
        %dma_wait3A_119 = arith.constant 0 : i32
        %dma_wait3A_120 = arith.constant 0 : i32
        %dma_wait3A_121 = tpu.memref_slice %arg3[%scan3A, %dma_wait3A_119, %dma_wait3A_120] : memref<2x10000x64xf32, #tpu.memory_space<hbm>> -> memref<1x10000x64xf32, #tpu.memory_space<hbm>>
        %dma_wait3A_122 = tpu.memref_squeeze %dma_wait3A_121 : memref<1x10000x64xf32, #tpu.memory_space<hbm>> -> memref<10000x64xf32, #tpu.memory_space<hbm>>
        %dma_wait3A_123 = arith.constant 0 : i32
        %dma_wait3A_124 = arith.constant 0 : i32
        %dma_wait3A_125 = tpu.memref_slice %dma_wait3A_122[%dma_wait3A_123, %dma_wait3A_124] : memref<10000x64xf32, #tpu.memory_space<hbm>> -> memref<10000x64xf32, #tpu.memory_space<hbm>>
        tpu.wait_indirect_dma semaphore(%arg12 : memref<!tpu.dma_semaphore, #tpu.memory_space<semaphore_mem>>) src(%dma_wait3A_125 : memref<10000x64xf32, #tpu.memory_space<hbm>>) dst(%arg7 : memref<125x64xf32, #tpu.memory_space<vmem>>)
        %dma_start3A_126 = arith.constant 0 : i32
        %dma_start3A_127 = tpu.memref_slice %arg6[%add3A_116, %dma_start3A_126] : memref<160x125xi32, #tpu.memory_space<vmem>> -> memref<1x125xi32, #tpu.memory_space<vmem>>
        %dma_start3A_128 = tpu.memref_squeeze %dma_start3A_127 : memref<1x125xi32, #tpu.memory_space<vmem>> -> memref<125xi32, #tpu.memory_space<vmem>>
        %dma_start3A_129 = arith.constant 0 : i32
        %dma_start3A_130 = arith.constant 0 : i32
        %dma_start3A_131 = tpu.memref_slice %arg11[%dma_start3A_129, %dma_start3A_130] : memref<10000x64xf32, #tpu.memory_space<vmem_shared>> -> memref<10000x64xf32, #tpu.memory_space<vmem_shared>>
        tpu.enqueue_indirect_dma source(%arg7 : memref<125x64xf32, #tpu.memory_space<vmem>>) target(%dma_start3A_131 : memref<10000x64xf32, #tpu.memory_space<vmem_shared>>) offsets(%dma_start3A_128 : memref<125xi32, #tpu.memory_space<vmem>>) semaphore(%arg16 : memref<!tpu.dma_semaphore, #tpu.memory_space<semaphore_mem>>) {add = true}
        %mul3A_132 = arith.constant 4 : i32
        %mul3A_133 = arith.muli %scan3A_111, %mul3A_132 : i32
        %add3A_134 = arith.constant 1 : i32
        %add3A_135 = arith.addi %mul3A_133, %add3A_134 : i32
        %dma_wait3A_136 = arith.constant 0 : i32
        %dma_wait3A_137 = tpu.memref_slice %arg5[%add3A_135, %dma_wait3A_136] : memref<160x125xi32, #tpu.memory_space<vmem>> -> memref<1x125xi32, #tpu.memory_space<vmem>>
        %dma_wait3A_138 = tpu.memref_squeeze %dma_wait3A_137 : memref<1x125xi32, #tpu.memory_space<vmem>> -> memref<125xi32, #tpu.memory_space<vmem>>
        %dma_wait3A_139 = arith.constant 0 : i32
        %dma_wait3A_140 = arith.constant 0 : i32
        %dma_wait3A_141 = tpu.memref_slice %arg3[%scan3A, %dma_wait3A_139, %dma_wait3A_140] : memref<2x10000x64xf32, #tpu.memory_space<hbm>> -> memref<1x10000x64xf32, #tpu.memory_space<hbm>>
        %dma_wait3A_142 = tpu.memref_squeeze %dma_wait3A_141 : memref<1x10000x64xf32, #tpu.memory_space<hbm>> -> memref<10000x64xf32, #tpu.memory_space<hbm>>
        %dma_wait3A_143 = arith.constant 0 : i32
        %dma_wait3A_144 = arith.constant 0 : i32
        %dma_wait3A_145 = tpu.memref_slice %dma_wait3A_142[%dma_wait3A_143, %dma_wait3A_144] : memref<10000x64xf32, #tpu.memory_space<hbm>> -> memref<10000x64xf32, #tpu.memory_space<hbm>>
        tpu.wait_indirect_dma semaphore(%arg13 : memref<!tpu.dma_semaphore, #tpu.memory_space<semaphore_mem>>) src(%dma_wait3A_145 : memref<10000x64xf32, #tpu.memory_space<hbm>>) dst(%arg8 : memref<125x64xf32, #tpu.memory_space<vmem>>)
        %dma_start3A_146 = arith.constant 0 : i32
        %dma_start3A_147 = tpu.memref_slice %arg6[%add3A_135, %dma_start3A_146] : memref<160x125xi32, #tpu.memory_space<vmem>> -> memref<1x125xi32, #tpu.memory_space<vmem>>
        %dma_start3A_148 = tpu.memref_squeeze %dma_start3A_147 : memref<1x125xi32, #tpu.memory_space<vmem>> -> memref<125xi32, #tpu.memory_space<vmem>>
        %dma_start3A_149 = arith.constant 0 : i32
        %dma_start3A_150 = arith.constant 0 : i32
        %dma_start3A_151 = tpu.memref_slice %arg11[%dma_start3A_149, %dma_start3A_150] : memref<10000x64xf32, #tpu.memory_space<vmem_shared>> -> memref<10000x64xf32, #tpu.memory_space<vmem_shared>>
        tpu.enqueue_indirect_dma source(%arg8 : memref<125x64xf32, #tpu.memory_space<vmem>>) target(%dma_start3A_151 : memref<10000x64xf32, #tpu.memory_space<vmem_shared>>) offsets(%dma_start3A_148 : memref<125xi32, #tpu.memory_space<vmem>>) semaphore(%arg17 : memref<!tpu.dma_semaphore, #tpu.memory_space<semaphore_mem>>) {add = true}
        %mul3A_152 = arith.constant 4 : i32
        %mul3A_153 = arith.muli %scan3A_111, %mul3A_152 : i32
        %add3A_154 = arith.constant 2 : i32
        %add3A_155 = arith.addi %mul3A_153, %add3A_154 : i32
        %dma_wait3A_156 = arith.constant 0 : i32
        %dma_wait3A_157 = tpu.memref_slice %arg5[%add3A_155, %dma_wait3A_156] : memref<160x125xi32, #tpu.memory_space<vmem>> -> memref<1x125xi32, #tpu.memory_space<vmem>>
        %dma_wait3A_158 = tpu.memref_squeeze %dma_wait3A_157 : memref<1x125xi32, #tpu.memory_space<vmem>> -> memref<125xi32, #tpu.memory_space<vmem>>
        %dma_wait3A_159 = arith.constant 0 : i32
        %dma_wait3A_160 = arith.constant 0 : i32
        %dma_wait3A_161 = tpu.memref_slice %arg3[%scan3A, %dma_wait3A_159, %dma_wait3A_160] : memref<2x10000x64xf32, #tpu.memory_space<hbm>> -> memref<1x10000x64xf32, #tpu.memory_space<hbm>>
        %dma_wait3A_162 = tpu.memref_squeeze %dma_wait3A_161 : memref<1x10000x64xf32, #tpu.memory_space<hbm>> -> memref<10000x64xf32, #tpu.memory_space<hbm>>
        %dma_wait3A_163 = arith.constant 0 : i32
        %dma_wait3A_164 = arith.constant 0 : i32
        %dma_wait3A_165 = tpu.memref_slice %dma_wait3A_162[%dma_wait3A_163, %dma_wait3A_164] : memref<10000x64xf32, #tpu.memory_space<hbm>> -> memref<10000x64xf32, #tpu.memory_space<hbm>>
        tpu.wait_indirect_dma semaphore(%arg14 : memref<!tpu.dma_semaphore, #tpu.memory_space<semaphore_mem>>) src(%dma_wait3A_165 : memref<10000x64xf32, #tpu.memory_space<hbm>>) dst(%arg9 : memref<125x64xf32, #tpu.memory_space<vmem>>)
        %dma_start3A_166 = arith.constant 0 : i32
        %dma_start3A_167 = tpu.memref_slice %arg6[%add3A_155, %dma_start3A_166] : memref<160x125xi32, #tpu.memory_space<vmem>> -> memref<1x125xi32, #tpu.memory_space<vmem>>
        %dma_start3A_168 = tpu.memref_squeeze %dma_start3A_167 : memref<1x125xi32, #tpu.memory_space<vmem>> -> memref<125xi32, #tpu.memory_space<vmem>>
        %dma_start3A_169 = arith.constant 0 : i32
        %dma_start3A_170 = arith.constant 0 : i32
        %dma_start3A_171 = tpu.memref_slice %arg11[%dma_start3A_169, %dma_start3A_170] : memref<10000x64xf32, #tpu.memory_space<vmem_shared>> -> memref<10000x64xf32, #tpu.memory_space<vmem_shared>>
        tpu.enqueue_indirect_dma source(%arg9 : memref<125x64xf32, #tpu.memory_space<vmem>>) target(%dma_start3A_171 : memref<10000x64xf32, #tpu.memory_space<vmem_shared>>) offsets(%dma_start3A_168 : memref<125xi32, #tpu.memory_space<vmem>>) semaphore(%arg18 : memref<!tpu.dma_semaphore, #tpu.memory_space<semaphore_mem>>) {add = true}
        %mul3A_172 = arith.constant 4 : i32
        %mul3A_173 = arith.muli %scan3A_111, %mul3A_172 : i32
        %add3A_174 = arith.constant 3 : i32
        %add3A_175 = arith.addi %mul3A_173, %add3A_174 : i32
        %dma_wait3A_176 = arith.constant 0 : i32
        %dma_wait3A_177 = tpu.memref_slice %arg5[%add3A_175, %dma_wait3A_176] : memref<160x125xi32, #tpu.memory_space<vmem>> -> memref<1x125xi32, #tpu.memory_space<vmem>>
        %dma_wait3A_178 = tpu.memref_squeeze %dma_wait3A_177 : memref<1x125xi32, #tpu.memory_space<vmem>> -> memref<125xi32, #tpu.memory_space<vmem>>
        %dma_wait3A_179 = arith.constant 0 : i32
        %dma_wait3A_180 = arith.constant 0 : i32
        %dma_wait3A_181 = tpu.memref_slice %arg3[%scan3A, %dma_wait3A_179, %dma_wait3A_180] : memref<2x10000x64xf32, #tpu.memory_space<hbm>> -> memref<1x10000x64xf32, #tpu.memory_space<hbm>>
        %dma_wait3A_182 = tpu.memref_squeeze %dma_wait3A_181 : memref<1x10000x64xf32, #tpu.memory_space<hbm>> -> memref<10000x64xf32, #tpu.memory_space<hbm>>
        %dma_wait3A_183 = arith.constant 0 : i32
        %dma_wait3A_184 = arith.constant 0 : i32
        %dma_wait3A_185 = tpu.memref_slice %dma_wait3A_182[%dma_wait3A_183, %dma_wait3A_184] : memref<10000x64xf32, #tpu.memory_space<hbm>> -> memref<10000x64xf32, #tpu.memory_space<hbm>>
        tpu.wait_indirect_dma semaphore(%arg15 : memref<!tpu.dma_semaphore, #tpu.memory_space<semaphore_mem>>) src(%dma_wait3A_185 : memref<10000x64xf32, #tpu.memory_space<hbm>>) dst(%arg10 : memref<125x64xf32, #tpu.memory_space<vmem>>)
        %dma_start3A_186 = arith.constant 0 : i32
        %dma_start3A_187 = tpu.memref_slice %arg6[%add3A_175, %dma_start3A_186] : memref<160x125xi32, #tpu.memory_space<vmem>> -> memref<1x125xi32, #tpu.memory_space<vmem>>
        %dma_start3A_188 = tpu.memref_squeeze %dma_start3A_187 : memref<1x125xi32, #tpu.memory_space<vmem>> -> memref<125xi32, #tpu.memory_space<vmem>>
        %dma_start3A_189 = arith.constant 0 : i32
        %dma_start3A_190 = arith.constant 0 : i32
        %dma_start3A_191 = tpu.memref_slice %arg11[%dma_start3A_189, %dma_start3A_190] : memref<10000x64xf32, #tpu.memory_space<vmem_shared>> -> memref<10000x64xf32, #tpu.memory_space<vmem_shared>>
        tpu.enqueue_indirect_dma source(%arg10 : memref<125x64xf32, #tpu.memory_space<vmem>>) target(%dma_start3A_191 : memref<10000x64xf32, #tpu.memory_space<vmem_shared>>) offsets(%dma_start3A_188 : memref<125xi32, #tpu.memory_space<vmem>>) semaphore(%arg19 : memref<!tpu.dma_semaphore, #tpu.memory_space<semaphore_mem>>) {add = true}
        %mul3A_192 = arith.constant 4 : i32
        %mul3A_193 = arith.muli %scan3A_111, %mul3A_192 : i32
        %add3A_194 = arith.constant 0 : i32
        %add3A_195 = arith.addi %mul3A_193, %add3A_194 : i32
        %dma_wait3A_196 = arith.constant 0 : i32
        %dma_wait3A_197 = tpu.memref_slice %arg6[%add3A_195, %dma_wait3A_196] : memref<160x125xi32, #tpu.memory_space<vmem>> -> memref<1x125xi32, #tpu.memory_space<vmem>>
        %dma_wait3A_198 = tpu.memref_squeeze %dma_wait3A_197 : memref<1x125xi32, #tpu.memory_space<vmem>> -> memref<125xi32, #tpu.memory_space<vmem>>
        %dma_wait3A_199 = arith.constant 0 : i32
        %dma_wait3A_200 = arith.constant 0 : i32
        %dma_wait3A_201 = tpu.memref_slice %arg11[%dma_wait3A_199, %dma_wait3A_200] : memref<10000x64xf32, #tpu.memory_space<vmem_shared>> -> memref<10000x64xf32, #tpu.memory_space<vmem_shared>>
        tpu.wait_indirect_dma semaphore(%arg16 : memref<!tpu.dma_semaphore, #tpu.memory_space<semaphore_mem>>) src(%arg7 : memref<125x64xf32, #tpu.memory_space<vmem>>) dst(%dma_wait3A_201 : memref<10000x64xf32, #tpu.memory_space<vmem_shared>>)
        %add3A_202 = arith.constant 4 : i32
        %add3A_203 = arith.addi %add3A_195, %add3A_202 : i32
        %lt3A = arith.constant 160 : i32
        %lt3A_204 = arith.cmpi slt, %add3A_203, %lt3A : i32
        %convert_element_type3A_205 = arith.extui %lt3A_204 : i1 to i32
        %cond3A_206 = arith.constant 0 : i32
        %cond3A_207 = arith.cmpi ne, %convert_element_type3A_205, %cond3A_206 : i32
        scf.if %cond3A_207 {
          %dma_start3A_260 = arith.constant 0 : i32
          %dma_start3A_261 = tpu.memref_slice %arg5[%add3A_203, %dma_start3A_260] : memref<160x125xi32, #tpu.memory_space<vmem>> -> memref<1x125xi32, #tpu.memory_space<vmem>>
          %dma_start3A_262 = tpu.memref_squeeze %dma_start3A_261 : memref<1x125xi32, #tpu.memory_space<vmem>> -> memref<125xi32, #tpu.memory_space<vmem>>
          %dma_start3A_263 = arith.constant 0 : i32
          %dma_start3A_264 = arith.constant 0 : i32
          %dma_start3A_265 = tpu.memref_slice %arg3[%scan3A, %dma_start3A_263, %dma_start3A_264] : memref<2x10000x64xf32, #tpu.memory_space<hbm>> -> memref<1x10000x64xf32, #tpu.memory_space<hbm>>
          %dma_start3A_266 = tpu.memref_squeeze %dma_start3A_265 : memref<1x10000x64xf32, #tpu.memory_space<hbm>> -> memref<10000x64xf32, #tpu.memory_space<hbm>>
          %dma_start3A_267 = arith.constant 0 : i32
          %dma_start3A_268 = arith.constant 0 : i32
          %dma_start3A_269 = tpu.memref_slice %dma_start3A_266[%dma_start3A_267, %dma_start3A_268] : memref<10000x64xf32, #tpu.memory_space<hbm>> -> memref<10000x64xf32, #tpu.memory_space<hbm>>
          tpu.enqueue_indirect_dma source(%dma_start3A_269 : memref<10000x64xf32, #tpu.memory_space<hbm>>) target(%arg7 : memref<125x64xf32, #tpu.memory_space<vmem>>) offsets(%dma_start3A_262 : memref<125xi32, #tpu.memory_space<vmem>>) semaphore(%arg12 : memref<!tpu.dma_semaphore, #tpu.memory_space<semaphore_mem>>)
        } else {
        }
        %mul3A_208 = arith.constant 4 : i32
        %mul3A_209 = arith.muli %scan3A_111, %mul3A_208 : i32
        %add3A_210 = arith.constant 1 : i32
        %add3A_211 = arith.addi %mul3A_209, %add3A_210 : i32
        %dma_wait3A_212 = arith.constant 0 : i32
        %dma_wait3A_213 = tpu.memref_slice %arg6[%add3A_211, %dma_wait3A_212] : memref<160x125xi32, #tpu.memory_space<vmem>> -> memref<1x125xi32, #tpu.memory_space<vmem>>
        %dma_wait3A_214 = tpu.memref_squeeze %dma_wait3A_213 : memref<1x125xi32, #tpu.memory_space<vmem>> -> memref<125xi32, #tpu.memory_space<vmem>>
        %dma_wait3A_215 = arith.constant 0 : i32
        %dma_wait3A_216 = arith.constant 0 : i32
        %dma_wait3A_217 = tpu.memref_slice %arg11[%dma_wait3A_215, %dma_wait3A_216] : memref<10000x64xf32, #tpu.memory_space<vmem_shared>> -> memref<10000x64xf32, #tpu.memory_space<vmem_shared>>
        tpu.wait_indirect_dma semaphore(%arg17 : memref<!tpu.dma_semaphore, #tpu.memory_space<semaphore_mem>>) src(%arg8 : memref<125x64xf32, #tpu.memory_space<vmem>>) dst(%dma_wait3A_217 : memref<10000x64xf32, #tpu.memory_space<vmem_shared>>)
        %add3A_218 = arith.constant 4 : i32
        %add3A_219 = arith.addi %add3A_211, %add3A_218 : i32
        %lt3A_220 = arith.constant 160 : i32
        %lt3A_221 = arith.cmpi slt, %add3A_219, %lt3A_220 : i32
        %convert_element_type3A_222 = arith.extui %lt3A_221 : i1 to i32
        %cond3A_223 = arith.constant 0 : i32
        %cond3A_224 = arith.cmpi ne, %convert_element_type3A_222, %cond3A_223 : i32
        scf.if %cond3A_224 {
          %dma_start3A_260 = arith.constant 0 : i32
          %dma_start3A_261 = tpu.memref_slice %arg5[%add3A_219, %dma_start3A_260] : memref<160x125xi32, #tpu.memory_space<vmem>> -> memref<1x125xi32, #tpu.memory_space<vmem>>
          %dma_start3A_262 = tpu.memref_squeeze %dma_start3A_261 : memref<1x125xi32, #tpu.memory_space<vmem>> -> memref<125xi32, #tpu.memory_space<vmem>>
          %dma_start3A_263 = arith.constant 0 : i32
          %dma_start3A_264 = arith.constant 0 : i32
          %dma_start3A_265 = tpu.memref_slice %arg3[%scan3A, %dma_start3A_263, %dma_start3A_264] : memref<2x10000x64xf32, #tpu.memory_space<hbm>> -> memref<1x10000x64xf32, #tpu.memory_space<hbm>>
          %dma_start3A_266 = tpu.memref_squeeze %dma_start3A_265 : memref<1x10000x64xf32, #tpu.memory_space<hbm>> -> memref<10000x64xf32, #tpu.memory_space<hbm>>
          %dma_start3A_267 = arith.constant 0 : i32
          %dma_start3A_268 = arith.constant 0 : i32
          %dma_start3A_269 = tpu.memref_slice %dma_start3A_266[%dma_start3A_267, %dma_start3A_268] : memref<10000x64xf32, #tpu.memory_space<hbm>> -> memref<10000x64xf32, #tpu.memory_space<hbm>>
          tpu.enqueue_indirect_dma source(%dma_start3A_269 : memref<10000x64xf32, #tpu.memory_space<hbm>>) target(%arg8 : memref<125x64xf32, #tpu.memory_space<vmem>>) offsets(%dma_start3A_262 : memref<125xi32, #tpu.memory_space<vmem>>) semaphore(%arg13 : memref<!tpu.dma_semaphore, #tpu.memory_space<semaphore_mem>>)
        } else {
        }
        %mul3A_225 = arith.constant 4 : i32
        %mul3A_226 = arith.muli %scan3A_111, %mul3A_225 : i32
        %add3A_227 = arith.constant 2 : i32
        %add3A_228 = arith.addi %mul3A_226, %add3A_227 : i32
        %dma_wait3A_229 = arith.constant 0 : i32
        %dma_wait3A_230 = tpu.memref_slice %arg6[%add3A_228, %dma_wait3A_229] : memref<160x125xi32, #tpu.memory_space<vmem>> -> memref<1x125xi32, #tpu.memory_space<vmem>>
        %dma_wait3A_231 = tpu.memref_squeeze %dma_wait3A_230 : memref<1x125xi32, #tpu.memory_space<vmem>> -> memref<125xi32, #tpu.memory_space<vmem>>
        %dma_wait3A_232 = arith.constant 0 : i32
        %dma_wait3A_233 = arith.constant 0 : i32
        %dma_wait3A_234 = tpu.memref_slice %arg11[%dma_wait3A_232, %dma_wait3A_233] : memref<10000x64xf32, #tpu.memory_space<vmem_shared>> -> memref<10000x64xf32, #tpu.memory_space<vmem_shared>>
        tpu.wait_indirect_dma semaphore(%arg18 : memref<!tpu.dma_semaphore, #tpu.memory_space<semaphore_mem>>) src(%arg9 : memref<125x64xf32, #tpu.memory_space<vmem>>) dst(%dma_wait3A_234 : memref<10000x64xf32, #tpu.memory_space<vmem_shared>>)
        %add3A_235 = arith.constant 4 : i32
        %add3A_236 = arith.addi %add3A_228, %add3A_235 : i32
        %lt3A_237 = arith.constant 160 : i32
        %lt3A_238 = arith.cmpi slt, %add3A_236, %lt3A_237 : i32
        %convert_element_type3A_239 = arith.extui %lt3A_238 : i1 to i32
        %cond3A_240 = arith.constant 0 : i32
        %cond3A_241 = arith.cmpi ne, %convert_element_type3A_239, %cond3A_240 : i32
        scf.if %cond3A_241 {
          %dma_start3A_260 = arith.constant 0 : i32
          %dma_start3A_261 = tpu.memref_slice %arg5[%add3A_236, %dma_start3A_260] : memref<160x125xi32, #tpu.memory_space<vmem>> -> memref<1x125xi32, #tpu.memory_space<vmem>>
          %dma_start3A_262 = tpu.memref_squeeze %dma_start3A_261 : memref<1x125xi32, #tpu.memory_space<vmem>> -> memref<125xi32, #tpu.memory_space<vmem>>
          %dma_start3A_263 = arith.constant 0 : i32
          %dma_start3A_264 = arith.constant 0 : i32
          %dma_start3A_265 = tpu.memref_slice %arg3[%scan3A, %dma_start3A_263, %dma_start3A_264] : memref<2x10000x64xf32, #tpu.memory_space<hbm>> -> memref<1x10000x64xf32, #tpu.memory_space<hbm>>
          %dma_start3A_266 = tpu.memref_squeeze %dma_start3A_265 : memref<1x10000x64xf32, #tpu.memory_space<hbm>> -> memref<10000x64xf32, #tpu.memory_space<hbm>>
          %dma_start3A_267 = arith.constant 0 : i32
          %dma_start3A_268 = arith.constant 0 : i32
          %dma_start3A_269 = tpu.memref_slice %dma_start3A_266[%dma_start3A_267, %dma_start3A_268] : memref<10000x64xf32, #tpu.memory_space<hbm>> -> memref<10000x64xf32, #tpu.memory_space<hbm>>
          tpu.enqueue_indirect_dma source(%dma_start3A_269 : memref<10000x64xf32, #tpu.memory_space<hbm>>) target(%arg9 : memref<125x64xf32, #tpu.memory_space<vmem>>) offsets(%dma_start3A_262 : memref<125xi32, #tpu.memory_space<vmem>>) semaphore(%arg14 : memref<!tpu.dma_semaphore, #tpu.memory_space<semaphore_mem>>)
        } else {
        }
        %mul3A_242 = arith.constant 4 : i32
        %mul3A_243 = arith.muli %scan3A_111, %mul3A_242 : i32
        %add3A_244 = arith.constant 3 : i32
        %add3A_245 = arith.addi %mul3A_243, %add3A_244 : i32
        %dma_wait3A_246 = arith.constant 0 : i32
        %dma_wait3A_247 = tpu.memref_slice %arg6[%add3A_245, %dma_wait3A_246] : memref<160x125xi32, #tpu.memory_space<vmem>> -> memref<1x125xi32, #tpu.memory_space<vmem>>
        %dma_wait3A_248 = tpu.memref_squeeze %dma_wait3A_247 : memref<1x125xi32, #tpu.memory_space<vmem>> -> memref<125xi32, #tpu.memory_space<vmem>>
        %dma_wait3A_249 = arith.constant 0 : i32
        %dma_wait3A_250 = arith.constant 0 : i32
        %dma_wait3A_251 = tpu.memref_slice %arg11[%dma_wait3A_249, %dma_wait3A_250] : memref<10000x64xf32, #tpu.memory_space<vmem_shared>> -> memref<10000x64xf32, #tpu.memory_space<vmem_shared>>
        tpu.wait_indirect_dma semaphore(%arg19 : memref<!tpu.dma_semaphore, #tpu.memory_space<semaphore_mem>>) src(%arg10 : memref<125x64xf32, #tpu.memory_space<vmem>>) dst(%dma_wait3A_251 : memref<10000x64xf32, #tpu.memory_space<vmem_shared>>)
        %add3A_252 = arith.constant 4 : i32
        %add3A_253 = arith.addi %add3A_245, %add3A_252 : i32
        %lt3A_254 = arith.constant 160 : i32
        %lt3A_255 = arith.cmpi slt, %add3A_253, %lt3A_254 : i32
        %convert_element_type3A_256 = arith.extui %lt3A_255 : i1 to i32
        %cond3A_257 = arith.constant 0 : i32
        %cond3A_258 = arith.cmpi ne, %convert_element_type3A_256, %cond3A_257 : i32
        scf.if %cond3A_258 {
          %dma_start3A_260 = arith.constant 0 : i32
          %dma_start3A_261 = tpu.memref_slice %arg5[%add3A_253, %dma_start3A_260] : memref<160x125xi32, #tpu.memory_space<vmem>> -> memref<1x125xi32, #tpu.memory_space<vmem>>
          %dma_start3A_262 = tpu.memref_squeeze %dma_start3A_261 : memref<1x125xi32, #tpu.memory_space<vmem>> -> memref<125xi32, #tpu.memory_space<vmem>>
          %dma_start3A_263 = arith.constant 0 : i32
          %dma_start3A_264 = arith.constant 0 : i32
          %dma_start3A_265 = tpu.memref_slice %arg3[%scan3A, %dma_start3A_263, %dma_start3A_264] : memref<2x10000x64xf32, #tpu.memory_space<hbm>> -> memref<1x10000x64xf32, #tpu.memory_space<hbm>>
          %dma_start3A_266 = tpu.memref_squeeze %dma_start3A_265 : memref<1x10000x64xf32, #tpu.memory_space<hbm>> -> memref<10000x64xf32, #tpu.memory_space<hbm>>
          %dma_start3A_267 = arith.constant 0 : i32
          %dma_start3A_268 = arith.constant 0 : i32
          %dma_start3A_269 = tpu.memref_slice %dma_start3A_266[%dma_start3A_267, %dma_start3A_268] : memref<10000x64xf32, #tpu.memory_space<hbm>> -> memref<10000x64xf32, #tpu.memory_space<hbm>>
          tpu.enqueue_indirect_dma source(%dma_start3A_269 : memref<10000x64xf32, #tpu.memory_space<hbm>>) target(%arg10 : memref<125x64xf32, #tpu.memory_space<vmem>>) offsets(%dma_start3A_262 : memref<125xi32, #tpu.memory_space<vmem>>) semaphore(%arg15 : memref<!tpu.dma_semaphore, #tpu.memory_space<semaphore_mem>>)
        } else {
        }
        %scan3A_259 = arith.constant 0 : i32
        scf.yield %scan3A_259 : i32
      }
      %scan3A_110 = arith.constant 40 : i32
    } else {
    }
    %barrier3A_26 = arith.constant 0 : index
    tpu.barrier barrier_id(%barrier3A_26)
    %mul3A_27 = arith.constant 625 : i32
    %mul3A_28 = arith.muli %arg1, %mul3A_27 : i32
    %add3A_29 = arith.constant 0 : i32
    %add3A_30 = arith.addi %mul3A_28, %add3A_29 : i32
    "tpu.region"() ({
      %run_scoped3A_57 = tpu.sem_alloc : memref<!tpu.dma_semaphore, #tpu.memory_space<semaphore_mem>>
      %dma_start3A = arith.constant 0 : i32
      %dma_start3A_58 = tpu.memref_slice %arg11[%add3A_30, %dma_start3A] : memref<10000x64xf32, #tpu.memory_space<vmem_shared>> -> memref<125x64xf32, #tpu.memory_space<vmem_shared>>
      %dma_start3A_59 = arith.constant 0 : i32
      %dma_start3A_60 = tpu.memref_slice %arg11[%add3A_30, %dma_start3A_59] : memref<10000x64xf32, #tpu.memory_space<vmem_shared>> -> memref<125x64xf32, #tpu.memory_space<vmem_shared>>
      tpu.enqueue_dma source(%dma_start3A_60 : memref<125x64xf32, #tpu.memory_space<vmem_shared>>) target(%arg7 : memref<125x64xf32, #tpu.memory_space<vmem>>) target_semaphore(%run_scoped3A_57 : memref<!tpu.dma_semaphore, #tpu.memory_space<semaphore_mem>>)
      %dma_wait3A = arith.constant 0 : i32
      %dma_wait3A_61 = tpu.memref_slice %arg11[%add3A_30, %dma_wait3A] : memref<10000x64xf32, #tpu.memory_space<vmem_shared>> -> memref<125x64xf32, #tpu.memory_space<vmem_shared>>
      %dma_wait3A_62 = arith.constant 0 : i32
      %dma_wait3A_63 = tpu.memref_slice %arg11[%add3A_30, %dma_wait3A_62] : memref<10000x64xf32, #tpu.memory_space<vmem_shared>> -> memref<125x64xf32, #tpu.memory_space<vmem_shared>>
      tpu.wait_dma2 semaphore(%run_scoped3A_57 : memref<!tpu.dma_semaphore, #tpu.memory_space<semaphore_mem>>) src(%dma_wait3A_63 : memref<125x64xf32, #tpu.memory_space<vmem_shared>>) dst(%arg7 : memref<125x64xf32, #tpu.memory_space<vmem>>)
      tpu.yield
    }) : () -> ()
    %mul3A_31 = arith.constant 64 : i32
    %mul3A_32 = arith.muli %arg0, %mul3A_31 : i32
    "tpu.region"() ({
      %run_scoped3A_57 = tpu.sem_alloc : memref<!tpu.dma_semaphore, #tpu.memory_space<semaphore_mem>>
      %dma_start3A = tpu.memref_slice %arg4[%add3A_30, %mul3A_32] : memref<10000x128xf32, #tpu.memory_space<hbm>> -> memref<125x64xf32, #tpu.memory_space<hbm>>
      %dma_start3A_58 = tpu.memref_slice %arg4[%add3A_30, %mul3A_32] : memref<10000x128xf32, #tpu.memory_space<hbm>> -> memref<125x64xf32, #tpu.memory_space<hbm>>
      tpu.enqueue_dma source(%arg7 : memref<125x64xf32, #tpu.memory_space<vmem>>) target(%dma_start3A_58 : memref<125x64xf32, #tpu.memory_space<hbm>>) target_semaphore(%run_scoped3A_57 : memref<!tpu.dma_semaphore, #tpu.memory_space<semaphore_mem>>)
      %dma_wait3A = tpu.memref_slice %arg4[%add3A_30, %mul3A_32] : memref<10000x128xf32, #tpu.memory_space<hbm>> -> memref<125x64xf32, #tpu.memory_space<hbm>>
      %dma_wait3A_59 = tpu.memref_slice %arg4[%add3A_30, %mul3A_32] : memref<10000x128xf32, #tpu.memory_space<hbm>> -> memref<125x64xf32, #tpu.memory_space<hbm>>
      tpu.wait_dma2 semaphore(%run_scoped3A_57 : memref<!tpu.dma_semaphore, #tpu.memory_space<semaphore_mem>>) src(%arg7 : memref<125x64xf32, #tpu.memory_space<vmem>>) dst(%dma_wait3A_59 : memref<125x64xf32, #tpu.memory_space<hbm>>)
      tpu.yield
    }) : () -> ()
    %mul3A_33 = arith.constant 625 : i32
    %mul3A_34 = arith.muli %arg1, %mul3A_33 : i32
    %add3A_35 = arith.constant 125 : i32
    %add3A_36 = arith.addi %mul3A_34, %add3A_35 : i32
    "tpu.region"() ({
      %run_scoped3A_57 = tpu.sem_alloc : memref<!tpu.dma_semaphore, #tpu.memory_space<semaphore_mem>>
      %dma_start3A = arith.constant 0 : i32
      %dma_start3A_58 = tpu.memref_slice %arg11[%add3A_36, %dma_start3A] : memref<10000x64xf32, #tpu.memory_space<vmem_shared>> -> memref<125x64xf32, #tpu.memory_space<vmem_shared>>
      %dma_start3A_59 = arith.constant 0 : i32
      %dma_start3A_60 = tpu.memref_slice %arg11[%add3A_36, %dma_start3A_59] : memref<10000x64xf32, #tpu.memory_space<vmem_shared>> -> memref<125x64xf32, #tpu.memory_space<vmem_shared>>
      tpu.enqueue_dma source(%dma_start3A_60 : memref<125x64xf32, #tpu.memory_space<vmem_shared>>) target(%arg7 : memref<125x64xf32, #tpu.memory_space<vmem>>) target_semaphore(%run_scoped3A_57 : memref<!tpu.dma_semaphore, #tpu.memory_space<semaphore_mem>>)
      %dma_wait3A = arith.constant 0 : i32
      %dma_wait3A_61 = tpu.memref_slice %arg11[%add3A_36, %dma_wait3A] : memref<10000x64xf32, #tpu.memory_space<vmem_shared>> -> memref<125x64xf32, #tpu.memory_space<vmem_shared>>
      %dma_wait3A_62 = arith.constant 0 : i32
      %dma_wait3A_63 = tpu.memref_slice %arg11[%add3A_36, %dma_wait3A_62] : memref<10000x64xf32, #tpu.memory_space<vmem_shared>> -> memref<125x64xf32, #tpu.memory_space<vmem_shared>>
      tpu.wait_dma2 semaphore(%run_scoped3A_57 : memref<!tpu.dma_semaphore, #tpu.memory_space<semaphore_mem>>) src(%dma_wait3A_63 : memref<125x64xf32, #tpu.memory_space<vmem_shared>>) dst(%arg7 : memref<125x64xf32, #tpu.memory_space<vmem>>)
      tpu.yield
    }) : () -> ()
    %mul3A_37 = arith.constant 64 : i32
    %mul3A_38 = arith.muli %arg0, %mul3A_37 : i32
    "tpu.region"() ({
      %run_scoped3A_57 = tpu.sem_alloc : memref<!tpu.dma_semaphore, #tpu.memory_space<semaphore_mem>>
      %dma_start3A = tpu.memref_slice %arg4[%add3A_36, %mul3A_38] : memref<10000x128xf32, #tpu.memory_space<hbm>> -> memref<125x64xf32, #tpu.memory_space<hbm>>
      %dma_start3A_58 = tpu.memref_slice %arg4[%add3A_36, %mul3A_38] : memref<10000x128xf32, #tpu.memory_space<hbm>> -> memref<125x64xf32, #tpu.memory_space<hbm>>
      tpu.enqueue_dma source(%arg7 : memref<125x64xf32, #tpu.memory_space<vmem>>) target(%dma_start3A_58 : memref<125x64xf32, #tpu.memory_space<hbm>>) target_semaphore(%run_scoped3A_57 : memref<!tpu.dma_semaphore, #tpu.memory_space<semaphore_mem>>)
      %dma_wait3A = tpu.memref_slice %arg4[%add3A_36, %mul3A_38] : memref<10000x128xf32, #tpu.memory_space<hbm>> -> memref<125x64xf32, #tpu.memory_space<hbm>>
      %dma_wait3A_59 = tpu.memref_slice %arg4[%add3A_36, %mul3A_38] : memref<10000x128xf32, #tpu.memory_space<hbm>> -> memref<125x64xf32, #tpu.memory_space<hbm>>
      tpu.wait_dma2 semaphore(%run_scoped3A_57 : memref<!tpu.dma_semaphore, #tpu.memory_space<semaphore_mem>>) src(%arg7 : memref<125x64xf32, #tpu.memory_space<vmem>>) dst(%dma_wait3A_59 : memref<125x64xf32, #tpu.memory_space<hbm>>)
      tpu.yield
    }) : () -> ()
    %mul3A_39 = arith.constant 625 : i32
    %mul3A_40 = arith.muli %arg1, %mul3A_39 : i32
    %add3A_41 = arith.constant 250 : i32
    %add3A_42 = arith.addi %mul3A_40, %add3A_41 : i32
    "tpu.region"() ({
      %run_scoped3A_57 = tpu.sem_alloc : memref<!tpu.dma_semaphore, #tpu.memory_space<semaphore_mem>>
      %dma_start3A = arith.constant 0 : i32
      %dma_start3A_58 = tpu.memref_slice %arg11[%add3A_42, %dma_start3A] : memref<10000x64xf32, #tpu.memory_space<vmem_shared>> -> memref<125x64xf32, #tpu.memory_space<vmem_shared>>
      %dma_start3A_59 = arith.constant 0 : i32
      %dma_start3A_60 = tpu.memref_slice %arg11[%add3A_42, %dma_start3A_59] : memref<10000x64xf32, #tpu.memory_space<vmem_shared>> -> memref<125x64xf32, #tpu.memory_space<vmem_shared>>
      tpu.enqueue_dma source(%dma_start3A_60 : memref<125x64xf32, #tpu.memory_space<vmem_shared>>) target(%arg7 : memref<125x64xf32, #tpu.memory_space<vmem>>) target_semaphore(%run_scoped3A_57 : memref<!tpu.dma_semaphore, #tpu.memory_space<semaphore_mem>>)
      %dma_wait3A = arith.constant 0 : i32
      %dma_wait3A_61 = tpu.memref_slice %arg11[%add3A_42, %dma_wait3A] : memref<10000x64xf32, #tpu.memory_space<vmem_shared>> -> memref<125x64xf32, #tpu.memory_space<vmem_shared>>
      %dma_wait3A_62 = arith.constant 0 : i32
      %dma_wait3A_63 = tpu.memref_slice %arg11[%add3A_42, %dma_wait3A_62] : memref<10000x64xf32, #tpu.memory_space<vmem_shared>> -> memref<125x64xf32, #tpu.memory_space<vmem_shared>>
      tpu.wait_dma2 semaphore(%run_scoped3A_57 : memref<!tpu.dma_semaphore, #tpu.memory_space<semaphore_mem>>) src(%dma_wait3A_63 : memref<125x64xf32, #tpu.memory_space<vmem_shared>>) dst(%arg7 : memref<125x64xf32, #tpu.memory_space<vmem>>)
      tpu.yield
    }) : () -> ()
    %mul3A_43 = arith.constant 64 : i32
    %mul3A_44 = arith.muli %arg0, %mul3A_43 : i32
    "tpu.region"() ({
      %run_scoped3A_57 = tpu.sem_alloc : memref<!tpu.dma_semaphore, #tpu.memory_space<semaphore_mem>>
      %dma_start3A = tpu.memref_slice %arg4[%add3A_42, %mul3A_44] : memref<10000x128xf32, #tpu.memory_space<hbm>> -> memref<125x64xf32, #tpu.memory_space<hbm>>
      %dma_start3A_58 = tpu.memref_slice %arg4[%add3A_42, %mul3A_44] : memref<10000x128xf32, #tpu.memory_space<hbm>> -> memref<125x64xf32, #tpu.memory_space<hbm>>
      tpu.enqueue_dma source(%arg7 : memref<125x64xf32, #tpu.memory_space<vmem>>) target(%dma_start3A_58 : memref<125x64xf32, #tpu.memory_space<hbm>>) target_semaphore(%run_scoped3A_57 : memref<!tpu.dma_semaphore, #tpu.memory_space<semaphore_mem>>)
      %dma_wait3A = tpu.memref_slice %arg4[%add3A_42, %mul3A_44] : memref<10000x128xf32, #tpu.memory_space<hbm>> -> memref<125x64xf32, #tpu.memory_space<hbm>>
      %dma_wait3A_59 = tpu.memref_slice %arg4[%add3A_42, %mul3A_44] : memref<10000x128xf32, #tpu.memory_space<hbm>> -> memref<125x64xf32, #tpu.memory_space<hbm>>
      tpu.wait_dma2 semaphore(%run_scoped3A_57 : memref<!tpu.dma_semaphore, #tpu.memory_space<semaphore_mem>>) src(%arg7 : memref<125x64xf32, #tpu.memory_space<vmem>>) dst(%dma_wait3A_59 : memref<125x64xf32, #tpu.memory_space<hbm>>)
      tpu.yield
    }) : () -> ()
    %mul3A_45 = arith.constant 625 : i32
    %mul3A_46 = arith.muli %arg1, %mul3A_45 : i32
    %add3A_47 = arith.constant 375 : i32
    %add3A_48 = arith.addi %mul3A_46, %add3A_47 : i32
    "tpu.region"() ({
      %run_scoped3A_57 = tpu.sem_alloc : memref<!tpu.dma_semaphore, #tpu.memory_space<semaphore_mem>>
      %dma_start3A = arith.constant 0 : i32
      %dma_start3A_58 = tpu.memref_slice %arg11[%add3A_48, %dma_start3A] : memref<10000x64xf32, #tpu.memory_space<vmem_shared>> -> memref<125x64xf32, #tpu.memory_space<vmem_shared>>
      %dma_start3A_59 = arith.constant 0 : i32
      %dma_start3A_60 = tpu.memref_slice %arg11[%add3A_48, %dma_start3A_59] : memref<10000x64xf32, #tpu.memory_space<vmem_shared>> -> memref<125x64xf32, #tpu.memory_space<vmem_shared>>
      tpu.enqueue_dma source(%dma_start3A_60 : memref<125x64xf32, #tpu.memory_space<vmem_shared>>) target(%arg7 : memref<125x64xf32, #tpu.memory_space<vmem>>) target_semaphore(%run_scoped3A_57 : memref<!tpu.dma_semaphore, #tpu.memory_space<semaphore_mem>>)
      %dma_wait3A = arith.constant 0 : i32
      %dma_wait3A_61 = tpu.memref_slice %arg11[%add3A_48, %dma_wait3A] : memref<10000x64xf32, #tpu.memory_space<vmem_shared>> -> memref<125x64xf32, #tpu.memory_space<vmem_shared>>
      %dma_wait3A_62 = arith.constant 0 : i32
      %dma_wait3A_63 = tpu.memref_slice %arg11[%add3A_48, %dma_wait3A_62] : memref<10000x64xf32, #tpu.memory_space<vmem_shared>> -> memref<125x64xf32, #tpu.memory_space<vmem_shared>>
      tpu.wait_dma2 semaphore(%run_scoped3A_57 : memref<!tpu.dma_semaphore, #tpu.memory_space<semaphore_mem>>) src(%dma_wait3A_63 : memref<125x64xf32, #tpu.memory_space<vmem_shared>>) dst(%arg7 : memref<125x64xf32, #tpu.memory_space<vmem>>)
      tpu.yield
    }) : () -> ()
    %mul3A_49 = arith.constant 64 : i32
    %mul3A_50 = arith.muli %arg0, %mul3A_49 : i32
    "tpu.region"() ({
      %run_scoped3A_57 = tpu.sem_alloc : memref<!tpu.dma_semaphore, #tpu.memory_space<semaphore_mem>>
      %dma_start3A = tpu.memref_slice %arg4[%add3A_48, %mul3A_50] : memref<10000x128xf32, #tpu.memory_space<hbm>> -> memref<125x64xf32, #tpu.memory_space<hbm>>
      %dma_start3A_58 = tpu.memref_slice %arg4[%add3A_48, %mul3A_50] : memref<10000x128xf32, #tpu.memory_space<hbm>> -> memref<125x64xf32, #tpu.memory_space<hbm>>
      tpu.enqueue_dma source(%arg7 : memref<125x64xf32, #tpu.memory_space<vmem>>) target(%dma_start3A_58 : memref<125x64xf32, #tpu.memory_space<hbm>>) target_semaphore(%run_scoped3A_57 : memref<!tpu.dma_semaphore, #tpu.memory_space<semaphore_mem>>)
      %dma_wait3A = tpu.memref_slice %arg4[%add3A_48, %mul3A_50] : memref<10000x128xf32, #tpu.memory_space<hbm>> -> memref<125x64xf32, #tpu.memory_space<hbm>>
      %dma_wait3A_59 = tpu.memref_slice %arg4[%add3A_48, %mul3A_50] : memref<10000x128xf32, #tpu.memory_space<hbm>> -> memref<125x64xf32, #tpu.memory_space<hbm>>
      tpu.wait_dma2 semaphore(%run_scoped3A_57 : memref<!tpu.dma_semaphore, #tpu.memory_space<semaphore_mem>>) src(%arg7 : memref<125x64xf32, #tpu.memory_space<vmem>>) dst(%dma_wait3A_59 : memref<125x64xf32, #tpu.memory_space<hbm>>)
      tpu.yield
    }) : () -> ()
    %mul3A_51 = arith.constant 625 : i32
    %mul3A_52 = arith.muli %arg1, %mul3A_51 : i32
    %add3A_53 = arith.constant 500 : i32
    %add3A_54 = arith.addi %mul3A_52, %add3A_53 : i32
    "tpu.region"() ({
      %run_scoped3A_57 = tpu.sem_alloc : memref<!tpu.dma_semaphore, #tpu.memory_space<semaphore_mem>>
      %dma_start3A = arith.constant 0 : i32
      %dma_start3A_58 = tpu.memref_slice %arg11[%add3A_54, %dma_start3A] : memref<10000x64xf32, #tpu.memory_space<vmem_shared>> -> memref<125x64xf32, #tpu.memory_space<vmem_shared>>
      %dma_start3A_59 = arith.constant 0 : i32
      %dma_start3A_60 = tpu.memref_slice %arg11[%add3A_54, %dma_start3A_59] : memref<10000x64xf32, #tpu.memory_space<vmem_shared>> -> memref<125x64xf32, #tpu.memory_space<vmem_shared>>
      tpu.enqueue_dma source(%dma_start3A_60 : memref<125x64xf32, #tpu.memory_space<vmem_shared>>) target(%arg7 : memref<125x64xf32, #tpu.memory_space<vmem>>) target_semaphore(%run_scoped3A_57 : memref<!tpu.dma_semaphore, #tpu.memory_space<semaphore_mem>>)
      %dma_wait3A = arith.constant 0 : i32
      %dma_wait3A_61 = tpu.memref_slice %arg11[%add3A_54, %dma_wait3A] : memref<10000x64xf32, #tpu.memory_space<vmem_shared>> -> memref<125x64xf32, #tpu.memory_space<vmem_shared>>
      %dma_wait3A_62 = arith.constant 0 : i32
      %dma_wait3A_63 = tpu.memref_slice %arg11[%add3A_54, %dma_wait3A_62] : memref<10000x64xf32, #tpu.memory_space<vmem_shared>> -> memref<125x64xf32, #tpu.memory_space<vmem_shared>>
      tpu.wait_dma2 semaphore(%run_scoped3A_57 : memref<!tpu.dma_semaphore, #tpu.memory_space<semaphore_mem>>) src(%dma_wait3A_63 : memref<125x64xf32, #tpu.memory_space<vmem_shared>>) dst(%arg7 : memref<125x64xf32, #tpu.memory_space<vmem>>)
      tpu.yield
    }) : () -> ()
    %mul3A_55 = arith.constant 64 : i32
    %mul3A_56 = arith.muli %arg0, %mul3A_55 : i32
    "tpu.region"() ({
      %run_scoped3A_57 = tpu.sem_alloc : memref<!tpu.dma_semaphore, #tpu.memory_space<semaphore_mem>>
      %dma_start3A = tpu.memref_slice %arg4[%add3A_54, %mul3A_56] : memref<10000x128xf32, #tpu.memory_space<hbm>> -> memref<125x64xf32, #tpu.memory_space<hbm>>
      %dma_start3A_58 = tpu.memref_slice %arg4[%add3A_54, %mul3A_56] : memref<10000x128xf32, #tpu.memory_space<hbm>> -> memref<125x64xf32, #tpu.memory_space<hbm>>
      tpu.enqueue_dma source(%arg7 : memref<125x64xf32, #tpu.memory_space<vmem>>) target(%dma_start3A_58 : memref<125x64xf32, #tpu.memory_space<hbm>>) target_semaphore(%run_scoped3A_57 : memref<!tpu.dma_semaphore, #tpu.memory_space<semaphore_mem>>)
      %dma_wait3A = tpu.memref_slice %arg4[%add3A_54, %mul3A_56] : memref<10000x128xf32, #tpu.memory_space<hbm>> -> memref<125x64xf32, #tpu.memory_space<hbm>>
      %dma_wait3A_59 = tpu.memref_slice %arg4[%add3A_54, %mul3A_56] : memref<10000x128xf32, #tpu.memory_space<hbm>> -> memref<125x64xf32, #tpu.memory_space<hbm>>
      tpu.wait_dma2 semaphore(%run_scoped3A_57 : memref<!tpu.dma_semaphore, #tpu.memory_space<semaphore_mem>>) src(%arg7 : memref<125x64xf32, #tpu.memory_space<vmem>>) dst(%dma_wait3A_59 : memref<125x64xf32, #tpu.memory_space<hbm>>)
      tpu.yield
    }) : () -> ()
    return
  }
}

module attributes {stable_mosaic.version = 14 : i64} {
  func.func @body(%arg0: i32, %arg1: memref<1000x128xf32, #tpu.memory_space<vmem>>, %arg2: memref<128x128xf32, #tpu.memory_space<vmem>>, %arg3: memref<1000x128xf32, #tpu.memory_space<vmem>>) attributes {dimension_semantics = [#tpu.dimension_semantics<arbitrary>], iteration_bounds = array<i64: 10>, scalar_prefetch = 0 : i64, scratch_operands = 0 : i64, tpu.core_type = #tpu.core_type<tc>, window_params = [{transform_indices = @transform_0, window_bounds = array<i64: 1000, 128>}, {pipeline_mode = #tpu.pipeline_mode<synchronous>, transform_indices = @transform_1, window_bounds = array<i64: 128, 128>}, {transform_indices = @transform_2, window_bounds = array<i64: 1000, 128>}]} {
    %get3A = arith.constant 0 : index
    %get3A_0 = arith.constant 0 : index
    %get3A_1 = vector.load %arg1[%get3A, %get3A_0] : memref<1000x128xf32, #tpu.memory_space<vmem>>, vector<1000x128xf32>
    %get3A_2 = arith.constant 0 : index
    %get3A_3 = arith.constant 0 : index
    %get3A_4 = vector.load %arg2[%get3A_2, %get3A_3] : memref<128x128xf32, #tpu.memory_space<vmem>>, vector<128x128xf32>
    %dot_general3A = arith.constant dense<0.000000e+00> : vector<1000x128xf32>
    %dot_general3A_5 = tpu.matmul %get3A_1, %get3A_4, %dot_general3A {dimension_numbers = #tpu.dot_dimension_numbers<[1], [0], [0], [1], [0, 0, 1, 1], [], []>, transpose_lhs_hint = false} : vector<1000x128xf32>, vector<128x128xf32>, vector<1000x128xf32> -> vector<1000x128xf32>
    %swap3A = arith.constant 0 : index
    %swap3A_6 = arith.constant 0 : index
    %swap3A_7 = vector.load %arg3[%swap3A, %swap3A_6] : memref<1000x128xf32, #tpu.memory_space<vmem>>, vector<1000x128xf32>
    tpu.vector_store %arg3[%swap3A, %swap3A_6], %dot_general3A_5 {strides = array<i32>} : memref<1000x128xf32, #tpu.memory_space<vmem>>, vector<1000x128xf32>,
    return
  }
  func.func @transform_0(%arg0: i32) -> (i32, i32) {
    %c0_i32 = arith.constant 0 : i32
    %c0_i32_0 = arith.constant 0 : i32
    return %arg0, %c0_i32 : i32, i32
  }
  func.func @transform_1(%arg0: i32) -> (i32, i32) {
    %c0_i32 = arith.constant 0 : i32
    %c0_i32_0 = arith.constant 0 : i32
    %c0_i32_1 = arith.constant 0 : i32
    return %c0_i32, %c0_i32_0 : i32, i32
  }
  func.func @transform_2(%arg0: i32) -> (i32, i32) {
    %c0_i32 = arith.constant 0 : i32
    %c0_i32_0 = arith.constant 0 : i32
    return %arg0, %c0_i32 : i32, i32
  }
}

module attributes {stable_mosaic.version = 14 : i64} {
  func.func @body(%arg0: i32, %arg1: memref<1000x128xf32, #tpu.memory_space<vmem>>, %arg2: memref<1000x8xf32, #tpu.memory_space<vmem>>, %arg3: memref<1000x8xf32, #tpu.memory_space<vmem>>, %arg4: memref<2x1000x64xf32, #tpu.memory_space<vmem>>) attributes {dimension_semantics = [#tpu.dimension_semantics<arbitrary>], iteration_bounds = array<i64: 10>, scalar_prefetch = 0 : i64, scratch_operands = 0 : i64, tpu.core_type = #tpu.core_type<tc>, window_params = [{transform_indices = @transform_0, window_bounds = array<i64: 1000, 128>}, {transform_indices = @transform_1, window_bounds = array<i64: 1000, 8>}, {transform_indices = @transform_2, window_bounds = array<i64: 1000, 8>}, {transform_indices = @transform_3, window_bounds = array<i64: 2, 1000, 64>}]} {
    %get3A = arith.constant 0 : index
    %get3A_0 = arith.constant 0 : index
    %get3A_1 = vector.load %arg2[%get3A, %get3A_0] : memref<1000x8xf32, #tpu.memory_space<vmem>>, vector<1000x1xf32>
    %get3A_2 = arith.constant 0 : index
    %get3A_3 = arith.constant 0 : index
    %get3A_4 = vector.load %arg3[%get3A_2, %get3A_3] : memref<1000x8xf32, #tpu.memory_space<vmem>>, vector<1000x1xf32>
    %add3A = arith.addf %get3A_1, %get3A_4 : vector<1000x1xf32>
    %add3A_5 = arith.constant 1.000000e+00 : f32
    %add3A_6 = vector.broadcast %add3A_5 : f32 to vector<1000x1xf32>
    %add3A_7 = arith.addf %add3A, %add3A_6 : vector<1000x1xf32>
    %get3A_8 = arith.constant 0 : index
    %get3A_9 = arith.constant 0 : index
    %get3A_10 = vector.load %arg1[%get3A_8, %get3A_9] : memref<1000x128xf32, #tpu.memory_space<vmem>>, vector<1000x128xf32>
    %rsqrt3A = math.rsqrt %add3A_7 : vector<1000x1xf32>
    %mul3A = vector.broadcast %rsqrt3A : vector<1000x1xf32> to vector<1000x128xf32>
    %mul3A_11 = arith.mulf %get3A_10, %mul3A : vector<1000x128xf32>
    %slice3A = vector.extract_strided_slice %mul3A_11 {offsets = [0, 0], sizes = [1000, 64], strides = [1, 1]} : vector<1000x128xf32> to vector<1000x64xf32>
    %swap3A = arith.constant 0 : index
    %swap3A_12 = arith.constant 0 : index
    %swap3A_13 = arith.constant 0 : index
    %swap3A_14 = vector.load %arg4[%swap3A, %swap3A_12, %swap3A_13] : memref<2x1000x64xf32, #tpu.memory_space<vmem>>, vector<1x1000x64xf32>
    %swap3A_15 = vector.shape_cast %swap3A_14 : vector<1x1000x64xf32> to vector<1000x64xf32>
    %swap3A_16 = vector.shape_cast %slice3A : vector<1000x64xf32> to vector<1x1000x64xf32>
    tpu.vector_store %arg4[%swap3A, %swap3A_12, %swap3A_13], %swap3A_16 {strides = array<i32>} : memref<2x1000x64xf32, #tpu.memory_space<vmem>>, vector<1x1000x64xf32>,
    %slice3A_17 = vector.extract_strided_slice %mul3A_11 {offsets = [0, 64], sizes = [1000, 64], strides = [1, 1]} : vector<1000x128xf32> to vector<1000x64xf32>
    %swap3A_18 = arith.constant 1 : index
    %swap3A_19 = arith.constant 0 : index
    %swap3A_20 = arith.constant 0 : index
    %swap3A_21 = vector.load %arg4[%swap3A_18, %swap3A_19, %swap3A_20] : memref<2x1000x64xf32, #tpu.memory_space<vmem>>, vector<1x1000x64xf32>
    %swap3A_22 = vector.shape_cast %swap3A_21 : vector<1x1000x64xf32> to vector<1000x64xf32>
    %swap3A_23 = vector.shape_cast %slice3A_17 : vector<1000x64xf32> to vector<1x1000x64xf32>
    tpu.vector_store %arg4[%swap3A_18, %swap3A_19, %swap3A_20], %swap3A_23 {strides = array<i32>} : memref<2x1000x64xf32, #tpu.memory_space<vmem>>, vector<1x1000x64xf32>,
    return
  }
  func.func @transform_0(%arg0: i32) -> (i32, i32) {
    %c0_i32 = arith.constant 0 : i32
    %c0_i32_0 = arith.constant 0 : i32
    return %arg0, %c0_i32 : i32, i32
  }
  func.func @transform_1(%arg0: i32) -> (i32, i32) {
    %c0_i32 = arith.constant 0 : i32
    %c0_i32_0 = arith.constant 0 : i32
    return %arg0, %c0_i32 : i32, i32
  }
  func.func @transform_2(%arg0: i32) -> (i32, i32) {
    %add3A = arith.constant 10 : i32
    %add3A_0 = arith.addi %arg0, %add3A : i32
    %c0_i32 = arith.constant 0 : i32
    %c0_i32_1 = arith.constant 0 : i32
    return %add3A_0, %c0_i32 : i32, i32
  }
  func.func @transform_3(%arg0: i32) -> (i32, i32, i32) {
    %c0_i32 = arith.constant 0 : i32
    %c0_i32_0 = arith.constant 0 : i32
    %c0_i32_1 = arith.constant 0 : i32
    return %c0_i32, %arg0, %c0_i32_0 : i32, i32, i32
  }
}

module attributes {stable_mosaic.version = 14 : i64} {
  func.func @body(%arg0: memref<10000x128xf32, #tpu.memory_space<vmem>>, %arg1: memref<20000x8xf32, #tpu.memory_space<vmem>>, %arg2: memref<1x128xf32, #tpu.memory_space<vmem>>, %arg3: memref<2x128xf32, #tpu.memory_space<vmem>>, %arg4: memref<1x128xf32, #tpu.memory_space<vmem>>) attributes {dimension_semantics = [], scalar_prefetch = 0 : i64, scratch_operands = 0 : i64, tpu.core_type = #tpu.core_type<tc>} {
    %get3A = arith.constant 0 : index
    %get3A_0 = arith.constant 0 : index
    %get3A_1 = vector.load %arg0[%get3A, %get3A_0] : memref<10000x128xf32, #tpu.memory_space<vmem>>, vector<10000x128xf32>
    %get3A_2 = arith.constant 0 : index
    %get3A_3 = arith.constant 0 : index
    %get3A_4 = vector.load %arg1[%get3A_2, %get3A_3] : memref<20000x8xf32, #tpu.memory_space<vmem>>, vector<10000x1xf32>
    %get3A_5 = arith.constant 10000 : index
    %get3A_6 = arith.constant 0 : index
    %get3A_7 = vector.load %arg1[%get3A_5, %get3A_6] : memref<20000x8xf32, #tpu.memory_space<vmem>>, vector<10000x1xf32>
    %add3A = arith.addf %get3A_4, %get3A_7 : vector<10000x1xf32>
    %add3A_8 = arith.constant 1.000000e+00 : f32
    %add3A_9 = vector.broadcast %add3A_8 : f32 to vector<10000x1xf32>
    %add3A_10 = arith.addf %add3A, %add3A_9 : vector<10000x1xf32>
    %rsqrt3A = math.rsqrt %add3A_10 : vector<10000x1xf32>
    %mul3A = vector.broadcast %rsqrt3A : vector<10000x1xf32> to vector<10000x128xf32>
    %mul3A_11 = arith.mulf %get3A_1, %mul3A : vector<10000x128xf32>
    %get3A_12 = arith.constant 0 : index
    %get3A_13 = arith.constant 0 : index
    %get3A_14 = vector.load %arg2[%get3A_12, %get3A_13] : memref<1x128xf32, #tpu.memory_space<vmem>>, vector<1x128xf32>
    %add3A_15 = vector.broadcast %get3A_14 : vector<1x128xf32> to vector<10000x128xf32>
    %add3A_16 = arith.addf %mul3A_11, %add3A_15 : vector<10000x128xf32>
    %max3A = arith.constant 0.000000e+00 : f32
    %max3A_17 = vector.broadcast %max3A : f32 to vector<10000x128xf32>
    %max3A_18 = arith.maximumf %add3A_16, %max3A_17 : vector<10000x128xf32>
    %get3A_19 = arith.constant 0 : index
    %get3A_20 = arith.constant 0 : index
    %get3A_21 = vector.load %arg3[%get3A_19, %get3A_20] : memref<2x128xf32, #tpu.memory_space<vmem>>, vector<2x128xf32>
    %slice3A = vector.extract_strided_slice %get3A_21 {offsets = [0, 0], sizes = [1, 128], strides = [1, 1]} : vector<2x128xf32> to vector<1x128xf32>
    %mul3A_22 = arith.mulf %slice3A, %slice3A : vector<1x128xf32>
    %reduce_sum3A = vector.shape_cast %mul3A_22 : vector<1x128xf32> to vector<1x1x128xf32>
    %reduce_sum3A_23 = arith.constant dense<0.000000e+00> : vector<1xf32>
    %reduce_sum3A_24 = vector.multi_reduction <add>, %reduce_sum3A, %reduce_sum3A_23 [1, 2] : vector<1x1x128xf32> to vector<1xf32>
    %reduce_sum3A_25 = vector.shape_cast %reduce_sum3A_24 : vector<1xf32> to vector<1x1x1xf32>
    %reduce_sum3A_26 = vector.extract %reduce_sum3A_25[0, 0, 0] : f32 from vector<1x1x1xf32>
    %sqrt3A = math.sqrt %reduce_sum3A_26 : f32
    %dot_general3A = arith.constant dense<0.000000e+00> : vector<2x10000xf32>
    %dot_general3A_27 = tpu.matmul %get3A_21, %max3A_18, %dot_general3A {dimension_numbers = #tpu.dot_dimension_numbers<[1], [1], [0], [0], [0, 0, 1, 0], [], []>, transpose_lhs_hint = false} : vector<2x128xf32>, vector<10000x128xf32>, vector<2x10000xf32> -> vector<2x10000xf32>
    %slice3A_28 = vector.extract_strided_slice %dot_general3A_27 {offsets = [0, 0], sizes = [1, 10000], strides = [1, 1]} : vector<2x10000xf32> to vector<1x10000xf32>
    %slice3A_29 = vector.extract_strided_slice %dot_general3A_27 {offsets = [1, 0], sizes = [1, 10000], strides = [1, 1]} : vector<2x10000xf32> to vector<1x10000xf32>
    %div3A = vector.broadcast %sqrt3A : f32 to vector<1x10000xf32>
    %div3A_30 = arith.divf %slice3A_28, %div3A : vector<1x10000xf32>
    %tanh3A = math.tanh %div3A_30 : vector<1x10000xf32>
    %eq3A = arith.constant 0.000000e+00 : f32
    %eq3A_31 = vector.broadcast %eq3A : f32 to vector<1x10000xf32>
    %eq3A_32 = arith.cmpf oeq, %tanh3A, %eq3A_31 : vector<1x10000xf32>
    %jit3A = arith.constant 0.000000e+00 : f32
    %broadcast_in_dim3A = vector.broadcast %jit3A : f32 to vector<1x10000xf32>
    %select_n3A = arith.select %eq3A_32, %broadcast_in_dim3A, %tanh3A : vector<1x10000xi1>, vector<1x10000xf32>
    %bitcast_convert_type3A = tpu.bitcast %select_n3A : vector<1x10000xf32> -> vector<1x10000xi32>
    %lt3A = arith.constant 0.000000e+00 : f32
    %lt3A_33 = vector.broadcast %lt3A : f32 to vector<1x10000xf32>
    %lt3A_34 = arith.cmpf olt, %select_n3A, %lt3A_33 : vector<1x10000xf32>
    %not3A = arith.constant dense<-1> : vector<1x10000xi32>
    %not3A_35 = arith.xori %bitcast_convert_type3A, %not3A : vector<1x10000xi32>
    %or3A = arith.constant -2147483648 : i32
    %or3A_36 = vector.broadcast %or3A : i32 to vector<1x10000xi32>
    %or3A_37 = arith.ori %bitcast_convert_type3A, %or3A_36 : vector<1x10000xi32>
    %select_n3A_38 = arith.select %lt3A_34, %not3A_35, %or3A_37 : vector<1x10000xi1>, vector<1x10000xi32>
    %scan3A = arith.constant 0 : i32
    %scan3A_39 = arith.constant 0 : i32
    %scan3A_40 = arith.constant 32 : i32
    %scan3A_41 = arith.addi %scan3A_39, %scan3A_40 : i32
    %scan3A_42 = arith.constant 1 : i32
    %scan3A_43 = scf.for %scan3A_90 = %scan3A_39 to %scan3A_41 step %scan3A_42 iter_args(%scan3A_91 = %scan3A) -> (i32)  : i32 {
      %sub3A_92 = arith.constant 31 : i32
      %sub3A_93 = arith.subi %sub3A_92, %scan3A_90 : i32
      %shift_left3A = arith.constant 1 : i32
      %shift_left3A_94 = arith.shli %shift_left3A, %sub3A_93 : i32
      %or3A_95 = arith.ori %scan3A_91, %shift_left3A_94 : i32
      %ge3A = vector.broadcast %or3A_95 : i32 to vector<1x10000xi32>
      %ge3A_96 = arith.cmpi uge, %select_n3A_38, %ge3A : vector<1x10000xi32>
      %convert_element_type3A_97 = arith.extui %ge3A_96 : vector<1x10000xi1> to vector<1x10000xi32>
      %reduce_sum3A_98 = vector.shape_cast %convert_element_type3A_97 : vector<1x10000xi32> to vector<1x1x10000xi32>
      %reduce_sum3A_99 = arith.constant dense<0> : vector<1xi32>
      %reduce_sum3A_100 = vector.multi_reduction <add>, %reduce_sum3A_98, %reduce_sum3A_99 [1, 2] : vector<1x1x10000xi32> to vector<1xi32>
      %reduce_sum3A_101 = vector.shape_cast %reduce_sum3A_100 : vector<1xi32> to vector<1x1x1xi32>
      %reduce_sum3A_102 = vector.extract %reduce_sum3A_101[0, 0, 0] : i32 from vector<1x1x1xi32>
      %ge3A_103 = arith.constant 8000 : i32
      %ge3A_104 = arith.cmpi sge, %reduce_sum3A_102, %ge3A_103 : i32
      %select_n3A_105 = arith.select %ge3A_104, %or3A_95, %scan3A_91 : i32
      scf.yield %select_n3A_105 : i32
    }
    %scan3A_44 = arith.constant 32 : i32
    %gt3A = vector.broadcast %scan3A_43 : i32 to vector<1x10000xi32>
    %gt3A_45 = arith.cmpi ugt, %select_n3A_38, %gt3A : vector<1x10000xi32>
    %convert_element_type3A = arith.extui %gt3A_45 : vector<1x10000xi1> to vector<1x10000xi32>
    %reduce_sum3A_46 = vector.shape_cast %convert_element_type3A : vector<1x10000xi32> to vector<1x1x10000xi32>
    %reduce_sum3A_47 = arith.constant dense<0> : vector<1xi32>
    %reduce_sum3A_48 = vector.multi_reduction <add>, %reduce_sum3A_46, %reduce_sum3A_47 [1, 2] : vector<1x1x10000xi32> to vector<1xi32>
    %reduce_sum3A_49 = vector.shape_cast %reduce_sum3A_48 : vector<1xi32> to vector<1x1x1xi32>
    %reduce_sum3A_50 = vector.extract %reduce_sum3A_49[0, 0, 0] : i32 from vector<1x1x1xi32>
    %sub3A = arith.constant 8000 : i32
    %sub3A_51 = arith.subi %sub3A, %reduce_sum3A_50 : i32
    %eq3A_52 = vector.broadcast %scan3A_43 : i32 to vector<1x10000xi32>
    %eq3A_53 = arith.cmpi eq, %select_n3A_38, %eq3A_52 : vector<1x10000xi32>
    %iota3A = tpu.iota {dimensions = array<i32: 1>} : vector<1x10000xi32>
    %scan3A_54 = arith.constant 0 : i32
    %scan3A_55 = arith.constant 0 : i32
    %scan3A_56 = arith.constant 14 : i32
    %scan3A_57 = arith.addi %scan3A_55, %scan3A_56 : i32
    %scan3A_58 = arith.constant 1 : i32
    %scan3A_59 = scf.for %scan3A_90 = %scan3A_55 to %scan3A_57 step %scan3A_58 iter_args(%scan3A_91 = %scan3A_54) -> (i32)  : i32 {
      %sub3A_92 = arith.constant 13 : i32
      %sub3A_93 = arith.subi %sub3A_92, %scan3A_90 : i32
      %shift_left3A = arith.constant 1 : i32
      %shift_left3A_94 = arith.shli %shift_left3A, %sub3A_93 : i32
      %or3A_95 = arith.ori %scan3A_91, %shift_left3A_94 : i32
      %sub3A_96 = arith.constant 1 : i32
      %sub3A_97 = arith.subi %or3A_95, %sub3A_96 : i32
      %le3A_98 = vector.broadcast %sub3A_97 : i32 to vector<1x10000xi32>
      %le3A_99 = arith.cmpi sle, %iota3A, %le3A_98 : vector<1x10000xi32>
      %and3A_100 = arith.andi %eq3A_53, %le3A_99 : vector<1x10000xi1>
      %convert_element_type3A_101 = arith.extui %and3A_100 : vector<1x10000xi1> to vector<1x10000xi32>
      %reduce_sum3A_102 = vector.shape_cast %convert_element_type3A_101 : vector<1x10000xi32> to vector<1x1x10000xi32>
      %reduce_sum3A_103 = arith.constant dense<0> : vector<1xi32>
      %reduce_sum3A_104 = vector.multi_reduction <add>, %reduce_sum3A_102, %reduce_sum3A_103 [1, 2] : vector<1x1x10000xi32> to vector<1xi32>
      %reduce_sum3A_105 = vector.shape_cast %reduce_sum3A_104 : vector<1xi32> to vector<1x1x1xi32>
      %reduce_sum3A_106 = vector.extract %reduce_sum3A_105[0, 0, 0] : i32 from vector<1x1x1xi32>
      %lt3A_107 = arith.cmpi slt, %reduce_sum3A_106, %sub3A_51 : i32
      %select_n3A_108 = arith.select %lt3A_107, %or3A_95, %scan3A_91 : i32
      scf.yield %select_n3A_108 : i32
    }
    %scan3A_60 = arith.constant 14 : i32
    %le3A = vector.broadcast %scan3A_59 : i32 to vector<1x10000xi32>
    %le3A_61 = arith.cmpi sle, %iota3A, %le3A : vector<1x10000xi32>
    %and3A = arith.andi %eq3A_53, %le3A_61 : vector<1x10000xi1>
    %or3A_62 = arith.ori %gt3A_45, %and3A : vector<1x10000xi1>
    %mul3A_63 = arith.mulf %select_n3A, %slice3A_29 : vector<1x10000xf32>
    %jit3A_64 = arith.constant 0xFF800000 : f32
    %broadcast_in_dim3A_65 = vector.broadcast %jit3A_64 : f32 to vector<1x10000xf32>
    %select_n3A_66 = arith.select %or3A_62, %mul3A_63, %broadcast_in_dim3A_65 : vector<1x10000xi1>, vector<1x10000xf32>
    %reduce_max3A = vector.shape_cast %select_n3A_66 : vector<1x10000xf32> to vector<1x1x10000xf32>
    %reduce_max3A_67 = arith.constant dense<0xFF800000> : vector<1xf32>
    %reduce_max3A_68 = vector.multi_reduction <maximumf>, %reduce_max3A, %reduce_max3A_67 [1, 2] : vector<1x1x10000xf32> to vector<1xf32>
    %reduce_max3A_69 = vector.shape_cast %reduce_max3A_68 : vector<1xf32> to vector<1x1x1xf32>
    %reduce_max3A_70 = vector.extract %reduce_max3A_69[0, 0, 0] : f32 from vector<1x1x1xf32>
    %sub3A_71 = vector.broadcast %reduce_max3A_70 : f32 to vector<1x10000xf32>
    %sub3A_72 = arith.subf %mul3A_63, %sub3A_71 : vector<1x10000xf32>
    %exp3A = math.exp %sub3A_72 : vector<1x10000xf32>
    %jit3A_73 = arith.constant 0.000000e+00 : f32
    %broadcast_in_dim3A_74 = vector.broadcast %jit3A_73 : f32 to vector<1x10000xf32>
    %select_n3A_75 = arith.select %or3A_62, %exp3A, %broadcast_in_dim3A_74 : vector<1x10000xi1>, vector<1x10000xf32>
    %reduce_sum3A_76 = vector.shape_cast %select_n3A_75 : vector<1x10000xf32> to vector<1x1x10000xf32>
    %reduce_sum3A_77 = arith.constant dense<0.000000e+00> : vector<1xf32>
    %reduce_sum3A_78 = vector.multi_reduction <add>, %reduce_sum3A_76, %reduce_sum3A_77 [1, 2] : vector<1x1x10000xf32> to vector<1xf32>
    %reduce_sum3A_79 = vector.shape_cast %reduce_sum3A_78 : vector<1xf32> to vector<1x1x1xf32>
    %reduce_sum3A_80 = vector.extract %reduce_sum3A_79[0, 0, 0] : f32 from vector<1x1x1xf32>
    %mul3A_81 = arith.mulf %select_n3A_75, %select_n3A : vector<1x10000xf32>
    %div3A_82 = arith.constant 1.000000e+00 : f32
    %div3A_83 = arith.divf %div3A_82, %reduce_sum3A_80 : f32
    %mul3A_84 = vector.broadcast %div3A_83 : f32 to vector<1x10000xf32>
    %mul3A_85 = arith.mulf %mul3A_81, %mul3A_84 : vector<1x10000xf32>
    %dot_general3A_86 = arith.constant dense<0.000000e+00> : vector<1x128xf32>
    %dot_general3A_87 = tpu.matmul %mul3A_85, %max3A_18, %dot_general3A_86 {dimension_numbers = #tpu.dot_dimension_numbers<[1], [0], [0], [1], [0, 0, 1, 1], [], []>, transpose_lhs_hint = false} : vector<1x10000xf32>, vector<10000x128xf32>, vector<1x128xf32> -> vector<1x128xf32>
    %swap3A = arith.constant 0 : index
    %swap3A_88 = arith.constant 0 : index
    %swap3A_89 = vector.load %arg4[%swap3A, %swap3A_88] : memref<1x128xf32, #tpu.memory_space<vmem>>, vector<1x128xf32>
    tpu.vector_store %arg4[%swap3A, %swap3A_88], %dot_general3A_87 {strides = array<i32>} : memref<1x128xf32, #tpu.memory_space<vmem>>, vector<1x128xf32>,
    return
  }
}

</mosaic_0001>

<sc_bundles>
// kernel: kernel.10.cloned.1.call-start
scs
__scs_entry_jumppad:
0x0: {  	(pc) =	sbr.rel $0x88, $3  }
0x1: {  	(tag) =	ssettag $0x0;
	lr =	simm.s32 $0x1  }
0x2: {  	[smem:$0x3F9B] =	sst lr;
	_ =	strace $0xD0000000  }
0x3: {  	_ = 	snop  }
0x4: {  	_ = 	snop  }
0x5: {  	_ = 	snop  }
0x6: {  	_ = 	snop  }
0x7: {  	_ = 	snop  }
__scs_overlays_trampoline_lowered:
0x8: {  	[smem:$0x3FAA] =	sst s0  }
0x9: {  	[smem:$0x3FAB] =	sst s1  }
0xa: {  	[smem:$0x3FAC] =	sst s2  }
0xb: {  	[smem:$0x3FAD] =	sst s3  }
0xc: {  	[smem:$0x3FAE] =	sst s4  }
0xd: {  	[smem:$0x3FAF] =	sst s5  }
0xe: {  	[smem:$0x3FB0] =	sst s6  }
0xf: {  	[smem:$0x3FB1] =	sst s7  }
0x10: {  	[smem:$0x3FB2] =	sst s8  }
0x11: {  	[smem:$0x3FB3] =	sst s9;
	s0 =	simm.s32 @!p0 $0x0  }
0x12: {  	s1 =	sld [smem:$0x3F99];
	s0 =	simm.s32 @p0 $0x1  }
0x13: {  	[smem:$0x3FB4] =	sst s0;
	s0 =	simm.s32 @!p1 $0x0  }
0x14: {  	s2 =	sld [smem:$0x3F98];
	s0 =	simm.s32 @p1 $0x1  }
0x15: {  	[smem:$0x3FB5] =	sst s0;
	s0 =	simm.s32 @!p2 $0x0  }
0x16: {  	s3 =	sld [smem:$0x3FDB];
	s0 =	simm.s32 @p2 $0x1  }
0x17: {  	s4 =	simm.s32 $0x1BF5;
	[smem:$0x3FB7] =	sst s0  }
0x18: {  	s0 =	sld [smem:$0x3F9A];
	_ =	swait.ge [sflag:s4], $0x0  }
0x19: {  	s7 =	sld [smem:$0x3F9B]  }
0x1a: {  	s8 =	sadd.s32 $0xFFFFE003, lr  }
0x1b: {  	s9 =	sadd.s32 $0xFFFFFEF7, lr;
	s5 =	simm.s32 $0xFFFFFFFF;
	p2 =	slt.u32 s8, $0xFFFFF086  }
0x1c: {  	p1 =	slt.u32 s9, $0xF7A;
	s5 =	simm.s32 @!p2 $0x0  }
0x1d: {  	s5 =	simm.s32 @p1 $0x1;
	p0 =	seq.s32 s7, s2  }
0x1e: {  	s7 =	smul.u32 @!p0 $0xF7A, s2;
	p2 =	seq.s32 @!p0 s5, $0x0  }
0x1f: {  	s9 =	smul.u32 $0xF7A, s1;
	s8 =	simm.s32 @!p0 $0x1BF5;
	p2 =	por !p2, p0  }
0x20: {  	[sflag:s8] =	ssyncset.s32 @!p0 $0xFFFFF086;
	s6 =	sadd.s32 @!p0 s3, s7;
	s7 =	simm.s32 @!p0 $0x108  }
0x21: {  	s3 =	sadd.s32 s3, s9;
	s6 =	sadd.s32 @!p0 $0x88, s6;
	s7 =	simm.s32 @p2 $0x1082  }
0x22: {  	[simem:s7], [sflag:s8] =	dma.local @!p0 [hbm:s6], $0xF7A  }
0x23: {  	s9 =	sor.u32 $0xD0000000, s2;
	s6 =	simm.s32 $0x108;
	_ =	swait.ge @!p0 [sflag:s8], $0x0  }
0x24: {  	s3 =	sadd.s32 $0x88, s3;
	s6 =	simm.s32 @!p1 $0x1082;
	[sflag:s4] =	ssyncset.s32 $0xFFFFF086  }
0x25: {  	[simem:s6], [sflag:s4] =	dma.local [hbm:s3], $0xF7A  }
0x26: {  	[smem:$0x3F9B] =	sst s1;
	(tag) =	ssettag s2;
	_ =	strace s9  }
0x27: {  	s1 =	sld [smem:$0x3FAB]  }
0x28: {  	s2 =	sld [smem:$0x3FAC]  }
0x29: {  	s4 =	sld [smem:$0x3FAE]  }
0x2a: {  	p0 =	seq.s32 s5, $0x0;
	s5 =	sld [smem:$0x3FAF]  }
0x2b: {  	s6 =	sld [smem:$0x3FB0]  }
0x2c: {  	s7 =	sld [smem:$0x3FB1]  }
0x2d: {  	s3 =	simm.s32 $0x108;
	s8 =	sld [smem:$0x3FB2]  }
0x2e: {  	s3 =	simm.s32 @!p0 $0x1082;
	s9 =	sld [smem:$0x3FB3]  }
0x2f: {  	lr =	sadd.s32 s0, s3;
	s0 =	sld [smem:$0x3FAA]  }
0x30: {  	s3 =	sld [smem:$0x3FAD]  }
0x31: {  	[smem:$0x3FB6] =	sst s10  }
0x32: {  	s10 =	sld [smem:$0x3FB4];
	_ =	sdelay $0x3  }
0x33: {  	p0 =	seq.s32 s10, $0x1;
	s10 =	sld [smem:$0x3FB6];
	_ =	sdelay $0x3  }
0x34: {  	[smem:$0x3FB6] =	sst s10  }
0x35: {  	s10 =	sld [smem:$0x3FB5];
	_ =	sdelay $0x3  }
0x36: {  	p1 =	seq.s32 s10, $0x1;
	s10 =	sld [smem:$0x3FB6];
	_ =	sdelay $0x3  }
0x37: {  	[smem:$0x3FB6] =	sst s10  }
0x38: {  	s10 =	sld [smem:$0x3FB7]  }
0x39: {  	_ = 	snop;
	(pc) =	sbr.ind lr, $3  }
0x3a: {  	_ = 	snop  }
0x3b: {  	_ = 	snop  }
0x3c: {  	p2 =	seq.s32 s10, $0x1;
	s10 =	sld [smem:$0x3FB6]  }
0x3d: {  	_ =	shalt  }
0x3e: {  	_ =	shalt  }
0x3f: {  	_ =	shalt  }
0x40: {  	_ =	shalt  }
0x41: {  	_ =	shalt  }
0x42: {  	_ =	shalt  }
0x43: {  	_ =	shalt  }
0x44: {  	_ =	shalt  }
0x45: {  	_ =	shalt  }
0x46: {  	_ =	shalt  }
0x47: {  	_ =	shalt  }
0x48: {  	_ =	shalt  }
0x49: {  	_ =	shalt  }
0x4a: {  	_ =	shalt  }
0x4b: {  	_ =	shalt  }
0x4c: {  	_ =	shalt  }
0x4d: {  	_ =	shalt  }
0x4e: {  	_ =	shalt  }
0x4f: {  	_ =	shalt  }
0x50: {  	_ =	shalt  }
0x51: {  	_ =	shalt  }
0x52: {  	_ =	shalt  }
0x53: {  	_ =	shalt  }
0x54: {  	_ =	shalt  }
0x55: {  	_ =	shalt  }
0x56: {  	_ =	shalt  }
0x57: {  	_ =	shalt  }
0x58: {  	_ =	shalt  }
0x59: {  	_ =	shalt  }
0x5a: {  	_ =	shalt  }
0x5b: {  	_ =	shalt  }
0x5c: {  	_ =	shalt  }
0x5d: {  	_ =	shalt  }
0x5e: {  	_ =	shalt  }
0x5f: {  	_ =	shalt  }
0x60: {  	_ =	shalt  }
0x61: {  	_ =	shalt  }
0x62: {  	_ =	shalt  }
0x63: {  	_ =	shalt  }
0x64: {  	_ =	shalt  }
0x65: {  	_ =	shalt  }
0x66: {  	_ =	shalt  }
0x67: {  	_ =	shalt  }
0x68: {  	_ =	shalt  }
0x69: {  	_ =	shalt  }
0x6a: {  	_ =	shalt  }
0x6b: {  	_ =	shalt  }
0x6c: {  	_ =	shalt  }
0x6d: {  	_ =	shalt  }
0x6e: {  	_ =	shalt  }
0x6f: {  	_ =	shalt  }
0x70: {  	_ =	shalt  }
0x71: {  	_ =	shalt  }
0x72: {  	_ =	shalt  }
0x73: {  	_ =	shalt  }
0x74: {  	_ =	shalt  }
0x75: {  	_ =	shalt  }
0x76: {  	_ =	shalt  }
0x77: {  	_ =	shalt  }
0x78: {  	_ =	shalt  }
0x79: {  	_ =	shalt  }
0x7a: {  	_ =	shalt  }
0x7b: {  	_ =	shalt  }
0x7c: {  	_ =	shalt  }
0x7d: {  	_ =	shalt  }
0x7e: {  	_ =	shalt  }
0x7f: {  	_ =	shalt  }
0x80: {  	_ =	shalt  }
0x81: {  	_ =	shalt  }
0x82: {  	_ =	shalt  }
0x83: {  	_ =	shalt  }
0x84: {  	_ =	shalt  }
0x85: {  	_ =	shalt  }
0x86: {  	_ =	shalt  }
0x87: {  	_ =	shalt  }
.Lfunc_end0:
.L_simem_size_0:
called_computation.1_lowered:
.L_overlay_start_0:
0x88: {  	s2 =	sld [smem:$0x3FD9]  }
0x89: {  	s3 =	sld [smem:$0x3FFE];
	_ =	sdelay $0x1  }
0x8a: {  	s1 =	srdreg.scid  }
0x8b: {  	s0 =	sand.u32 $0x1, s1  }
0x8c: {  	s16 =	sshll.u32 s0, $0xA;
	s2 =	sadd.s32 s3, s2  }
0x8d: {  	s2 =	sadd.s32 s2, s16  }
0x8e: {  	[smem:$0x3FC2] =	sst s2  }
0x8f: {  	_ = 	snop  }
0x90: {  	(tm) =	ssettm $0x1  }
0x91: {  	s17 =	sld [smem:$0x3FFB];
	_ =	sdelay $0x3  }
0x92: {  	_ =	strace s17  }
0x93: {  	s2 =	sld [smem:$0x3FFC];
	_ =	sdelay $0x3  }
0x94: {  	_ =	strace s2  }
0x95: {  	s2 =	sld [smem:$0x3FFD];
	_ =	sdelay $0x3  }
0x96: {  	_ =	strace s2  }
0x97: {  	_ =	strace $0x8FFFFFFF  }
0x98: {  	s18 =	sld [smem:$0x3FDB];
	_ =	sdelay $0x1  }
0x99: {  	s19 =	simm.s32 $_scs_section_size  }
0x9a: {  	s4 =	simm.s32 $_size__tile_overlayer_lowered;
	s5 =	simm.s32 $_tile_overlayer_lowered  }
0x9b: {  	s22 =	simm.s32 $0x1BFF;
	s21 =	sshll.u32 s5, $0x1;
	s2 =	sadd.s32 s19, s18  }
0x9c: {  	s6 =	simm.s32 $0x0;
	s20 =	sshll.u32 s4, $0x1;
	s4 =	sadd.s32 s21, s2  }
0x9d: {  	[timem:s6], [sflag:s22] =	dma.local [hbm:s4], s20  }
0x9e: {  	_ =	swait.ge [sflag:s22], s20  }
0x9f: {  	s3 =	ssub.s32 $0x0, s20;
	[sflag:s22] =	ssyncset.done $0x0  }
0xa0: {  	[sflag:s22] =	ssyncadd.s32 s3;
	_ =	sdelay $0x1  }
0xa1: {  	s23 =	simm.s32 $0x1B8B  }
0xa2: {  	_ =	swait.ge [sflag:s23], $0x1  }
0xa3: {  	[sflag:s23] =	ssyncset.done $0x0  }
0xa4: {  	s25 =	simm.s32 $0x1B8E;
	s24 =	sld [smem:$0x3FFE];
	[sflag:s23] =	ssyncadd.s32 $0xFFFFFFFF  }
0xa5: {  	s26 =	simm.s32 $execute0_lowered;
	[smem:$0x3FD2] =	sst s25  }
0xa6: {  	s4 =	sshll.u32 s26, $0x1;
	_ =	strace $0x80000049;
	[dreg:$0x1] =	wrdreg $0xFFFFFFFF  }
0xa7: {  	s28 =	simm.s32 $_size_execute0_lowered;
	s2 =	sadd.s32 s2, s4;
	[dreg:$0x0] =	wrdreg $0x0  }
0xa8: {  	s4 =	sshll.u32 s28, $0x1;
	[dreg:$0x2] =	wrdreg s2  }
0xa9: {  	[dreg:$0x3] =	wrdreg s4  }
0xaa: {  	[dreg:$0x4] =	wrdreg $0xC0  }
0xab: {  	_ =	task [dreg:s6], $0x5FFFF  }
0xac: {  	[dreg:$0x1] =	wrdreg $0xFFFFFFFF  }
0xad: {  	[dreg:$0x0] =	wrdreg $0x60  }
0xae: {  	[dreg:$0x2] =	wrdreg s24  }
0xaf: {  	[dreg:$0x3] =	wrdreg $0x11D000  }
0xb0: {  	[dreg:$0x4] =	wrdreg $0x9  }
0xb1: {  	_ =	task.clear_ibuf [dreg:s6], $0x5FFFF;
	_ =	strace $0x90000049  }
0xb2: {  	s29 =	simm.s32 $0x9;
	_ =	strace $0x8000004B  }
0xb3: {  	_ =	swait.ge [sflag:s29], $0x1  }
0xb4: {  	[sflag:s29] =	ssyncadd.s32 $0xFFFFFFFF  }
0xb5: {  	_ =	strace $0x9000004B  }
0xb6: {  	_ =	sfence  }
0xb7: {  	s30 =	sld [smem:$0x0];
	_ =	sdelay $0x2  }
0xb8: {  	s31 =	sshll.u32 s1, $0xD;
	s1 =	sshrl.u32 s1, $0x2  }
0xb9: {  	s3 =	sand.u32 $0x4000, s31;
	s1 =	sadd.s32 s1, s30  }
0xba: {  	s0 =	sor.u32 s3, s0;
	s1 =	sshll.u32 s1, $0x11  }
0xbb: {  	s0 =	sor.u32 s1, s0  }
0xbc: {  	s0 =	sadd.s32 $0x8F2B, s0  }
0xbd: {  	[sflag:s0] =	ssyncadd.remote.s32 $0x1  }
0xbe: {  	_ =	sfence.sel $0xFFFF  }
0xbf: {  	[dreg:$0x0] =	wrdreg $0xFFFFFFFF;
	(pc) =	sbr.abs _section_cstart, $3  }
0xc0: {  	[dreg:$0x1] =	wrdreg $0xFFFFFFFF  }
0xc1: {  	_ =	task.clear_ibuf [dreg:s6], $0x2FFFF;
	_ =	strace $0x9FFFFFFF  }
0xc2: {  	(tm) =	ssettm $0x7FFFFFFF  }
0xc3: {  	_ =	shalt  }
tec
execute0_lowered:
.L_overlay_start_1:
0x0: {  	(tag) =	ssettag $0x1  }
0x1: {  	s0 =	rddreg [dreg:$0x0]  }
0x2: {  	s2 =	rddreg [dreg:$0x1];
	s19 =	stileid.u32  }
0x3: {  	s3 =	simm.s32 $0x0;
	s4 =	srdreg.scid;
	s28 =	simm.s32 $0x7D  }
0x4: {  	s29 =	simm.s32 $0x80;
	s30 =	simm.s32 $0xBF40;
	s1 =	smul.u32 $0x5000, s19  }
0x5: {  	s31 =	simm.s32 $0x1;
	[smem:$0x7FF] =	sst s3;
	s6 =	smul.u32 $0x271, s19  }
0x6: {  	s5 =	sand.u32 $0x1, s4;
	s4 =	sadd.s32 $0x6C200, s0;
	s9 =	smul.u32 $0x9C40, s19  }
0x7: {  	s11 =	sadd.s32 $0x93400, s0;
	_ =	strace $0x8000004A;
	s7 =	smul.u32 $0x9C400, s5  }
0x8: {  	s8 =	ssub.s32 $0x2, s5;
	p0 =	seq.s32 s5, $0x1;
	s5 =	sshll.u32 s5, $0x6  }
0x9: {  	s1 =	sshrl.u32 s1, $0x3;
	s10 =	sshrl.u32 s8, $0x1;
	s13 =	sadd.s32 $0x7D, s6  }
0xa: {  	s23 =	sadd.s32 $0xFA, s6;
	s1 =	sadd.s32 s1, s0;
	s15 =	ssub.s32 s8, s10  }
0xb: {  	s17 =	sadd.s32 s9, s7;
	s18 =	sshll.u32 s13, $0x6;
	s24 =	sshll.u32 s23, $0x6  }
0xc: {  	s23 =	sshll.u32 s23, $0x7;
	s12 =	sadd.s32 $0x2600, s1;
	s8 =	sshrl.u32 s17, $0x3  }
0xd: {  	s20 =	sadd.s32 s7, s18;
	s1 =	sadd.s32 $0xC600, s1;
	s10 =	sadd.s32 s18, s2  }
0xe: {  	s18 =	sadd.s32 $0x177, s6;
	s25 =	sadd.s32 s7, s24;
	[dreg:$0x3] =	wrdreg s12  }
0xf: {  	s6 =	sadd.s32 $0x1F4, s6;
	[dreg:$0x4] =	wrdreg s1;
	s21 =	sadd.s32 s4, s8  }
0x10: {  	s22 =	sshrl.u32 s20, $0x3;
	s8 =	sadd.s32 s9, s2;
	s14 =	sshll.u32 s18, $0x6  }
0x11: {  	s12 =	sshrl.u32 s25, $0x3;
	s17 =	sshll.u32 s6, $0x6;
	s9 =	smul.u32 $0x13880, s19  }
0x12: {  	s19 =	sshll.u32 s13, $0x7;
	s6 =	sshll.u32 s6, $0x7;
	s13 =	simm.s32 $0x8  }
0x13: {  	[dreg:$0x5] =	wrdreg s21;
	s1 =	sadd.s32 s4, s22;
	s16 =	sadd.s32 s7, s14  }
0x14: {  	s12 =	sadd.s32 s4, s12;
	s7 =	sadd.s32 s7, s17;
	[dreg:$0x6] =	wrdreg s1  }
0x15: {  	s14 =	sadd.s32 s14, s2;
	[dreg:$0x7] =	wrdreg s12;
	s16 =	sshrl.u32 s16, $0x3  }
0x16: {  	s12 =	sadd.s32 s24, s2;
	s7 =	sshrl.u32 s7, $0x3;
	s24 =	sshll.u32 s18, $0x7  }
0x17: {  	s18 =	simm.s32 $0x0;
	s26 =	sadd.s32 s4, s16;
	s7 =	sadd.s32 s4, s7  }
0x18: {  	s16 =	sadd.s32 s17, s2;
	s17 =	sadd.s32 $0x7FA80, s0;
	s1 =	sor.u32 s5, s24  }
0x19: {  	s24 =	simm.s32 $0x9;
	[dreg:$0x9] =	wrdreg s7;
	s7 =	sor.u32 s5, s9  }
0x1a: {  	[dreg:$0x8] =	wrdreg s26;
	s9 =	sor.u32 s5, s19;
	s20 =	sshrl.u32 s7, $0x3  }
0x1b: {  	s25 =	sshrl.u32 s1, $0x3;
	s21 =	sshrl.u32 s9, $0x3;
	s0 =	sadd.s32 s11, s20  }
0x1c: {  	s1 =	simm.s32 $0x2;
	s22 =	sadd.s32 s11, s21;
	[dreg:$0xa] =	wrdreg s0  }
0x1d: {  	s7 =	simm.s32 $0x5;
	s9 =	simm.s32 $0x6;
	[dreg:$0xb] =	wrdreg s22  }
0x1e: {  	s0 =	sor.u32 s5, s23;
	s5 =	sor.u32 s5, s6;
	s23 =	smax.u32 s15, $0x1  }
.Ltmp0:
0x1f: {  	s6 =	simm.s32 $0x4;
	s15 =	simm.s32 $0x40;
	(pc) =	sbr.rel .LBB2_1-.Ltmp0, $4  }
0x20: {  	s0 =	sshrl.u32 s0, $0x3;
	s26 =	sshrl.u32 s5, $0x3;
	s5 =	simm.s32 $0x3  }
0x21: {  	s0 =	sadd.s32 s11, s0;
	s22 =	sadd.s32 s11, s26;
	s26 =	simm.s32 $0xA000  }
0x22: {  	[dreg:$0xc] =	wrdreg s0;
	s0 =	sadd.s32 s11, s25;
	s25 =	simm.s32 $0xFDC0  }
0x23: {  	s11 =	simm.s32 $0x7;
	[dreg:$0xd] =	wrdreg s0;
	s0 =	simm.s32 $0xDE80  }
.LBB2_7:
0x24: {  	[tilespmem:s25], [sflag:$0x4] =	stream.indirect.gather [hbm4b:s17+s28], $0x40, s20, s28, $0xb8;
	[tilespmem:$0x1B940] =	vst v63  }
.LBB2_8:
0x25: {  	_ =	swait.ge [sflag:s31], $0x1F40  }
0x26: {  	[sflag:s31] =	ssyncset.done $0x0  }
0x27: {  	s19 =	simm.s32 $0x9E00;
	[sflag:s31] =	ssyncadd.s32 $0xFFFFE0C0  }
0x28: {  	[spmem:s2] =	stream.indirect.scatter.add.f32 [tilespmem:s26], [sflag:$0x5], $0x40, s19, s28, $0xb8;
	[tilespmem:$0x1B940] =	vst v63  }
0x29: {  	_ =	swait.ge [sflag:s1], $0x1F40  }
0x2a: {  	[sflag:s1] =	ssyncset.done $0x0  }
0x2b: {  	s21 =	simm.s32 $0x9E80;
	[sflag:s1] =	ssyncadd.s32 $0xFFFFE0C0  }
0x2c: {  	[spmem:s2] =	stream.indirect.scatter.add.f32 [tilespmem:s30], [sflag:$0x6], $0x40, s21, s28, $0xb8;
	[tilespmem:$0x1B940] =	vst v63  }
0x2d: {  	_ =	swait.ge [sflag:s5], $0x1F40  }
0x2e: {  	[sflag:s5] =	ssyncset.done $0x0  }
0x2f: {  	s20 =	simm.s32 $0x9F00;
	[sflag:s5] =	ssyncadd.s32 $0xFFFFE0C0  }
0x30: {  	[spmem:s2] =	stream.indirect.scatter.add.f32 [tilespmem:s0], [sflag:$0x7], $0x40, s20, s28, $0xb8;
	[tilespmem:$0x1B940] =	vst v63  }
0x31: {  	_ =	swait.ge [sflag:s6], $0x1F40  }
0x32: {  	[sflag:s6] =	ssyncset.done $0x0  }
0x33: {  	s21 =	simm.s32 $0x9F80;
	[sflag:s6] =	ssyncadd.s32 $0xFFFFE0C0  }
0x34: {  	[spmem:s2] =	stream.indirect.scatter.add.f32 [tilespmem:s25], [sflag:$0x8], $0x40, s21, s28, $0xb8;
	[tilespmem:$0x1B940] =	vst v63  }
0x35: {  	_ =	swait.ge [sflag:s7], $0x1F40  }
0x36: {  	[sflag:s7] =	ssyncset.done $0x0  }
0x37: {  	[sflag:s7] =	ssyncadd.s32 $0xFFFFE0C0  }
0x38: {  	_ =	swait.ge [sflag:s9], $0x1F40  }
0x39: {  	[sflag:s9] =	ssyncset.done $0x0  }
0x3a: {  	[sflag:s9] =	ssyncadd.s32 $0xFFFFE0C0  }
0x3b: {  	_ =	swait.ge [sflag:s11], $0x1F40  }
0x3c: {  	[sflag:s11] =	ssyncset.done $0x0  }
0x3d: {  	[sflag:s11] =	ssyncadd.s32 $0xFFFFE0C0  }
0x3e: {  	_ =	swait.ge [sflag:s13], $0x1F40  }
0x3f: {  	[sflag:s13] =	ssyncset.done $0x0  }
0x40: {  	[sflag:s13] =	ssyncadd.s32 $0xFFFFE0C0  }
0x41: {  	[bflag:$0x0] =	sbarrier.arrive $0xFFFF  }
0x42: {  	[tilespmem:s26], [sflag:$0x9] =	stream.linear.gather [spmem:s8], $0x1F40, $0x38;
	[tilespmem:$0x1B940] =	vst v63  }
0x43: {  	_ =	swait.ge [sflag:s24], $0x1F40  }
0x44: {  	[sflag:s24] =	ssyncset.done $0x0  }
0x45: {  	s20 =	rddreg [dreg:$0xa];
	[sflag:s24] =	ssyncadd.s32 $0xFFFFE0C0  }
0x46: {  	[hbm4b:s20+s15] =	stream.strided.scatter [tilespmem:s26], [sflag:$0x9], $0x1F40, s29, s15, $0x38;
	[tilespmem:$0x1B940] =	vst v63  }
0x47: {  	_ =	swait.ge [sflag:s24], $0x1F40  }
0x48: {  	[sflag:s24] =	ssyncset.done $0x0  }
0x49: {  	[sflag:s24] =	ssyncadd.s32 $0xFFFFE0C0  }
0x4a: {  	[tilespmem:s26], [sflag:$0x9] =	stream.linear.gather [spmem:s10], $0x1F40, $0x38;
	[tilespmem:$0x1B940] =	vst v63  }
0x4b: {  	_ =	swait.ge [sflag:s24], $0x1F40  }
0x4c: {  	[sflag:s24] =	ssyncset.done $0x0  }
0x4d: {  	s21 =	rddreg [dreg:$0xb];
	[sflag:s24] =	ssyncadd.s32 $0xFFFFE0C0  }
0x4e: {  	[hbm4b:s21+s15] =	stream.strided.scatter [tilespmem:s26], [sflag:$0x9], $0x1F40, s29, s15, $0x38;
	[tilespmem:$0x1B940] =	vst v63  }
0x4f: {  	_ =	swait.ge [sflag:s24], $0x1F40  }
0x50: {  	[sflag:s24] =	ssyncset.done $0x0  }
0x51: {  	[sflag:s24] =	ssyncadd.s32 $0xFFFFE0C0  }
0x52: {  	[tilespmem:s26], [sflag:$0x9] =	stream.linear.gather [spmem:s12], $0x1F40, $0x38;
	[tilespmem:$0x1B940] =	vst v63  }
0x53: {  	_ =	swait.ge [sflag:s24], $0x1F40  }
0x54: {  	[sflag:s24] =	ssyncset.done $0x0  }
0x55: {  	s20 =	rddreg [dreg:$0xc];
	[sflag:s24] =	ssyncadd.s32 $0xFFFFE0C0  }
0x56: {  	[hbm4b:s20+s15] =	stream.strided.scatter [tilespmem:s26], [sflag:$0x9], $0x1F40, s29, s15, $0x38;
	[tilespmem:$0x1B940] =	vst v63  }
0x57: {  	_ =	swait.ge [sflag:s24], $0x1F40  }
0x58: {  	[sflag:s24] =	ssyncset.done $0x0  }
0x59: {  	[sflag:s24] =	ssyncadd.s32 $0xFFFFE0C0  }
0x5a: {  	[tilespmem:s26], [sflag:$0x9] =	stream.linear.gather [spmem:s14], $0x1F40, $0x38;
	[tilespmem:$0x1B940] =	vst v63  }
0x5b: {  	_ =	swait.ge [sflag:s24], $0x1F40  }
0x5c: {  	[sflag:s24] =	ssyncset.done $0x0  }
0x5d: {  	s21 =	rddreg [dreg:$0xd];
	[sflag:s24] =	ssyncadd.s32 $0xFFFFE0C0  }
0x5e: {  	[hbm4b:s21+s15] =	stream.strided.scatter [tilespmem:s26], [sflag:$0x9], $0x1F40, s29, s15, $0x38;
	[tilespmem:$0x1B940] =	vst v63  }
0x5f: {  	_ =	swait.ge [sflag:s24], $0x1F40  }
0x60: {  	[sflag:s24] =	ssyncset.done $0x0  }
0x61: {  	[sflag:s24] =	ssyncadd.s32 $0xFFFFE0C0  }
0x62: {  	[tilespmem:s26], [sflag:$0x9] =	stream.linear.gather [spmem:s16], $0x1F40, $0x38;
	[tilespmem:$0x1B940] =	vst v63  }
0x63: {  	s18 =	sadd.s32 $0x1, s18;
	_ =	swait.ge [sflag:s24], $0x1F40  }
0x64: {  	p1 =	sne.s32 s18, s23;
	[sflag:s24] =	ssyncset.done $0x0  }
.Ltmp1:
0x65: {  	[sflag:s24] =	ssyncadd.s32 $0xFFFFE0C0;
	(pc) =	sbr.rel @!p1 .LBB2_9-.Ltmp1, $4  }
0x66: {  	[hbm4b:s22+s15] =	stream.strided.scatter [tilespmem:s26], [sflag:$0x9], $0x1F40, s29, s15, $0x38;
	[tilespmem:$0x1B940] =	vst v63  }
0x67: {  	_ =	swait.ge [sflag:s24], $0x1F40  }
0x68: {  	[sflag:s24] =	ssyncset.done $0x0  }
0x69: {  	[sflag:s24] =	ssyncadd.s32 $0xFFFFE0C0  }
.LBB2_1:
0x6a: {  	s19 =	rddreg [dreg:$0x3]  }
0x6b: {  	[tilespmem:s3], [sflag:$0x9] =	stream.linear.gather [hbm4b:s19+s3], $0x5000, $0x38;
	[tilespmem:$0x1B940] =	vst v63  }
0x6c: {  	_ =	swait.ge [sflag:s24], $0x5000  }
0x6d: {  	[sflag:s24] =	ssyncset.done $0x0  }
0x6e: {  	s20 =	simm.s32 $0x5000;
	s21 =	rddreg [dreg:$0x4];
	[sflag:s24] =	ssyncadd.s32 $0xFFFFB000  }
0x6f: {  	[tilespmem:s20], [sflag:$0x9] =	stream.linear.gather [hbm4b:s21+s3], $0x5000, $0x38;
	[tilespmem:$0x1B940] =	vst v63  }
0x70: {  	_ =	swait.ge [sflag:s24], $0x5000  }
0x71: {  	[sflag:s24] =	ssyncset.done $0x0  }
0x72: {  	s21 =	rddreg [dreg:$0x5];
	[sflag:s24] =	ssyncadd.s32 $0xFFFFB000  }
0x73: {  	[tilespmem:s26], [sflag:$0x9] =	stream.linear.gather [hbm4b:s21+s3], $0x1F40, $0x38;
	[tilespmem:$0x1B940] =	vst v63  }
0x74: {  	_ =	swait.ge [sflag:s24], $0x1F40  }
0x75: {  	[sflag:s24] =	ssyncset.done $0x0  }
0x76: {  	[sflag:s24] =	ssyncadd.s32 $0xFFFFE0C0  }
0x77: {  	[spmem:s8] =	stream.linear.scatter [tilespmem:s26], [sflag:$0x9], $0x1F40, $0x38;
	[tilespmem:$0x1B940] =	vst v63  }
0x78: {  	_ =	swait.ge [sflag:s24], $0x1F40  }
0x79: {  	[sflag:s24] =	ssyncset.done $0x0  }
0x7a: {  	s20 =	rddreg [dreg:$0x6];
	[sflag:s24] =	ssyncadd.s32 $0xFFFFE0C0  }
0x7b: {  	[tilespmem:s26], [sflag:$0x9] =	stream.linear.gather [hbm4b:s20+s3], $0x1F40, $0x38;
	[tilespmem:$0x1B940] =	vst v63  }
0x7c: {  	_ =	swait.ge [sflag:s24], $0x1F40  }
0x7d: {  	[sflag:s24] =	ssyncset.done $0x0  }
0x7e: {  	[sflag:s24] =	ssyncadd.s32 $0xFFFFE0C0  }
0x7f: {  	[spmem:s10] =	stream.linear.scatter [tilespmem:s26], [sflag:$0x9], $0x1F40, $0x38;
	[tilespmem:$0x1B940] =	vst v63  }
0x80: {  	_ =	swait.ge [sflag:s24], $0x1F40  }
0x81: {  	[sflag:s24] =	ssyncset.done $0x0  }
0x82: {  	s21 =	rddreg [dreg:$0x7];
	[sflag:s24] =	ssyncadd.s32 $0xFFFFE0C0  }
0x83: {  	[tilespmem:s26], [sflag:$0x9] =	stream.linear.gather [hbm4b:s21+s3], $0x1F40, $0x38;
	[tilespmem:$0x1B940] =	vst v63  }
0x84: {  	_ =	swait.ge [sflag:s24], $0x1F40  }
0x85: {  	[sflag:s24] =	ssyncset.done $0x0  }
0x86: {  	[sflag:s24] =	ssyncadd.s32 $0xFFFFE0C0  }
0x87: {  	[spmem:s12] =	stream.linear.scatter [tilespmem:s26], [sflag:$0x9], $0x1F40, $0x38;
	[tilespmem:$0x1B940] =	vst v63  }
0x88: {  	_ =	swait.ge [sflag:s24], $0x1F40  }
0x89: {  	[sflag:s24] =	ssyncset.done $0x0  }
0x8a: {  	s20 =	rddreg [dreg:$0x8];
	[sflag:s24] =	ssyncadd.s32 $0xFFFFE0C0  }
0x8b: {  	[tilespmem:s26], [sflag:$0x9] =	stream.linear.gather [hbm4b:s20+s3], $0x1F40, $0x38;
	[tilespmem:$0x1B940] =	vst v63  }
0x8c: {  	_ =	swait.ge [sflag:s24], $0x1F40  }
0x8d: {  	[sflag:s24] =	ssyncset.done $0x0  }
0x8e: {  	[sflag:s24] =	ssyncadd.s32 $0xFFFFE0C0  }
0x8f: {  	[spmem:s14] =	stream.linear.scatter [tilespmem:s26], [sflag:$0x9], $0x1F40, $0x38;
	[tilespmem:$0x1B940] =	vst v63  }
0x90: {  	_ =	swait.ge [sflag:s24], $0x1F40  }
0x91: {  	[sflag:s24] =	ssyncset.done $0x0  }
0x92: {  	s21 =	rddreg [dreg:$0x9];
	[sflag:s24] =	ssyncadd.s32 $0xFFFFE0C0  }
0x93: {  	[tilespmem:s26], [sflag:$0x9] =	stream.linear.gather [hbm4b:s21+s3], $0x1F40, $0x38;
	[tilespmem:$0x1B940] =	vst v63  }
0x94: {  	_ =	swait.ge [sflag:s24], $0x1F40  }
0x95: {  	[sflag:s24] =	ssyncset.done $0x0  }
0x96: {  	[sflag:s24] =	ssyncadd.s32 $0xFFFFE0C0  }
0x97: {  	[spmem:s16] =	stream.linear.scatter [tilespmem:s26], [sflag:$0x9], $0x1F40, $0x38;
	[tilespmem:$0x1B940] =	vst v63  }
.Ltmp2:
0x98: {  	_ =	swait.ge [sflag:s24], $0x1F40;
	(pc) =	sbr.rel @!p0 .LBB2_2-.Ltmp2, $4  }
0x99: {  	[sflag:s24] =	ssyncset.done $0x0  }
0x9a: {  	[sflag:s24] =	ssyncadd.s32 $0xFFFFE0C0  }
0x9b: {  	[bflag:$0x0] =	sbarrier.arrive $0xFFFF  }
0x9c: {  	s19 =	simm.s32 $0x0  }
0x9d: {  	[tilespmem:s26], [sflag:$0x1] =	stream.indirect.gather [hbm4b:s17+s28], $0x40, s19, s28, $0xb8;
	[tilespmem:$0x1B940] =	vst v63  }
0x9e: {  	_ = 	snop  }
0x9f: {  	[tilespmem:s30], [sflag:$0x2] =	stream.indirect.gather [hbm4b:s17+s28], $0x40, s29, s28, $0xb8;
	[tilespmem:$0x1B940] =	vst v63  }
0xa0: {  	s21 =	simm.s32 $0x100  }
0xa1: {  	[tilespmem:s0], [sflag:$0x3] =	stream.indirect.gather [hbm4b:s17+s28], $0x40, s21, s28, $0xb8;
	[tilespmem:$0x1B940] =	vst v63  }
0xa2: {  	s20 =	simm.s32 $0x180  }
0xa3: {  	[tilespmem:s25], [sflag:$0x4] =	stream.indirect.gather [hbm4b:s17+s28], $0x40, s20, s28, $0xb8;
	[tilespmem:$0x1B940] =	vst v63  }
0xa4: {  	_ =	swait.ge [sflag:s31], $0x1F40  }
0xa5: {  	[sflag:s31] =	ssyncset.done $0x0  }
0xa6: {  	s21 =	simm.s32 $0x5000;
	[sflag:s31] =	ssyncadd.s32 $0xFFFFE0C0  }
0xa7: {  	[spmem:s2] =	stream.indirect.scatter.add.f32 [tilespmem:s26], [sflag:$0x5], $0x40, s21, s28, $0xb8;
	[tilespmem:$0x1B940] =	vst v63  }
0xa8: {  	_ =	swait.ge [sflag:s1], $0x1F40  }
0xa9: {  	[sflag:s1] =	ssyncset.done $0x0  }
0xaa: {  	s20 =	simm.s32 $0x5080;
	[sflag:s1] =	ssyncadd.s32 $0xFFFFE0C0  }
0xab: {  	[spmem:s2] =	stream.indirect.scatter.add.f32 [tilespmem:s30], [sflag:$0x6], $0x40, s20, s28, $0xb8;
	[tilespmem:$0x1B940] =	vst v63  }
0xac: {  	_ =	swait.ge [sflag:s5], $0x1F40  }
0xad: {  	[sflag:s5] =	ssyncset.done $0x0  }
0xae: {  	s21 =	simm.s32 $0x5100;
	[sflag:s5] =	ssyncadd.s32 $0xFFFFE0C0  }
0xaf: {  	[spmem:s2] =	stream.indirect.scatter.add.f32 [tilespmem:s0], [sflag:$0x7], $0x40, s21, s28, $0xb8;
	[tilespmem:$0x1B940] =	vst v63  }
0xb0: {  	_ =	swait.ge [sflag:s6], $0x1F40  }
0xb1: {  	[sflag:s6] =	ssyncset.done $0x0  }
0xb2: {  	s20 =	simm.s32 $0x5180;
	[sflag:s6] =	ssyncadd.s32 $0xFFFFE0C0  }
0xb3: {  	[spmem:s2] =	stream.indirect.scatter.add.f32 [tilespmem:s25], [sflag:$0x8], $0x40, s20, s28, $0xb8;
	[tilespmem:$0x1B940] =	vst v63  }
0xb4: {  	_ =	swait.ge [sflag:s7], $0x1F40  }
0xb5: {  	[sflag:s7] =	ssyncset.done $0x0  }
0xb6: {  	s21 =	simm.s32 $0x200;
	[sflag:s7] =	ssyncadd.s32 $0xFFFFE0C0  }
0xb7: {  	[tilespmem:s26], [sflag:$0x1] =	stream.indirect.gather [hbm4b:s17+s28], $0x40, s21, s28, $0xb8;
	[tilespmem:$0x1B940] =	vst v63  }
0xb8: {  	_ =	swait.ge [sflag:s9], $0x1F40  }
0xb9: {  	[sflag:s9] =	ssyncset.done $0x0  }
0xba: {  	s20 =	simm.s32 $0x280;
	[sflag:s9] =	ssyncadd.s32 $0xFFFFE0C0  }
0xbb: {  	[tilespmem:s30], [sflag:$0x2] =	stream.indirect.gather [hbm4b:s17+s28], $0x40, s20, s28, $0xb8;
	[tilespmem:$0x1B940] =	vst v63  }
0xbc: {  	_ =	swait.ge [sflag:s11], $0x1F40  }
0xbd: {  	[sflag:s11] =	ssyncset.done $0x0  }
0xbe: {  	s21 =	simm.s32 $0x300;
	[sflag:s11] =	ssyncadd.s32 $0xFFFFE0C0  }
0xbf: {  	[tilespmem:s0], [sflag:$0x3] =	stream.indirect.gather [hbm4b:s17+s28], $0x40, s21, s28, $0xb8;
	[tilespmem:$0x1B940] =	vst v63  }
0xc0: {  	_ =	swait.ge [sflag:s13], $0x1F40  }
0xc1: {  	[sflag:s13] =	ssyncset.done $0x0  }
0xc2: {  	s19 =	simm.s32 $0x800;
	s20 =	simm.s32 $0x380;
	[sflag:s13] =	ssyncadd.s32 $0xFFFFE0C0  }
.LBB2_6:
0xc3: {  	[tilespmem:s25], [sflag:$0x4] =	stream.indirect.gather [hbm4b:s17+s28], $0x40, s20, s28, $0xb8;
	[tilespmem:$0x1B940] =	vst v63  }
0xc4: {  	s20 =	smov.u32 s19  }
0xc5: {  	p1 =	sne.s32 s19, $0x13000;
	s19 =	sadd.s32 $0x800, s19;
	_ =	swait.ge [sflag:s31], $0x1F40  }
0xc6: {  	s20 =	sshra.s32 s20, $0x2;
	[sflag:s31] =	ssyncset.done $0x0  }
0xc7: {  	s21 =	sadd.s32 $0x5000, s20;
	[sflag:s31] =	ssyncadd.s32 $0xFFFFE0C0  }
0xc8: {  	[spmem:s2] =	stream.indirect.scatter.add.f32 [tilespmem:s26], [sflag:$0x5], $0x40, s21, s28, $0xb8;
	[tilespmem:$0x1B940] =	vst v63  }
0xc9: {  	_ =	swait.ge [sflag:s1], $0x1F40  }
0xca: {  	[sflag:s1] =	ssyncset.done $0x0  }
0xcb: {  	s21 =	sadd.s32 $0x5080, s20;
	[sflag:s1] =	ssyncadd.s32 $0xFFFFE0C0  }
0xcc: {  	[spmem:s2] =	stream.indirect.scatter.add.f32 [tilespmem:s30], [sflag:$0x6], $0x40, s21, s28, $0xb8;
	[tilespmem:$0x1B940] =	vst v63  }
0xcd: {  	_ =	swait.ge [sflag:s5], $0x1F40  }
0xce: {  	[sflag:s5] =	ssyncset.done $0x0  }
0xcf: {  	s21 =	sadd.s32 $0x5100, s20;
	[sflag:s5] =	ssyncadd.s32 $0xFFFFE0C0  }
0xd0: {  	[spmem:s2] =	stream.indirect.scatter.add.f32 [tilespmem:s0], [sflag:$0x7], $0x40, s21, s28, $0xb8;
	[tilespmem:$0x1B940] =	vst v63  }
0xd1: {  	_ =	swait.ge [sflag:s6], $0x1F40  }
0xd2: {  	[sflag:s6] =	ssyncset.done $0x0  }
0xd3: {  	s21 =	sadd.s32 $0x5180, s20;
	[sflag:s6] =	ssyncadd.s32 $0xFFFFE0C0  }
0xd4: {  	[spmem:s2] =	stream.indirect.scatter.add.f32 [tilespmem:s25], [sflag:$0x8], $0x40, s21, s28, $0xb8;
	[tilespmem:$0x1B940] =	vst v63  }
0xd5: {  	_ =	swait.ge [sflag:s7], $0x1F40  }
0xd6: {  	[sflag:s7] =	ssyncset.done $0x0  }
0xd7: {  	s21 =	sadd.s32 $0x200, s20;
	[sflag:s7] =	ssyncadd.s32 $0xFFFFE0C0  }
0xd8: {  	[tilespmem:s26], [sflag:$0x1] =	stream.indirect.gather [hbm4b:s17+s28], $0x40, s21, s28, $0xb8;
	[tilespmem:$0x1B940] =	vst v63  }
0xd9: {  	_ =	swait.ge [sflag:s9], $0x1F40  }
0xda: {  	[sflag:s9] =	ssyncset.done $0x0  }
0xdb: {  	s21 =	sadd.s32 $0x280, s20;
	[sflag:s9] =	ssyncadd.s32 $0xFFFFE0C0  }
0xdc: {  	[tilespmem:s30], [sflag:$0x2] =	stream.indirect.gather [hbm4b:s17+s28], $0x40, s21, s28, $0xb8;
	[tilespmem:$0x1B940] =	vst v63  }
0xdd: {  	_ =	swait.ge [sflag:s11], $0x1F40  }
0xde: {  	[sflag:s11] =	ssyncset.done $0x0  }
.Ltmp3:
0xdf: {  	s21 =	sadd.s32 $0x300, s20;
	[sflag:s11] =	ssyncadd.s32 $0xFFFFE0C0;
	(pc) =	sbr.rel @p1 .LBB2_6-.Ltmp3, $4  }
0xe0: {  	[tilespmem:s0], [sflag:$0x3] =	stream.indirect.gather [hbm4b:s17+s28], $0x40, s21, s28, $0xb8;
	[tilespmem:$0x1B940] =	vst v63  }
0xe1: {  	_ =	swait.ge [sflag:s13], $0x1F40  }
0xe2: {  	[sflag:s13] =	ssyncset.done $0x0  }
0xe3: {  	s20 =	sadd.s32 $0x380, s20;
	[sflag:s13] =	ssyncadd.s32 $0xFFFFE0C0  }
.Ltmp4:
0xe4: {  	_ = 	snop;
	(pc) =	sbr.rel .LBB2_7-.Ltmp4, $1  }
0xe5: {  	_ =	sdelay $0x3  }
.LBB2_2:
0xe6: {  	[tilespmem:s26], [sflag:$0x1] =	stream.indirect.gather [hbm4b:s4+s28], $0x40, s19, s28, $0xb8;
	[tilespmem:$0x1B940] =	vst v63  }
0xe7: {  	_ = 	snop  }
0xe8: {  	[tilespmem:s30], [sflag:$0x2] =	stream.indirect.gather [hbm4b:s4+s28], $0x40, s29, s28, $0xb8;
	[tilespmem:$0x1B940] =	vst v63  }
0xe9: {  	s21 =	simm.s32 $0x100  }
0xea: {  	[tilespmem:s0], [sflag:$0x3] =	stream.indirect.gather [hbm4b:s4+s28], $0x40, s21, s28, $0xb8;
	[tilespmem:$0x1B940] =	vst v63  }
0xeb: {  	s20 =	simm.s32 $0x180  }
0xec: {  	[tilespmem:s25], [sflag:$0x4] =	stream.indirect.gather [hbm4b:s4+s28], $0x40, s20, s28, $0xb8;
	[tilespmem:$0x1B940] =	vst v63  }
0xed: {  	_ =	swait.ge [sflag:s31], $0x1F40  }
0xee: {  	[sflag:s31] =	ssyncset.done $0x0  }
0xef: {  	s21 =	simm.s32 $0x5000;
	[sflag:s31] =	ssyncadd.s32 $0xFFFFE0C0  }
0xf0: {  	[spmem:s2] =	stream.indirect.scatter.add.f32 [tilespmem:s26], [sflag:$0x5], $0x40, s21, s28, $0xb8;
	[tilespmem:$0x1B940] =	vst v63  }
0xf1: {  	_ =	swait.ge [sflag:s1], $0x1F40  }
0xf2: {  	[sflag:s1] =	ssyncset.done $0x0  }
0xf3: {  	s20 =	simm.s32 $0x5080;
	[sflag:s1] =	ssyncadd.s32 $0xFFFFE0C0  }
0xf4: {  	[spmem:s2] =	stream.indirect.scatter.add.f32 [tilespmem:s30], [sflag:$0x6], $0x40, s20, s28, $0xb8;
	[tilespmem:$0x1B940] =	vst v63  }
0xf5: {  	_ =	swait.ge [sflag:s5], $0x1F40  }
0xf6: {  	[sflag:s5] =	ssyncset.done $0x0  }
0xf7: {  	s21 =	simm.s32 $0x5100;
	[sflag:s5] =	ssyncadd.s32 $0xFFFFE0C0  }
0xf8: {  	[spmem:s2] =	stream.indirect.scatter.add.f32 [tilespmem:s0], [sflag:$0x7], $0x40, s21, s28, $0xb8;
	[tilespmem:$0x1B940] =	vst v63  }
0xf9: {  	_ =	swait.ge [sflag:s6], $0x1F40  }
0xfa: {  	[sflag:s6] =	ssyncset.done $0x0  }
0xfb: {  	s20 =	simm.s32 $0x5180;
	[sflag:s6] =	ssyncadd.s32 $0xFFFFE0C0  }
0xfc: {  	[spmem:s2] =	stream.indirect.scatter.add.f32 [tilespmem:s25], [sflag:$0x8], $0x40, s20, s28, $0xb8;
	[tilespmem:$0x1B940] =	vst v63  }
0xfd: {  	_ =	swait.ge [sflag:s7], $0x1F40  }
0xfe: {  	[sflag:s7] =	ssyncset.done $0x0  }
0xff: {  	s21 =	simm.s32 $0x200;
	[sflag:s7] =	ssyncadd.s32 $0xFFFFE0C0  }
0x100: {  	[tilespmem:s26], [sflag:$0x1] =	stream.indirect.gather [hbm4b:s4+s28], $0x40, s21, s28, $0xb8;
	[tilespmem:$0x1B940] =	vst v63  }
0x101: {  	_ =	swait.ge [sflag:s9], $0x1F40  }
0x102: {  	[sflag:s9] =	ssyncset.done $0x0  }
0x103: {  	s20 =	simm.s32 $0x280;
	[sflag:s9] =	ssyncadd.s32 $0xFFFFE0C0  }
0x104: {  	[tilespmem:s30], [sflag:$0x2] =	stream.indirect.gather [hbm4b:s4+s28], $0x40, s20, s28, $0xb8;
	[tilespmem:$0x1B940] =	vst v63  }
0x105: {  	_ =	swait.ge [sflag:s11], $0x1F40  }
0x106: {  	[sflag:s11] =	ssyncset.done $0x0  }
0x107: {  	s21 =	simm.s32 $0x300;
	[sflag:s11] =	ssyncadd.s32 $0xFFFFE0C0  }
0x108: {  	[tilespmem:s0], [sflag:$0x3] =	stream.indirect.gather [hbm4b:s4+s28], $0x40, s21, s28, $0xb8;
	[tilespmem:$0x1B940] =	vst v63  }
0x109: {  	_ =	swait.ge [sflag:s13], $0x1F40  }
0x10a: {  	[sflag:s13] =	ssyncset.done $0x0  }
0x10b: {  	s19 =	simm.s32 $0x800;
	s20 =	simm.s32 $0x380;
	[sflag:s13] =	ssyncadd.s32 $0xFFFFE0C0  }
.LBB2_3:
0x10c: {  	[tilespmem:s25], [sflag:$0x4] =	stream.indirect.gather [hbm4b:s4+s28], $0x40, s20, s28, $0xb8;
	[tilespmem:$0x1B940] =	vst v63  }
0x10d: {  	s20 =	smov.u32 s19  }
0x10e: {  	p1 =	seq.s32 s19, $0x13000;
	s19 =	sadd.s32 $0x800, s19;
	_ =	swait.ge [sflag:s31], $0x1F40  }
0x10f: {  	s20 =	sshra.s32 s20, $0x2;
	[sflag:s31] =	ssyncset.done $0x0  }
0x110: {  	s21 =	sadd.s32 $0x5000, s20;
	[sflag:s31] =	ssyncadd.s32 $0xFFFFE0C0  }
0x111: {  	[spmem:s2] =	stream.indirect.scatter.add.f32 [tilespmem:s26], [sflag:$0x5], $0x40, s21, s28, $0xb8;
	[tilespmem:$0x1B940] =	vst v63  }
0x112: {  	_ =	swait.ge [sflag:s1], $0x1F40  }
0x113: {  	[sflag:s1] =	ssyncset.done $0x0  }
0x114: {  	s21 =	sadd.s32 $0x5080, s20;
	[sflag:s1] =	ssyncadd.s32 $0xFFFFE0C0  }
0x115: {  	[spmem:s2] =	stream.indirect.scatter.add.f32 [tilespmem:s30], [sflag:$0x6], $0x40, s21, s28, $0xb8;
	[tilespmem:$0x1B940] =	vst v63  }
0x116: {  	_ =	swait.ge [sflag:s5], $0x1F40  }
0x117: {  	[sflag:s5] =	ssyncset.done $0x0  }
0x118: {  	s21 =	sadd.s32 $0x5100, s20;
	[sflag:s5] =	ssyncadd.s32 $0xFFFFE0C0  }
0x119: {  	[spmem:s2] =	stream.indirect.scatter.add.f32 [tilespmem:s0], [sflag:$0x7], $0x40, s21, s28, $0xb8;
	[tilespmem:$0x1B940] =	vst v63  }
0x11a: {  	_ =	swait.ge [sflag:s6], $0x1F40  }
0x11b: {  	[sflag:s6] =	ssyncset.done $0x0  }
0x11c: {  	s21 =	sadd.s32 $0x5180, s20;
	[sflag:s6] =	ssyncadd.s32 $0xFFFFE0C0  }
0x11d: {  	[spmem:s2] =	stream.indirect.scatter.add.f32 [tilespmem:s25], [sflag:$0x8], $0x40, s21, s28, $0xb8;
	[tilespmem:$0x1B940] =	vst v63  }
0x11e: {  	_ =	swait.ge [sflag:s7], $0x1F40  }
0x11f: {  	[sflag:s7] =	ssyncset.done $0x0  }
0x120: {  	s21 =	sadd.s32 $0x200, s20;
	[sflag:s7] =	ssyncadd.s32 $0xFFFFE0C0  }
0x121: {  	[tilespmem:s26], [sflag:$0x1] =	stream.indirect.gather [hbm4b:s4+s28], $0x40, s21, s28, $0xb8;
	[tilespmem:$0x1B940] =	vst v63  }
0x122: {  	_ =	swait.ge [sflag:s9], $0x1F40  }
0x123: {  	[sflag:s9] =	ssyncset.done $0x0  }
0x124: {  	s21 =	sadd.s32 $0x280, s20;
	[sflag:s9] =	ssyncadd.s32 $0xFFFFE0C0  }
0x125: {  	[tilespmem:s30], [sflag:$0x2] =	stream.indirect.gather [hbm4b:s4+s28], $0x40, s21, s28, $0xb8;
	[tilespmem:$0x1B940] =	vst v63  }
0x126: {  	_ =	swait.ge [sflag:s11], $0x1F40  }
0x127: {  	[sflag:s11] =	ssyncset.done $0x0  }
.Ltmp5:
0x128: {  	s21 =	sadd.s32 $0x300, s20;
	[sflag:s11] =	ssyncadd.s32 $0xFFFFE0C0;
	(pc) =	sbr.rel @!p1 .LBB2_3-.Ltmp5, $4  }
0x129: {  	[tilespmem:s0], [sflag:$0x3] =	stream.indirect.gather [hbm4b:s4+s28], $0x40, s21, s28, $0xb8;
	[tilespmem:$0x1B940] =	vst v63  }
0x12a: {  	_ =	swait.ge [sflag:s13], $0x1F40  }
0x12b: {  	[sflag:s13] =	ssyncset.done $0x0  }
0x12c: {  	s20 =	sadd.s32 $0x380, s20;
	[sflag:s13] =	ssyncadd.s32 $0xFFFFE0C0  }
.Ltmp6:
0x12d: {  	(pc) =	sbr.rel .LBB2_8-.Ltmp6, $2  }
0x12e: {  	_ =	sdelay $0x2  }
0x12f: {  	[tilespmem:s25], [sflag:$0x4] =	stream.indirect.gather [hbm4b:s4+s28], $0x40, s20, s28, $0xb8;
	[tilespmem:$0x1B940] =	vst v63  }
.LBB2_9:
0x130: {  	_ =	sfence.sel $0x180000  }
0x131: {  	[bflag:$0x0] =	sbarrier.arrive $0xFFFF  }
0x132: {  	_ =	strace $0x9000004A  }
0x133: {  	s0 =	stileid.u32;
	[bflag:$0x2] =	sbarrier.arrive $0xFFFF  }
0x134: {  	p0 =	sne.s32 s0, $0x0;
	s0 =	rddreg [dreg:$0x2]  }
0x135: {  	s0 =	sadd.s32 @!p0 $0x100000, s0  }
0x136: {  	[sflag:s0] =	ssyncadd.tile.s32 @!p0 $0x1;
	_ =	shalt  }
.Lfunc_end2:
_tile_overlayer_lowered:
.L_overlay_start_2:
0x137: {  	(tag) =	ssettag $0x2  }
0x138: {  	s0 =	rddreg [dreg:$0x0];
	s2 =	stileid.u32  }
0x139: {  	s1 =	rddreg [dreg:$0x1];
	p0 =	sne.s32 s2, $0x0  }
0x13a: {  	s3 =	rddreg [dreg:$0x2];
	[bflag:$0x3] =	sbarrier.arrive $0xFFFF;
	s2 =	simm.s32 @!p0 $0x1C09  }
0x13b: {  	[timem:s3], [sflag:s2] =	dma.local @!p0 [hbm:s0], s1  }
0x13c: {  	s0 =	simm.s32 @!p0 $0x9  }
0x13d: {  	_ =	swait.ge @!p0 [sflag:s0], s1  }
0x13e: {  	s1 =	ssub.s32 @!p0 $0x0, s1;
	[sflag:s0] =	ssyncset.done @!p0 $0x0  }
0x13f: {  	[sflag:s0] =	ssyncadd.s32 @!p0 s1  }
0x140: {  	[bflag:$0x3] =	sbarrier.arrive $0xFFFF  }
0x141: {  	_ =	shalt  }

// kernel: kernel.7.cloned.1.call-start
scs
__scs_entry_jumppad:
0x0: {  	(pc) =	sbr.rel $0x88, $3  }
0x1: {  	(tag) =	ssettag $0x0;
	lr =	simm.s32 $0x1  }
0x2: {  	[smem:$0x3F9B] =	sst lr;
	_ =	strace $0xD0000000  }
0x3: {  	_ = 	snop  }
0x4: {  	_ = 	snop  }
0x5: {  	_ = 	snop  }
0x6: {  	_ = 	snop  }
0x7: {  	_ = 	snop  }
__scs_overlays_trampoline_lowered:
0x8: {  	[smem:$0x3FAA] =	sst s0  }
0x9: {  	[smem:$0x3FAB] =	sst s1  }
0xa: {  	[smem:$0x3FAC] =	sst s2  }
0xb: {  	[smem:$0x3FAD] =	sst s3  }
0xc: {  	[smem:$0x3FAE] =	sst s4  }
0xd: {  	[smem:$0x3FAF] =	sst s5  }
0xe: {  	[smem:$0x3FB0] =	sst s6  }
0xf: {  	[smem:$0x3FB1] =	sst s7  }
0x10: {  	[smem:$0x3FB2] =	sst s8  }
0x11: {  	[smem:$0x3FB3] =	sst s9;
	s0 =	simm.s32 @!p0 $0x0  }
0x12: {  	s1 =	sld [smem:$0x3F99];
	s0 =	simm.s32 @p0 $0x1  }
0x13: {  	[smem:$0x3FB4] =	sst s0;
	s0 =	simm.s32 @!p1 $0x0  }
0x14: {  	s2 =	sld [smem:$0x3F98];
	s0 =	simm.s32 @p1 $0x1  }
0x15: {  	[smem:$0x3FB5] =	sst s0;
	s0 =	simm.s32 @!p2 $0x0  }
0x16: {  	s3 =	sld [smem:$0x3FDB];
	s0 =	simm.s32 @p2 $0x1  }
0x17: {  	s4 =	simm.s32 $0x1BF5;
	[smem:$0x3FB7] =	sst s0  }
0x18: {  	s0 =	sld [smem:$0x3F9A];
	_ =	swait.ge [sflag:s4], $0x0  }
0x19: {  	s7 =	sld [smem:$0x3F9B]  }
0x1a: {  	s8 =	sadd.s32 $0xFFFFE003, lr  }
0x1b: {  	s9 =	sadd.s32 $0xFFFFFEF7, lr;
	s5 =	simm.s32 $0xFFFFFFFF;
	p2 =	slt.u32 s8, $0xFFFFF086  }
0x1c: {  	p1 =	slt.u32 s9, $0xF7A;
	s5 =	simm.s32 @!p2 $0x0  }
0x1d: {  	s5 =	simm.s32 @p1 $0x1;
	p0 =	seq.s32 s7, s2  }
0x1e: {  	s7 =	smul.u32 @!p0 $0xF7A, s2;
	p2 =	seq.s32 @!p0 s5, $0x0  }
0x1f: {  	s9 =	smul.u32 $0xF7A, s1;
	s8 =	simm.s32 @!p0 $0x1BF5;
	p2 =	por !p2, p0  }
0x20: {  	[sflag:s8] =	ssyncset.s32 @!p0 $0xFFFFF086;
	s6 =	sadd.s32 @!p0 s3, s7;
	s7 =	simm.s32 @!p0 $0x108  }
0x21: {  	s3 =	sadd.s32 s3, s9;
	s6 =	sadd.s32 @!p0 $0x88, s6;
	s7 =	simm.s32 @p2 $0x1082  }
0x22: {  	[simem:s7], [sflag:s8] =	dma.local @!p0 [hbm:s6], $0xF7A  }
0x23: {  	s9 =	sor.u32 $0xD0000000, s2;
	s6 =	simm.s32 $0x108;
	_ =	swait.ge @!p0 [sflag:s8], $0x0  }
0x24: {  	s3 =	sadd.s32 $0x88, s3;
	s6 =	simm.s32 @!p1 $0x1082;
	[sflag:s4] =	ssyncset.s32 $0xFFFFF086  }
0x25: {  	[simem:s6], [sflag:s4] =	dma.local [hbm:s3], $0xF7A  }
0x26: {  	[smem:$0x3F9B] =	sst s1;
	(tag) =	ssettag s2;
	_ =	strace s9  }
0x27: {  	s1 =	sld [smem:$0x3FAB]  }
0x28: {  	s2 =	sld [smem:$0x3FAC]  }
0x29: {  	s4 =	sld [smem:$0x3FAE]  }
0x2a: {  	p0 =	seq.s32 s5, $0x0;
	s5 =	sld [smem:$0x3FAF]  }
0x2b: {  	s6 =	sld [smem:$0x3FB0]  }
0x2c: {  	s7 =	sld [smem:$0x3FB1]  }
0x2d: {  	s3 =	simm.s32 $0x108;
	s8 =	sld [smem:$0x3FB2]  }
0x2e: {  	s3 =	simm.s32 @!p0 $0x1082;
	s9 =	sld [smem:$0x3FB3]  }
0x2f: {  	lr =	sadd.s32 s0, s3;
	s0 =	sld [smem:$0x3FAA]  }
0x30: {  	s3 =	sld [smem:$0x3FAD]  }
0x31: {  	[smem:$0x3FB6] =	sst s10  }
0x32: {  	s10 =	sld [smem:$0x3FB4];
	_ =	sdelay $0x3  }
0x33: {  	p0 =	seq.s32 s10, $0x1;
	s10 =	sld [smem:$0x3FB6];
	_ =	sdelay $0x3  }
0x34: {  	[smem:$0x3FB6] =	sst s10  }
0x35: {  	s10 =	sld [smem:$0x3FB5];
	_ =	sdelay $0x3  }
0x36: {  	p1 =	seq.s32 s10, $0x1;
	s10 =	sld [smem:$0x3FB6];
	_ =	sdelay $0x3  }
0x37: {  	[smem:$0x3FB6] =	sst s10  }
0x38: {  	s10 =	sld [smem:$0x3FB7]  }
0x39: {  	_ = 	snop;
	(pc) =	sbr.ind lr, $3  }
0x3a: {  	_ = 	snop  }
0x3b: {  	_ = 	snop  }
0x3c: {  	p2 =	seq.s32 s10, $0x1;
	s10 =	sld [smem:$0x3FB6]  }
0x3d: {  	_ =	shalt  }
0x3e: {  	_ =	shalt  }
0x3f: {  	_ =	shalt  }
0x40: {  	_ =	shalt  }
0x41: {  	_ =	shalt  }
0x42: {  	_ =	shalt  }
0x43: {  	_ =	shalt  }
0x44: {  	_ =	shalt  }
0x45: {  	_ =	shalt  }
0x46: {  	_ =	shalt  }
0x47: {  	_ =	shalt  }
0x48: {  	_ =	shalt  }
0x49: {  	_ =	shalt  }
0x4a: {  	_ =	shalt  }
0x4b: {  	_ =	shalt  }
0x4c: {  	_ =	shalt  }
0x4d: {  	_ =	shalt  }
0x4e: {  	_ =	shalt  }
0x4f: {  	_ =	shalt  }
0x50: {  	_ =	shalt  }
0x51: {  	_ =	shalt  }
0x52: {  	_ =	shalt  }
0x53: {  	_ =	shalt  }
0x54: {  	_ =	shalt  }
0x55: {  	_ =	shalt  }
0x56: {  	_ =	shalt  }
0x57: {  	_ =	shalt  }
0x58: {  	_ =	shalt  }
0x59: {  	_ =	shalt  }
0x5a: {  	_ =	shalt  }
0x5b: {  	_ =	shalt  }
0x5c: {  	_ =	shalt  }
0x5d: {  	_ =	shalt  }
0x5e: {  	_ =	shalt  }
0x5f: {  	_ =	shalt  }
0x60: {  	_ =	shalt  }
0x61: {  	_ =	shalt  }
0x62: {  	_ =	shalt  }
0x63: {  	_ =	shalt  }
0x64: {  	_ =	shalt  }
0x65: {  	_ =	shalt  }
0x66: {  	_ =	shalt  }
0x67: {  	_ =	shalt  }
0x68: {  	_ =	shalt  }
0x69: {  	_ =	shalt  }
0x6a: {  	_ =	shalt  }
0x6b: {  	_ =	shalt  }
0x6c: {  	_ =	shalt  }
0x6d: {  	_ =	shalt  }
0x6e: {  	_ =	shalt  }
0x6f: {  	_ =	shalt  }
0x70: {  	_ =	shalt  }
0x71: {  	_ =	shalt  }
0x72: {  	_ =	shalt  }
0x73: {  	_ =	shalt  }
0x74: {  	_ =	shalt  }
0x75: {  	_ =	shalt  }
0x76: {  	_ =	shalt  }
0x77: {  	_ =	shalt  }
0x78: {  	_ =	shalt  }
0x79: {  	_ =	shalt  }
0x7a: {  	_ =	shalt  }
0x7b: {  	_ =	shalt  }
0x7c: {  	_ =	shalt  }
0x7d: {  	_ =	shalt  }
0x7e: {  	_ =	shalt  }
0x7f: {  	_ =	shalt  }
0x80: {  	_ =	shalt  }
0x81: {  	_ =	shalt  }
0x82: {  	_ =	shalt  }
0x83: {  	_ =	shalt  }
0x84: {  	_ =	shalt  }
0x85: {  	_ =	shalt  }
0x86: {  	_ =	shalt  }
0x87: {  	_ =	shalt  }
.Lfunc_end0:
.L_simem_size_0:
called_computation_lowered:
.L_overlay_start_0:
0x88: {  	s2 =	sld [smem:$0x3FD9]  }
0x89: {  	s3 =	sld [smem:$0x3FFE];
	_ =	sdelay $0x1  }
0x8a: {  	s1 =	srdreg.scid  }
0x8b: {  	s0 =	sand.u32 $0x1, s1  }
0x8c: {  	s16 =	sshll.u32 s0, $0xA;
	s2 =	sadd.s32 s3, s2  }
0x8d: {  	s2 =	sadd.s32 s2, s16  }
0x8e: {  	[smem:$0x3FC2] =	sst s2  }
0x8f: {  	_ = 	snop  }
0x90: {  	(tm) =	ssettm $0x1  }
0x91: {  	s17 =	sld [smem:$0x3FFB];
	_ =	sdelay $0x3  }
0x92: {  	_ =	strace s17  }
0x93: {  	s2 =	sld [smem:$0x3FFC];
	_ =	sdelay $0x3  }
0x94: {  	_ =	strace s2  }
0x95: {  	s2 =	sld [smem:$0x3FFD];
	_ =	sdelay $0x3  }
0x96: {  	_ =	strace s2  }
0x97: {  	_ =	strace $0x8FFFFFFF  }
0x98: {  	s18 =	sld [smem:$0x3FDB];
	_ =	sdelay $0x1  }
0x99: {  	s19 =	simm.s32 $_scs_section_size  }
0x9a: {  	s4 =	simm.s32 $_size__tile_overlayer_lowered;
	s5 =	simm.s32 $_tile_overlayer_lowered  }
0x9b: {  	s22 =	simm.s32 $0x1BFF;
	s21 =	sshll.u32 s5, $0x1;
	s2 =	sadd.s32 s19, s18  }
0x9c: {  	s6 =	simm.s32 $0x0;
	s20 =	sshll.u32 s4, $0x1;
	s4 =	sadd.s32 s21, s2  }
0x9d: {  	[timem:s6], [sflag:s22] =	dma.local [hbm:s4], s20  }
0x9e: {  	_ =	swait.ge [sflag:s22], s20  }
0x9f: {  	s3 =	ssub.s32 $0x0, s20;
	[sflag:s22] =	ssyncset.done $0x0  }
0xa0: {  	[sflag:s22] =	ssyncadd.s32 s3;
	_ =	sdelay $0x1  }
0xa1: {  	s23 =	simm.s32 $0x1B8B  }
0xa2: {  	_ =	swait.ge [sflag:s23], $0x1  }
0xa3: {  	[sflag:s23] =	ssyncset.done $0x0  }
0xa4: {  	s25 =	simm.s32 $0x1B8E;
	s24 =	sld [smem:$0x3FFE];
	[sflag:s23] =	ssyncadd.s32 $0xFFFFFFFF  }
0xa5: {  	s26 =	simm.s32 $execute0_lowered;
	[smem:$0x3FD2] =	sst s25  }
0xa6: {  	s4 =	sshll.u32 s26, $0x1;
	_ =	strace $0x80000046;
	[dreg:$0x1] =	wrdreg $0xFFFFFFFF  }
0xa7: {  	s28 =	simm.s32 $_size_execute0_lowered;
	s2 =	sadd.s32 s2, s4;
	[dreg:$0x0] =	wrdreg $0x0  }
0xa8: {  	s4 =	sshll.u32 s28, $0x1;
	[dreg:$0x2] =	wrdreg s2  }
0xa9: {  	[dreg:$0x3] =	wrdreg s4  }
0xaa: {  	[dreg:$0x4] =	wrdreg $0xC0  }
0xab: {  	_ =	task [dreg:s6], $0x5FFFF  }
0xac: {  	[dreg:$0x1] =	wrdreg $0xFFFFFFFF  }
0xad: {  	[dreg:$0x0] =	wrdreg $0x60  }
0xae: {  	[dreg:$0x2] =	wrdreg s24  }
0xaf: {  	[dreg:$0x3] =	wrdreg $0x3F700  }
0xb0: {  	[dreg:$0x4] =	wrdreg $0x9  }
0xb1: {  	_ =	task.clear_ibuf [dreg:s6], $0x5FFFF;
	_ =	strace $0x90000046  }
0xb2: {  	s29 =	simm.s32 $0x9;
	_ =	strace $0x80000048  }
0xb3: {  	_ =	swait.ge [sflag:s29], $0x1  }
0xb4: {  	[sflag:s29] =	ssyncadd.s32 $0xFFFFFFFF  }
0xb5: {  	_ =	strace $0x90000048  }
0xb6: {  	_ =	sfence  }
0xb7: {  	s30 =	sld [smem:$0x0];
	_ =	sdelay $0x2  }
0xb8: {  	s31 =	sshll.u32 s1, $0xD;
	s1 =	sshrl.u32 s1, $0x2  }
0xb9: {  	s3 =	sand.u32 $0x4000, s31;
	s1 =	sadd.s32 s1, s30  }
0xba: {  	s0 =	sor.u32 s3, s0;
	s1 =	sshll.u32 s1, $0x11  }
0xbb: {  	s0 =	sor.u32 s1, s0  }
0xbc: {  	s0 =	sadd.s32 $0x8F2B, s0  }
0xbd: {  	[sflag:s0] =	ssyncadd.remote.s32 $0x1  }
0xbe: {  	_ =	sfence.sel $0xFFFF  }
0xbf: {  	[dreg:$0x0] =	wrdreg $0xFFFFFFFF;
	(pc) =	sbr.abs _section_cstart, $3  }
0xc0: {  	[dreg:$0x1] =	wrdreg $0xFFFFFFFF  }
0xc1: {  	_ =	task.clear_ibuf [dreg:s6], $0x2FFFF;
	_ =	strace $0x9FFFFFFF  }
0xc2: {  	(tm) =	ssettm $0x7FFFFFFF  }
0xc3: {  	_ =	shalt  }
tec
execute0_lowered:
.L_overlay_start_1:
0x0: {  	(tag) =	ssettag $0x1  }
0x1: {  	s1 =	srdreg.scid;
	s0 =	stileid.u32  }
0x2: {  	s6 =	rddreg [dreg:$0x0];
	s31 =	smul.u32 $0x5000, s0  }
0x3: {  	s2 =	rddreg [dreg:$0x1];
	s14 =	simm.s32 $0x1;
	s8 =	smul.u32 $0x1388, s0  }
0x4: {  	s15 =	simm.s32 $0x0;
	s5 =	sand.u32 $0x1, s1;
	s9 =	smul.u32 $0x271, s0  }
0x5: {  	s1 =	rddreg [dreg:$0x2];
	s3 =	smul.u32 $0x2800, s5;
	s10 =	ssub.s32 $0x2, s5  }
0x6: {  	s13 =	smul.u32 $0x2710, s5;
	s11 =	sshrl.u32 s8, $0x3;
	s12 =	sshrl.u32 s10, $0x1  }
0x7: {  	s9 =	sadd.s32 s9, s6;
	s4 =	sadd.s32 s3, s31;
	s3 =	simm.s32 $0x0  }
0x8: {  	s11 =	sadd.s32 s11, s6;
	s10 =	ssub.s32 s10, s12;
	s9 =	sadd.s32 s13, s9  }
0x9: {  	s12 =	simm.s32 $0x2BE8;
	s4 =	sadd.s32 $0x50000, s4;
	[smem:$0x7FF] =	sst s3  }
0xa: {  	s13 =	simm.s32 $0x7D;
	s4 =	sshrl.u32 s4, $0x3;
	_ =	strace $0x80000047  }
0xb: {  	s7 =	sadd.s32 s4, s6;
	s4 =	sadd.s32 $0x18E00, s6;
	s6 =	sadd.s32 $0x16600, s11  }
0xc: {  	s11 =	simm.s32 $0x2800;
	s5 =	sadd.s32 $0x2600, s7;
	s7 =	sadd.s32 s8, s2  }
0xd: {  	s8 =	sadd.s32 $0x19000, s9;
	s9 =	smax.u32 s10, $0x1;
	s10 =	simm.s32 $0x2  }
.LBB2_1:
0xe: {  	[tilespmem:s3], [sflag:$0x2] =	stream.linear.gather [hbm4b:s5+s3], $0x2800, $0x38;
	[tilespmem:$0x52F8] =	vst v63  }
0xf: {  	_ =	swait.ge [sflag:s10], $0x2800  }
0x10: {  	[sflag:s10] =	ssyncset.done $0x0  }
0x11: {  	[sflag:s10] =	ssyncadd.s32 $0xFFFFD800  }
0x12: {  	[tilespmem:s11], [sflag:$0x2] =	stream.linear.gather [hbm4b:s4+s3], $0x3E8, $0x38;
	[tilespmem:$0x52F8] =	vst v63  }
0x13: {  	_ =	swait.ge [sflag:s10], $0x3E8  }
0x14: {  	[sflag:s10] =	ssyncset.done $0x0  }
0x15: {  	[sflag:s10] =	ssyncadd.s32 $0xFFFFFC18  }
0x16: {  	[tilespmem:s12], [sflag:$0x2] =	stream.linear.gather [hbm4b:s6+s3], $0x1388, $0x38;
	[tilespmem:$0x52F8] =	vst v63  }
0x17: {  	_ =	swait.ge [sflag:s10], $0x1388  }
0x18: {  	[sflag:s10] =	ssyncset.done $0x0  }
0x19: {  	[sflag:s10] =	ssyncadd.s32 $0xFFFFEC78  }
0x1a: {  	[spmem:s7] =	stream.linear.scatter [tilespmem:s12], [sflag:$0x2], $0x1388, $0x38;
	[tilespmem:$0x52F8] =	vst v63  }
0x1b: {  	_ =	swait.ge [sflag:s10], $0x1388  }
0x1c: {  	[sflag:s10] =	ssyncset.done $0x0  }
0x1d: {  	[sflag:s10] =	ssyncadd.s32 $0xFFFFEC78  }
0x1e: {  	s16 =	simm.s32 $0x0;
	[bflag:$0x0] =	sbarrier.arrive $0xFFFF  }
0x1f: {  	[spmem:s2] =	stream.indirect.scatter.add.f32 [tilespmem:s11], [sflag:$0x1], $0x8, s16, s13, $0xb8;
	[tilespmem:$0x52F8] =	vst v63  }
0x20: {  	s24 =	simm.s32 $0x80  }
0x21: {  	[spmem:s2] =	stream.indirect.scatter.add.f32 [tilespmem:s11], [sflag:$0x1], $0x8, s24, s13, $0xb8;
	[tilespmem:$0x52F8] =	vst v63  }
0x22: {  	s25 =	simm.s32 $0x100  }
0x23: {  	[spmem:s2] =	stream.indirect.scatter.add.f32 [tilespmem:s11], [sflag:$0x1], $0x8, s25, s13, $0xb8;
	[tilespmem:$0x52F8] =	vst v63  }
0x24: {  	s26 =	simm.s32 $0x180  }
0x25: {  	[spmem:s2] =	stream.indirect.scatter.add.f32 [tilespmem:s11], [sflag:$0x1], $0x8, s26, s13, $0xb8;
	[tilespmem:$0x52F8] =	vst v63  }
0x26: {  	s28 =	simm.s32 $0x200  }
0x27: {  	[spmem:s2] =	stream.indirect.scatter.add.f32 [tilespmem:s11], [sflag:$0x1], $0x8, s28, s13, $0xb8;
	[tilespmem:$0x52F8] =	vst v63  }
0x28: {  	s29 =	simm.s32 $0x280  }
0x29: {  	[spmem:s2] =	stream.indirect.scatter.add.f32 [tilespmem:s11], [sflag:$0x1], $0x8, s29, s13, $0xb8;
	[tilespmem:$0x52F8] =	vst v63  }
0x2a: {  	s30 =	simm.s32 $0x300  }
0x2b: {  	[spmem:s2] =	stream.indirect.scatter.add.f32 [tilespmem:s11], [sflag:$0x1], $0x8, s30, s13, $0xb8;
	[tilespmem:$0x52F8] =	vst v63  }
0x2c: {  	s31 =	simm.s32 $0x380  }
0x2d: {  	[spmem:s2] =	stream.indirect.scatter.add.f32 [tilespmem:s11], [sflag:$0x1], $0x8, s31, s13, $0xb8;
	[tilespmem:$0x52F8] =	vst v63  }
0x2e: {  	_ =	swait.ge [sflag:s14], $0x3E8  }
0x2f: {  	[sflag:s14] =	ssyncset.done $0x0  }
0x30: {  	[sflag:s14] =	ssyncadd.s32 $0xFFFFFC18  }
0x31: {  	_ =	swait.ge [sflag:s14], $0x3E8  }
0x32: {  	[sflag:s14] =	ssyncset.done $0x0  }
0x33: {  	[sflag:s14] =	ssyncadd.s32 $0xFFFFFC18  }
0x34: {  	_ =	swait.ge [sflag:s14], $0x3E8  }
0x35: {  	[sflag:s14] =	ssyncset.done $0x0  }
0x36: {  	[sflag:s14] =	ssyncadd.s32 $0xFFFFFC18  }
0x37: {  	_ =	swait.ge [sflag:s14], $0x3E8  }
0x38: {  	[sflag:s14] =	ssyncset.done $0x0  }
0x39: {  	[sflag:s14] =	ssyncadd.s32 $0xFFFFFC18  }
0x3a: {  	_ =	swait.ge [sflag:s14], $0x3E8  }
0x3b: {  	[sflag:s14] =	ssyncset.done $0x0  }
0x3c: {  	[sflag:s14] =	ssyncadd.s32 $0xFFFFFC18  }
0x3d: {  	_ =	swait.ge [sflag:s14], $0x3E8  }
0x3e: {  	[sflag:s14] =	ssyncset.done $0x0  }
0x3f: {  	[sflag:s14] =	ssyncadd.s32 $0xFFFFFC18  }
0x40: {  	_ =	swait.ge [sflag:s14], $0x3E8  }
0x41: {  	[sflag:s14] =	ssyncset.done $0x0  }
0x42: {  	[sflag:s14] =	ssyncadd.s32 $0xFFFFFC18  }
0x43: {  	_ =	swait.ge [sflag:s14], $0x3E8  }
0x44: {  	s18 =	simm.s32 $0x2000;
	s16 =	simm.s32 $0x1000;
	[sflag:s14] =	ssyncset.done $0x0  }
.LBB2_2:
0x45: {  	s19 =	sshra.s32 s16, $0x2  }
0x46: {  	[sflag:s14] =	ssyncadd.s32 $0xFFFFFC18;
	s16 =	smov.u32 s18;
	s17 =	sadd.s32 $0x1000, s18  }
0x47: {  	[spmem:s2] =	stream.indirect.scatter.add.f32 [tilespmem:s11], [sflag:$0x1], $0x8, s19, s13, $0xb8;
	[tilespmem:$0x52F8] =	vst v63  }
0x48: {  	p0 =	sne.s32 s18, $0x9000;
	s18 =	sadd.s32 $0x80, s19  }
0x49: {  	[spmem:s2] =	stream.indirect.scatter.add.f32 [tilespmem:s11], [sflag:$0x1], $0x8, s18, s13, $0xb8;
	[tilespmem:$0x52F8] =	vst v63  }
0x4a: {  	s18 =	sadd.s32 $0x100, s19  }
0x4b: {  	[spmem:s2] =	stream.indirect.scatter.add.f32 [tilespmem:s11], [sflag:$0x1], $0x8, s18, s13, $0xb8;
	[tilespmem:$0x52F8] =	vst v63  }
0x4c: {  	s18 =	sadd.s32 $0x180, s19  }
0x4d: {  	[spmem:s2] =	stream.indirect.scatter.add.f32 [tilespmem:s11], [sflag:$0x1], $0x8, s18, s13, $0xb8;
	[tilespmem:$0x52F8] =	vst v63  }
0x4e: {  	s18 =	sadd.s32 $0x200, s19  }
0x4f: {  	[spmem:s2] =	stream.indirect.scatter.add.f32 [tilespmem:s11], [sflag:$0x1], $0x8, s18, s13, $0xb8;
	[tilespmem:$0x52F8] =	vst v63  }
0x50: {  	s18 =	sadd.s32 $0x280, s19  }
0x51: {  	[spmem:s2] =	stream.indirect.scatter.add.f32 [tilespmem:s11], [sflag:$0x1], $0x8, s18, s13, $0xb8;
	[tilespmem:$0x52F8] =	vst v63  }
0x52: {  	s18 =	sadd.s32 $0x300, s19  }
0x53: {  	[spmem:s2] =	stream.indirect.scatter.add.f32 [tilespmem:s11], [sflag:$0x1], $0x8, s18, s13, $0xb8;
	[tilespmem:$0x52F8] =	vst v63  }
0x54: {  	s18 =	sadd.s32 $0x380, s19  }
0x55: {  	[spmem:s2] =	stream.indirect.scatter.add.f32 [tilespmem:s11], [sflag:$0x1], $0x8, s18, s13, $0xb8;
	[tilespmem:$0x52F8] =	vst v63  }
0x56: {  	_ =	swait.ge [sflag:s14], $0x3E8  }
0x57: {  	[sflag:s14] =	ssyncset.done $0x0  }
0x58: {  	[sflag:s14] =	ssyncadd.s32 $0xFFFFFC18  }
0x59: {  	_ =	swait.ge [sflag:s14], $0x3E8  }
0x5a: {  	[sflag:s14] =	ssyncset.done $0x0  }
0x5b: {  	[sflag:s14] =	ssyncadd.s32 $0xFFFFFC18  }
0x5c: {  	_ =	swait.ge [sflag:s14], $0x3E8  }
0x5d: {  	[sflag:s14] =	ssyncset.done $0x0  }
0x5e: {  	[sflag:s14] =	ssyncadd.s32 $0xFFFFFC18  }
0x5f: {  	_ =	swait.ge [sflag:s14], $0x3E8  }
0x60: {  	[sflag:s14] =	ssyncset.done $0x0  }
0x61: {  	[sflag:s14] =	ssyncadd.s32 $0xFFFFFC18  }
0x62: {  	_ =	swait.ge [sflag:s14], $0x3E8  }
0x63: {  	[sflag:s14] =	ssyncset.done $0x0  }
0x64: {  	[sflag:s14] =	ssyncadd.s32 $0xFFFFFC18  }
0x65: {  	_ =	swait.ge [sflag:s14], $0x3E8  }
0x66: {  	[sflag:s14] =	ssyncset.done $0x0  }
0x67: {  	[sflag:s14] =	ssyncadd.s32 $0xFFFFFC18  }
.Ltmp0:
0x68: {  	_ =	swait.ge [sflag:s14], $0x3E8;
	(pc) =	sbr.rel @p0 .LBB2_2-.Ltmp0, $4  }
0x69: {  	[sflag:s14] =	ssyncset.done $0x0  }
0x6a: {  	[sflag:s14] =	ssyncadd.s32 $0xFFFFFC18  }
0x6b: {  	_ =	swait.ge [sflag:s14], $0x3E8  }
0x6c: {  	s18 =	smov.u32 s17;
	[sflag:s14] =	ssyncset.done $0x0  }
0x6d: {  	s16 =	sshra.s32 s16, $0x2;
	[sflag:s14] =	ssyncadd.s32 $0xFFFFFC18  }
0x6e: {  	[spmem:s2] =	stream.indirect.scatter.add.f32 [tilespmem:s11], [sflag:$0x1], $0x8, s16, s13, $0xb8;
	[tilespmem:$0x52F8] =	vst v63  }
0x6f: {  	s17 =	sadd.s32 $0x80, s16  }
0x70: {  	[spmem:s2] =	stream.indirect.scatter.add.f32 [tilespmem:s11], [sflag:$0x1], $0x8, s17, s13, $0xb8;
	[tilespmem:$0x52F8] =	vst v63  }
0x71: {  	s26 =	sadd.s32 $0x100, s16  }
0x72: {  	[spmem:s2] =	stream.indirect.scatter.add.f32 [tilespmem:s11], [sflag:$0x1], $0x8, s26, s13, $0xb8;
	[tilespmem:$0x52F8] =	vst v63  }
0x73: {  	s28 =	sadd.s32 $0x180, s16  }
0x74: {  	[spmem:s2] =	stream.indirect.scatter.add.f32 [tilespmem:s11], [sflag:$0x1], $0x8, s28, s13, $0xb8;
	[tilespmem:$0x52F8] =	vst v63  }
0x75: {  	s29 =	sadd.s32 $0x200, s16  }
0x76: {  	[spmem:s2] =	stream.indirect.scatter.add.f32 [tilespmem:s11], [sflag:$0x1], $0x8, s29, s13, $0xb8;
	[tilespmem:$0x52F8] =	vst v63  }
0x77: {  	s30 =	sadd.s32 $0x280, s16  }
0x78: {  	[spmem:s2] =	stream.indirect.scatter.add.f32 [tilespmem:s11], [sflag:$0x1], $0x8, s30, s13, $0xb8;
	[tilespmem:$0x52F8] =	vst v63  }
0x79: {  	s31 =	sadd.s32 $0x300, s16  }
0x7a: {  	[spmem:s2] =	stream.indirect.scatter.add.f32 [tilespmem:s11], [sflag:$0x1], $0x8, s31, s13, $0xb8;
	[tilespmem:$0x52F8] =	vst v63  }
0x7b: {  	s16 =	sadd.s32 $0x380, s16  }
0x7c: {  	[spmem:s2] =	stream.indirect.scatter.add.f32 [tilespmem:s11], [sflag:$0x1], $0x8, s16, s13, $0xb8;
	[tilespmem:$0x52F8] =	vst v63  }
0x7d: {  	_ =	swait.ge [sflag:s14], $0x3E8  }
0x7e: {  	[sflag:s14] =	ssyncset.done $0x0  }
0x7f: {  	[sflag:s14] =	ssyncadd.s32 $0xFFFFFC18  }
0x80: {  	_ =	swait.ge [sflag:s14], $0x3E8  }
0x81: {  	[sflag:s14] =	ssyncset.done $0x0  }
0x82: {  	[sflag:s14] =	ssyncadd.s32 $0xFFFFFC18  }
0x83: {  	_ =	swait.ge [sflag:s14], $0x3E8  }
0x84: {  	[sflag:s14] =	ssyncset.done $0x0  }
0x85: {  	[sflag:s14] =	ssyncadd.s32 $0xFFFFFC18  }
0x86: {  	_ =	swait.ge [sflag:s14], $0x3E8  }
0x87: {  	[sflag:s14] =	ssyncset.done $0x0  }
0x88: {  	[sflag:s14] =	ssyncadd.s32 $0xFFFFFC18  }
0x89: {  	_ =	swait.ge [sflag:s14], $0x3E8  }
0x8a: {  	[sflag:s14] =	ssyncset.done $0x0  }
0x8b: {  	[sflag:s14] =	ssyncadd.s32 $0xFFFFFC18  }
0x8c: {  	_ =	swait.ge [sflag:s14], $0x3E8  }
0x8d: {  	[sflag:s14] =	ssyncset.done $0x0  }
0x8e: {  	[sflag:s14] =	ssyncadd.s32 $0xFFFFFC18  }
0x8f: {  	_ =	swait.ge [sflag:s14], $0x3E8  }
0x90: {  	[sflag:s14] =	ssyncset.done $0x0  }
0x91: {  	[sflag:s14] =	ssyncadd.s32 $0xFFFFFC18  }
0x92: {  	_ =	swait.ge [sflag:s14], $0x3E8  }
0x93: {  	[sflag:s14] =	ssyncset.done $0x0  }
0x94: {  	[sflag:s14] =	ssyncadd.s32 $0xFFFFFC18  }
0x95: {  	[bflag:$0x0] =	sbarrier.arrive $0xFFFF  }
0x96: {  	[tilespmem:s12], [sflag:$0x2] =	stream.linear.gather [spmem:s7], $0x1388, $0x38;
	[tilespmem:$0x52F8] =	vst v63  }
0x97: {  	s15 =	sadd.s32 $0x1, s15;
	_ =	swait.ge [sflag:s10], $0x1388  }
0x98: {  	p0 =	sne.s32 s15, s9;
	[sflag:s10] =	ssyncset.done $0x0  }
.Ltmp1:
0x99: {  	[sflag:s10] =	ssyncadd.s32 $0xFFFFEC78;
	(pc) =	sbr.rel @p0 .LBB2_1-.Ltmp1, $4  }
0x9a: {  	[hbm4b:s8+s3] =	stream.linear.scatter [tilespmem:s12], [sflag:$0x2], $0x1388, $0x38;
	[tilespmem:$0x52F8] =	vst v63  }
0x9b: {  	_ =	swait.ge [sflag:s10], $0x1388  }
0x9c: {  	[sflag:s10] =	ssyncset.done $0x0  }
0x9d: {  	[sflag:s10] =	ssyncadd.s32 $0xFFFFEC78  }
0x9e: {  	_ =	sfence.sel $0x180000  }
0x9f: {  	[bflag:$0x0] =	sbarrier.arrive $0xFFFF  }
0xa0: {  	p0 =	sne.s32 s0, $0x0;
	_ =	strace $0x90000047  }
0xa1: {  	s0 =	sadd.s32 @!p0 $0x100000, s1;
	[bflag:$0x2] =	sbarrier.arrive $0xFFFF  }
0xa2: {  	[sflag:s0] =	ssyncadd.tile.s32 @!p0 $0x1;
	_ =	shalt  }
.Lfunc_end2:
_tile_overlayer_lowered:
.L_overlay_start_2:
0xa3: {  	(tag) =	ssettag $0x2  }
0xa4: {  	s0 =	rddreg [dreg:$0x0];
	s2 =	stileid.u32  }
0xa5: {  	s1 =	rddreg [dreg:$0x1];
	p0 =	sne.s32 s2, $0x0  }
0xa6: {  	s3 =	rddreg [dreg:$0x2];
	[bflag:$0x3] =	sbarrier.arrive $0xFFFF;
	s2 =	simm.s32 @!p0 $0x1C02  }
0xa7: {  	[timem:s3], [sflag:s2] =	dma.local @!p0 [hbm:s0], s1  }
0xa8: {  	s0 =	simm.s32 @!p0 $0x2  }
0xa9: {  	_ =	swait.ge @!p0 [sflag:s0], s1  }
0xaa: {  	s1 =	ssub.s32 @!p0 $0x0, s1;
	[sflag:s0] =	ssyncset.done @!p0 $0x0  }
0xab: {  	[sflag:s0] =	ssyncadd.s32 @!p0 s1  }
0xac: {  	[bflag:$0x3] =	sbarrier.arrive $0xFFFF  }
0xad: {  	_ =	shalt  }

</sc_bundles>
